<compile_context>
chip_gen: v7x
topology: tpu7x:2x2x1
jax: 0.10.2.dev20260603
libtpu: 0.0.44.dev20260713+nightly
codegen_flags: <defaults>
</compile_context>

<pallas_src>
import functools

import jax
import jax.numpy as jnp
from jax import lax
from jax.experimental import pallas as pl
from jax.experimental.pallas import tpu as pltpu
from jax.experimental.pallas import tpu_sc as plsc

B, T, D, H, N = 1, 2048, 768, 64, 64
TM = 128
TPAD = 2688
OFFS_W = 128


def _router_body(x_ref, rw_ref, rb_ref, pos_ref, offs_ref):
    scores = jnp.dot(x_ref[:], rw_ref[:].T,
                     preferred_element_type=jnp.float32) + rb_ref[:]
    eid = jnp.argmax(scores, axis=-1, keepdims=True).astype(jnp.int32)
    onehot = (eid == lax.broadcasted_iota(jnp.int32, (1, N), 1)).astype(jnp.int32)

    counts = jnp.sum(onehot, axis=0, keepdims=True)
    pcnt = ((counts + 7) // 8) * 8
    pincl = pcnt
    k = 1
    while k < N:
        shifted = jnp.concatenate(
            [jnp.zeros((1, k), jnp.int32), pincl[:, :-k]], axis=1)
        pincl = pincl + shifted
        k *= 2
    pexcl = pincl - pcnt

    csum = onehot
    k = 1
    while k < T:
        shifted = jnp.concatenate(
            [jnp.zeros((k, N), jnp.int32), csum[:-k, :]], axis=0)
        csum = csum + shifted
        k *= 2
    pos = jnp.sum(onehot * (pexcl + csum - 1), axis=1, keepdims=True)
    pos_ref[:] = pos.astype(jnp.int32)
    end = pincl[:, N - 1:N]
    offs_ref[:] = jnp.concatenate(
        [pexcl, jnp.broadcast_to(end, (1, OFFS_W - N))], axis=1)


EPG = 8


def _ffn_body(offs_ref, xs_ref, mag_ref, freq_ref, phase_ref,
              down_ref, nw_ref, ys_ref):
    g = pl.program_id(0)

    def chunk(r0c, je):
        xc = xs_ref[pl.ds(r0c, TM), :]
        mag = jnp.dot(xc.astype(jnp.bfloat16), mag_ref[je],
                      preferred_element_type=jnp.float32)
        freq = jnp.dot(xc, freq_ref[je],
                       preferred_element_type=jnp.float32)
        hidden = jnp.tanh(mag) * jnp.cos(
            jax.nn.softplus(freq) + 0.1 + phase_ref[je, 0])
        o = jnp.dot(hidden.astype(jnp.bfloat16), down_ref[je],
                    preferred_element_type=jnp.float32)
        var = jnp.mean(o * o, axis=-1, keepdims=True)
        ys_ref[pl.ds(r0c, TM), :] = o * lax.rsqrt(var + 1e-6) * nw_ref[:]

    for je in range(EPG):
        e = g * EPG + je
        start = offs_ref[e]
        chunk(pl.multiple_of(start, 8), je)

    for je in range(EPG):
        e = g * EPG + je
        start = offs_ref[e]
        seg = offs_ref[e + 1] - start
        nch = (seg + TM - 1) // TM

        def extra(i, carry, je=je, start=start, seg=seg):
            r0c = pl.multiple_of(start + jnp.minimum(i * TM, seg - TM), 8)
            chunk(r0c, je)
            return carry

        lax.fori_loop(1, nch, extra, 0)


def _make_sc_kernels():
    info = plsc.get_sparse_core_info()
    nc, ns = info.num_cores, info.num_subcores
    nw = nc * ns
    bpw = T // nw
    mesh = plsc.VectorSubcoreMesh(core_axis_name="c", subcore_axis_name="s")

    @functools.partial(
        pl.kernel, mesh=mesh,
        out_type=jax.ShapeDtypeStruct((TPAD, D), jnp.float32),
        scratch_types=[
            pltpu.VMEM((bpw,), jnp.int32),
            pltpu.VMEM((bpw, D), jnp.float32),
            pltpu.SemaphoreType.DMA,
            pltpu.SemaphoreType.DMA,
        ],
    )
    def dispatch(pos_hbm, x_hbm, xs_hbm, idx_v, rows_v, sem, sem2):
        wid = lax.axis_index("s") * nc + lax.axis_index("c")
        base = wid * bpw
        cp_idx = pltpu.async_copy(pos_hbm.at[pl.ds(base, bpw)], idx_v, sem)
        cp_rows = pltpu.async_copy(x_hbm.at[pl.ds(base, bpw)], rows_v, sem2)
        cp_idx.wait()
        cp_rows.wait()
        pltpu.async_copy(rows_v, xs_hbm.at[idx_v], sem).wait()

    @functools.partial(
        pl.kernel, mesh=mesh,
        out_type=jax.ShapeDtypeStruct((T, D), jnp.float32),
        scratch_types=[
            pltpu.VMEM((bpw,), jnp.int32),
            pltpu.VMEM((bpw, D), jnp.float32),
            pltpu.SemaphoreType.DMA,
        ],
    )
    def combine(pos_hbm, ys_hbm, out_hbm, idx_v, rows_v, sem):
        wid = lax.axis_index("s") * nc + lax.axis_index("c")
        base = wid * bpw
        pltpu.sync_copy(pos_hbm.at[pl.ds(base, bpw)], idx_v)
        pltpu.async_copy(ys_hbm.at[idx_v], rows_v, sem).wait()
        pltpu.sync_copy(rows_v, out_hbm.at[pl.ds(base, bpw)])

    return dispatch, combine


def _router(xf, router_W, rb):
    return pl.pallas_call(
        _router_body,
        in_specs=[
            pl.BlockSpec((T, D), lambda: (0, 0)),
            pl.BlockSpec((N, D), lambda: (0, 0)),
            pl.BlockSpec((1, N), lambda: (0, 0)),
        ],
        out_specs=[
            pl.BlockSpec((T, 1), lambda: (0, 0)),
            pl.BlockSpec((1, OFFS_W), lambda: (0, 0)),
        ],
        out_shape=[
            jax.ShapeDtypeStruct((T, 1), jnp.int32),
            jax.ShapeDtypeStruct((1, OFFS_W), jnp.int32),
        ],
    )(xf, router_W, rb)


def _ffn(offs, xs, magb, bank_freq, phase3, downb, nw):
    return pl.pallas_call(
        _ffn_body,
        grid_spec=pltpu.PrefetchScalarGridSpec(
            num_scalar_prefetch=1,
            grid=(N // EPG,),
            in_specs=[
                pl.BlockSpec((TPAD, D), lambda g, o: (0, 0)),
                pl.BlockSpec((EPG, D, H), lambda g, o: (g, 0, 0)),
                pl.BlockSpec((EPG, D, H), lambda g, o: (g, 0, 0)),
                pl.BlockSpec((EPG, 1, H), lambda g, o: (g, 0, 0)),
                pl.BlockSpec((EPG, H, D), lambda g, o: (g, 0, 0)),
                pl.BlockSpec((1, D), lambda g, o: (0, 0)),
            ],
            out_specs=pl.BlockSpec((TPAD, D), lambda g, o: (0, 0)),
        ),
        out_shape=jax.ShapeDtypeStruct((TPAD, D), jnp.float32),
    )(offs, xs, magb, bank_freq, phase3, downb, nw)


@jax.jit
def kernel(x, bank_mag, bank_freq, bank_phase, bank_down, router_W,
           router_bias, norm_weight):
    xf = x.reshape(T, D)
    phase3 = bank_phase.reshape(N, 1, H)
    rb = router_bias.reshape(1, N)
    nw = norm_weight.reshape(1, D)
    magb = bank_mag.astype(jnp.bfloat16)
    downb = bank_down.astype(jnp.bfloat16)

    pos2d, offs2d = _router(xf, router_W, rb)
    pos = pos2d.reshape(T)
    offs = offs2d.reshape(OFFS_W)

    dispatch, combine = _make_sc_kernels()
    xs = dispatch(pos, xf)
    ys = _ffn(offs, xs, magb, bank_freq, phase3, downb, nw)
    out = combine(pos, ys)
    return out.reshape(B, T, D)

# --- scband reference (transcript-rebuilt; emitter-appended) ---
"""Pipeline reference for scband-smart-mo-effn-40681930227944 (READ-ONLY COPY).

The authoritative reference and input builder live on the scoring server;
editing this copy changes nothing except your own understanding.
"""

import jax, jax.numpy as jnp
import numpy as np

B, T, D, H, N, K = 1, 2048, 768, 64, 64, 1


def setup_inputs(seed: int = 0) -> dict:
    key = jax.random.key(seed)
    ks = jax.random.split(key, 8)
    x = jax.random.normal(ks[0], (B, T, D), dtype=jnp.float32)
    # kaiming_normal fan_in, tanh gain = 5/3
    mag_std = (5.0 / 3.0) / np.sqrt(D)
    bank_mag = jax.random.normal(ks[1], (N, D, H), dtype=jnp.float32) * mag_std
    bank_freq = jax.random.uniform(ks[2], (N, D, H), dtype=jnp.float32, minval=0.5, maxval=2.0)
    bank_phase = jax.random.uniform(ks[3], (N, H), dtype=jnp.float32, minval=-0.3, maxval=0.3)
    # xavier_uniform for down: limit sqrt(6/(H+D))
    lim = np.sqrt(6.0 / (H + D))
    bank_down = jax.random.uniform(ks[4], (N, H, D), dtype=jnp.float32, minval=-lim, maxval=lim)
    router_W = jax.random.normal(ks[5], (N, D), dtype=jnp.float32) * 0.02  # torch Linear weight layout [out, in]
    router_bias = jnp.zeros((N,), dtype=jnp.float32)
    norm_weight = jnp.ones((D,), dtype=jnp.float32)
    return {
        "x": x,
        "bank_mag": bank_mag,
        "bank_freq": bank_freq,
        "bank_phase": bank_phase,
        "bank_down": bank_down,
        "router_W": router_W,
        "router_bias": router_bias,
        "norm_weight": norm_weight,
    }


def _rmsnorm(x, w, eps=1e-6):
    var = jnp.mean(x * x, axis=-1, keepdims=True)
    return x * jax.lax.rsqrt(var + eps) * w


def reference(x, bank_mag, bank_freq, bank_phase, bank_down, router_W, router_bias, norm_weight):
    b, t, d = x.shape
    scores = jnp.einsum('btd,nd->btn', x, router_W) + router_bias
    topv, topi = jax.lax.top_k(scores, K)
    weights = jax.nn.softmax(topv, axis=-1)
    flat_x = x.reshape(b * t, d)
    flat_topi = topi.reshape(b * t, K)
    flat_w = weights.reshape(b * t, K)
    out = jnp.zeros_like(x)
    for k_idx in range(K):
        bank_ids = flat_topi[:, k_idx]
        bank_weight = flat_w[:, k_idx][:, None]
        mag_w = jnp.take(bank_mag, bank_ids, axis=0)     # [bt, d, h] per-token weight gather
        freq_w = jnp.take(bank_freq, bank_ids, axis=0)
        phase = jnp.take(bank_phase, bank_ids, axis=0)
        down = jnp.take(bank_down, bank_ids, axis=0)
        mag = jnp.einsum('bd,bdh->bh', flat_x, mag_w)
        freq = jnp.einsum('bd,bdh->bh', flat_x, freq_w)
        hidden = jnp.tanh(mag) * jnp.cos(jax.nn.softplus(freq) + 0.1 + phase)
        bank_out = jnp.einsum('bh,bhd->bd', hidden, down)
        out = out + (bank_out * bank_weight).reshape(b, t, d)
    return _rmsnorm(out, norm_weight)

if __name__ == "__main__":
    import jax
    _d = setup_inputs()
    print(jax.jit(kernel)(*tuple(_d.values())))

</pallas_src>

<mosaic_0001>
#map = affine_map<(d0, d1) -> (0)>
#map1 = affine_map<(d0, d1) -> (0, 0)>
module attributes {stable_mosaic.version = 14 : i64} {
  func.func @dispatch(%arg0: i32, %arg1: i32, %arg2: memref<2048xi32, #tpu.memory_space<hbm>>, %arg3: memref<2048x768xf32, #tpu.memory_space<hbm>>, %arg4: memref<2688x768xf32, #tpu.memory_space<hbm>>, %arg5: memref<64xi32, #tpu.memory_space<vmem>>, %arg6: memref<64x768xf32, #tpu.memory_space<vmem>>, %arg7: memref<!tpu.dma_semaphore, #tpu.memory_space<semaphore_mem>>, %arg8: memref<!tpu.dma_semaphore, #tpu.memory_space<semaphore_mem>>) attributes {dimension_semantics = [#tpu.dimension_semantics<core_parallel>, #tpu.dimension_semantics<subcore_parallel>], iteration_bounds = array<i64: 2, 16>, scalar_prefetch = 0 : i64, scratch_operands = 4 : i64, tpu.core_type = #tpu.core_type<sc_vector_subcore>, window_params = [{transform_indices = #map}, {transform_indices = #map1}, {transform_indices = #map1}]} {
    %mul3A = arith.constant 2 : i32
    %mul3A_0 = arith.muli %arg1, %mul3A : i32
    %add3A = arith.addi %mul3A_0, %arg0 : i32
    %mul3A_1 = arith.constant 64 : i32
    %mul3A_2 = arith.muli %add3A, %mul3A_1 : i32
    %dma_start3A = tpu.memref_slice %arg2[%mul3A_2] : memref<2048xi32, #tpu.memory_space<hbm>> -> memref<64xi32, #tpu.memory_space<hbm>>
    %dma_start3A_3 = tpu.memref_slice %arg2[%mul3A_2] : memref<2048xi32, #tpu.memory_space<hbm>> -> memref<64xi32, #tpu.memory_space<hbm>>
    tpu.enqueue_dma source(%dma_start3A_3 : memref<64xi32, #tpu.memory_space<hbm>>) target(%arg5 : memref<64xi32, #tpu.memory_space<vmem>>) target_semaphore(%arg7 : memref<!tpu.dma_semaphore, #tpu.memory_space<semaphore_mem>>)
    %dma_start3A_4 = arith.constant 0 : i32
    %dma_start3A_5 = tpu.memref_slice %arg3[%mul3A_2, %dma_start3A_4] : memref<2048x768xf32, #tpu.memory_space<hbm>> -> memref<64x768xf32, #tpu.memory_space<hbm>>
    %dma_start3A_6 = arith.constant 0 : i32
    %dma_start3A_7 = tpu.memref_slice %arg3[%mul3A_2, %dma_start3A_6] : memref<2048x768xf32, #tpu.memory_space<hbm>> -> memref<64x768xf32, #tpu.memory_space<hbm>>
    tpu.enqueue_dma source(%dma_start3A_7 : memref<64x768xf32, #tpu.memory_space<hbm>>) target(%arg6 : memref<64x768xf32, #tpu.memory_space<vmem>>) target_semaphore(%arg8 : memref<!tpu.dma_semaphore, #tpu.memory_space<semaphore_mem>>)
    %dma_wait3A = tpu.memref_slice %arg2[%mul3A_2] : memref<2048xi32, #tpu.memory_space<hbm>> -> memref<64xi32, #tpu.memory_space<hbm>>
    %dma_wait3A_8 = tpu.memref_slice %arg2[%mul3A_2] : memref<2048xi32, #tpu.memory_space<hbm>> -> memref<64xi32, #tpu.memory_space<hbm>>
    tpu.wait_dma2 semaphore(%arg7 : memref<!tpu.dma_semaphore, #tpu.memory_space<semaphore_mem>>) src(%dma_wait3A_8 : memref<64xi32, #tpu.memory_space<hbm>>) dst(%arg5 : memref<64xi32, #tpu.memory_space<vmem>>)
    %dma_wait3A_9 = arith.constant 0 : i32
    %dma_wait3A_10 = tpu.memref_slice %arg3[%mul3A_2, %dma_wait3A_9] : memref<2048x768xf32, #tpu.memory_space<hbm>> -> memref<64x768xf32, #tpu.memory_space<hbm>>
    %dma_wait3A_11 = arith.constant 0 : i32
    %dma_wait3A_12 = tpu.memref_slice %arg3[%mul3A_2, %dma_wait3A_11] : memref<2048x768xf32, #tpu.memory_space<hbm>> -> memref<64x768xf32, #tpu.memory_space<hbm>>
    tpu.wait_dma2 semaphore(%arg8 : memref<!tpu.dma_semaphore, #tpu.memory_space<semaphore_mem>>) src(%dma_wait3A_12 : memref<64x768xf32, #tpu.memory_space<hbm>>) dst(%arg6 : memref<64x768xf32, #tpu.memory_space<vmem>>)
    %dma_start3A_13 = arith.constant 0 : i32
    %dma_start3A_14 = arith.constant 0 : i32
    %dma_start3A_15 = tpu.memref_slice %arg4[%dma_start3A_13, %dma_start3A_14] : memref<2688x768xf32, #tpu.memory_space<hbm>> -> memref<2688x768xf32, #tpu.memory_space<hbm>>
    tpu.enqueue_indirect_dma source(%arg6 : memref<64x768xf32, #tpu.memory_space<vmem>>) target(%dma_start3A_15 : memref<2688x768xf32, #tpu.memory_space<hbm>>) offsets(%arg5 : memref<64xi32, #tpu.memory_space<vmem>>) semaphore(%arg7 : memref<!tpu.dma_semaphore, #tpu.memory_space<semaphore_mem>>)
    %dma_wait3A_16 = arith.constant 0 : i32
    %dma_wait3A_17 = arith.constant 0 : i32
    %dma_wait3A_18 = tpu.memref_slice %arg4[%dma_wait3A_16, %dma_wait3A_17] : memref<2688x768xf32, #tpu.memory_space<hbm>> -> memref<2688x768xf32, #tpu.memory_space<hbm>>
    tpu.wait_indirect_dma semaphore(%arg7 : memref<!tpu.dma_semaphore, #tpu.memory_space<semaphore_mem>>) src(%arg6 : memref<64x768xf32, #tpu.memory_space<vmem>>) dst(%dma_wait3A_18 : memref<2688x768xf32, #tpu.memory_space<hbm>>)
    return
  }
}

#map = affine_map<(d0, d1) -> (0)>
#map1 = affine_map<(d0, d1) -> (0, 0)>
module attributes {stable_mosaic.version = 14 : i64} {
  func.func @combine(%arg0: i32, %arg1: i32, %arg2: memref<2048xi32, #tpu.memory_space<hbm>>, %arg3: memref<2688x768xf32, #tpu.memory_space<hbm>>, %arg4: memref<2048x768xf32, #tpu.memory_space<hbm>>, %arg5: memref<64xi32, #tpu.memory_space<vmem>>, %arg6: memref<64x768xf32, #tpu.memory_space<vmem>>, %arg7: memref<!tpu.dma_semaphore, #tpu.memory_space<semaphore_mem>>) attributes {dimension_semantics = [#tpu.dimension_semantics<core_parallel>, #tpu.dimension_semantics<subcore_parallel>], iteration_bounds = array<i64: 2, 16>, scalar_prefetch = 0 : i64, scratch_operands = 3 : i64, tpu.core_type = #tpu.core_type<sc_vector_subcore>, window_params = [{transform_indices = #map}, {transform_indices = #map1}, {transform_indices = #map1}]} {
    %mul3A = arith.constant 2 : i32
    %mul3A_0 = arith.muli %arg1, %mul3A : i32
    %add3A = arith.addi %mul3A_0, %arg0 : i32
    %mul3A_1 = arith.constant 64 : i32
    %mul3A_2 = arith.muli %add3A, %mul3A_1 : i32
    "tpu.region"() ({
      %run_scoped3A = tpu.sem_alloc : memref<!tpu.dma_semaphore, #tpu.memory_space<semaphore_mem>>
      %dma_start3A_7 = tpu.memref_slice %arg2[%mul3A_2] : memref<2048xi32, #tpu.memory_space<hbm>> -> memref<64xi32, #tpu.memory_space<hbm>>
      %dma_start3A_8 = tpu.memref_slice %arg2[%mul3A_2] : memref<2048xi32, #tpu.memory_space<hbm>> -> memref<64xi32, #tpu.memory_space<hbm>>
      tpu.enqueue_dma source(%dma_start3A_8 : memref<64xi32, #tpu.memory_space<hbm>>) target(%arg5 : memref<64xi32, #tpu.memory_space<vmem>>) target_semaphore(%run_scoped3A : memref<!tpu.dma_semaphore, #tpu.memory_space<semaphore_mem>>)
      %dma_wait3A_9 = tpu.memref_slice %arg2[%mul3A_2] : memref<2048xi32, #tpu.memory_space<hbm>> -> memref<64xi32, #tpu.memory_space<hbm>>
      %dma_wait3A_10 = tpu.memref_slice %arg2[%mul3A_2] : memref<2048xi32, #tpu.memory_space<hbm>> -> memref<64xi32, #tpu.memory_space<hbm>>
      tpu.wait_dma2 semaphore(%run_scoped3A : memref<!tpu.dma_semaphore, #tpu.memory_space<semaphore_mem>>) src(%dma_wait3A_10 : memref<64xi32, #tpu.memory_space<hbm>>) dst(%arg5 : memref<64xi32, #tpu.memory_space<vmem>>)
      tpu.yield
    }) : () -> ()
    %dma_start3A = arith.constant 0 : i32
    %dma_start3A_3 = arith.constant 0 : i32
    %dma_start3A_4 = tpu.memref_slice %arg3[%dma_start3A, %dma_start3A_3] : memref<2688x768xf32, #tpu.memory_space<hbm>> -> memref<2688x768xf32, #tpu.memory_space<hbm>>
    tpu.enqueue_indirect_dma source(%dma_start3A_4 : memref<2688x768xf32, #tpu.memory_space<hbm>>) target(%arg6 : memref<64x768xf32, #tpu.memory_space<vmem>>) offsets(%arg5 : memref<64xi32, #tpu.memory_space<vmem>>) semaphore(%arg7 : memref<!tpu.dma_semaphore, #tpu.memory_space<semaphore_mem>>)
    %dma_wait3A = arith.constant 0 : i32
    %dma_wait3A_5 = arith.constant 0 : i32
    %dma_wait3A_6 = tpu.memref_slice %arg3[%dma_wait3A, %dma_wait3A_5] : memref<2688x768xf32, #tpu.memory_space<hbm>> -> memref<2688x768xf32, #tpu.memory_space<hbm>>
    tpu.wait_indirect_dma semaphore(%arg7 : memref<!tpu.dma_semaphore, #tpu.memory_space<semaphore_mem>>) src(%dma_wait3A_6 : memref<2688x768xf32, #tpu.memory_space<hbm>>) dst(%arg6 : memref<64x768xf32, #tpu.memory_space<vmem>>)
    "tpu.region"() ({
      %run_scoped3A = tpu.sem_alloc : memref<!tpu.dma_semaphore, #tpu.memory_space<semaphore_mem>>
      %dma_start3A_7 = arith.constant 0 : i32
      %dma_start3A_8 = tpu.memref_slice %arg4[%mul3A_2, %dma_start3A_7] : memref<2048x768xf32, #tpu.memory_space<hbm>> -> memref<64x768xf32, #tpu.memory_space<hbm>>
      %dma_start3A_9 = arith.constant 0 : i32
      %dma_start3A_10 = tpu.memref_slice %arg4[%mul3A_2, %dma_start3A_9] : memref<2048x768xf32, #tpu.memory_space<hbm>> -> memref<64x768xf32, #tpu.memory_space<hbm>>
      tpu.enqueue_dma source(%arg6 : memref<64x768xf32, #tpu.memory_space<vmem>>) target(%dma_start3A_10 : memref<64x768xf32, #tpu.memory_space<hbm>>) target_semaphore(%run_scoped3A : memref<!tpu.dma_semaphore, #tpu.memory_space<semaphore_mem>>)
      %dma_wait3A_11 = arith.constant 0 : i32
      %dma_wait3A_12 = tpu.memref_slice %arg4[%mul3A_2, %dma_wait3A_11] : memref<2048x768xf32, #tpu.memory_space<hbm>> -> memref<64x768xf32, #tpu.memory_space<hbm>>
      %dma_wait3A_13 = arith.constant 0 : i32
      %dma_wait3A_14 = tpu.memref_slice %arg4[%mul3A_2, %dma_wait3A_13] : memref<2048x768xf32, #tpu.memory_space<hbm>> -> memref<64x768xf32, #tpu.memory_space<hbm>>
      tpu.wait_dma2 semaphore(%run_scoped3A : memref<!tpu.dma_semaphore, #tpu.memory_space<semaphore_mem>>) src(%arg6 : memref<64x768xf32, #tpu.memory_space<vmem>>) dst(%dma_wait3A_14 : memref<64x768xf32, #tpu.memory_space<hbm>>)
      tpu.yield
    }) : () -> ()
    return
  }
}

module attributes {stable_mosaic.version = 14 : i64} {
  func.func @_router_body(%arg0: memref<2048x768xf32, #tpu.memory_space<vmem>>, %arg1: memref<64x768xf32, #tpu.memory_space<vmem>>, %arg2: memref<1x64xf32, #tpu.memory_space<vmem>>, %arg3: memref<2048x1xi32, #tpu.memory_space<vmem>>, %arg4: memref<1x128xi32, #tpu.memory_space<vmem>>) attributes {dimension_semantics = [], scalar_prefetch = 0 : i64, scratch_operands = 0 : i64, tpu.core_type = #tpu.core_type<tc>} {
    %get3A = arith.constant 0 : index
    %get3A_0 = arith.constant 0 : index
    %get3A_1 = vector.load %arg0[%get3A, %get3A_0] : memref<2048x768xf32, #tpu.memory_space<vmem>>, vector<2048x768xf32>
    %get3A_2 = arith.constant 0 : index
    %get3A_3 = arith.constant 0 : index
    %get3A_4 = vector.load %arg1[%get3A_2, %get3A_3] : memref<64x768xf32, #tpu.memory_space<vmem>>, vector<64x768xf32>
    %transpose3A = tpu.transpose %get3A_4, [1, 0] : vector<64x768xf32> -> vector<768x64xf32>
    %dot_general3A = arith.constant dense<0.000000e+00> : vector<2048x64xf32>
    %dot_general3A_5 = tpu.matmul %get3A_1, %transpose3A, %dot_general3A {dimension_numbers = #tpu.dot_dimension_numbers<[1], [0], [0], [1], [0, 0, 1, 1], [], []>, transpose_lhs_hint = false} : vector<2048x768xf32>, vector<768x64xf32>, vector<2048x64xf32> -> vector<2048x64xf32>
    %get3A_6 = arith.constant 0 : index
    %get3A_7 = arith.constant 0 : index
    %get3A_8 = vector.load %arg2[%get3A_6, %get3A_7] : memref<1x64xf32, #tpu.memory_space<vmem>>, vector<1x64xf32>
    %add3A = vector.broadcast %get3A_8 : vector<1x64xf32> to vector<2048x64xf32>
    %add3A_9 = arith.addf %dot_general3A_5, %add3A : vector<2048x64xf32>
    %argmax3A = tpu.reduce_index %add3A_9 {axis = 1 : i32, kind = #tpu.reduction_kind<arg_max>} : vector<2048x64xf32> -> vector<2048xi32>
    %broadcast_in_dim3A = vector.shape_cast %argmax3A : vector<2048xi32> to vector<2048x1xi32>
    %iota3A = tpu.iota {dimensions = array<i32: 1>} : vector<1x64xi32>
    %eq3A = vector.broadcast %broadcast_in_dim3A : vector<2048x1xi32> to vector<2048x64xi32>
    %eq3A_10 = vector.broadcast %iota3A : vector<1x64xi32> to vector<2048x64xi32>
    %eq3A_11 = arith.cmpi eq, %eq3A, %eq3A_10 : vector<2048x64xi32>
    %convert_element_type3A = arith.extui %eq3A_11 : vector<2048x64xi1> to vector<2048x64xi32>
    %reduce_sum3A = arith.constant dense<0> : vector<64xi32>
    %reduce_sum3A_12 = vector.multi_reduction <add>, %convert_element_type3A, %reduce_sum3A [0] : vector<2048x64xi32> to vector<64xi32>
    %broadcast_in_dim3A_13 = vector.shape_cast %reduce_sum3A_12 : vector<64xi32> to vector<1x64xi32>
    %add3A_14 = arith.constant 7 : i32
    %add3A_15 = vector.broadcast %add3A_14 : i32 to vector<1x64xi32>
    %add3A_16 = arith.addi %broadcast_in_dim3A_13, %add3A_15 : vector<1x64xi32>
    %jit3A = arith.constant 8 : i32
    %div3A = vector.broadcast %jit3A : i32 to vector<1x64xi32>
    %div3A_17 = arith.divsi %add3A_16, %div3A : vector<1x64xi32>
    %sign3A = arith.constant 0 : i32
    %sign3A_18 = vector.broadcast %sign3A : i32 to vector<1x64xi32>
    %sign3A_19 = arith.cmpi sgt, %add3A_16, %sign3A_18 : vector<1x64xi32>
    %sign3A_20 = arith.extui %sign3A_19 : vector<1x64xi1> to vector<1x64xi32>
    %sign3A_21 = arith.constant 0 : i32
    %sign3A_22 = vector.broadcast %sign3A_21 : i32 to vector<1x64xi32>
    %sign3A_23 = arith.cmpi slt, %add3A_16, %sign3A_22 : vector<1x64xi32>
    %sign3A_24 = arith.extui %sign3A_23 : vector<1x64xi1> to vector<1x64xi32>
    %sign3A_25 = arith.subi %sign3A_20, %sign3A_24 : vector<1x64xi32>
    %sign3A_26 = arith.constant 0 : i32
    %sign3A_27 = arith.cmpi sgt, %jit3A, %sign3A_26 : i32
    %sign3A_28 = arith.extui %sign3A_27 : i1 to i32
    %sign3A_29 = arith.constant 0 : i32
    %sign3A_30 = arith.cmpi slt, %jit3A, %sign3A_29 : i32
    %sign3A_31 = arith.extui %sign3A_30 : i1 to i32
    %sign3A_32 = arith.subi %sign3A_28, %sign3A_31 : i32
    %ne3A = vector.broadcast %sign3A_32 : i32 to vector<1x64xi32>
    %ne3A_33 = arith.cmpi ne, %sign3A_25, %ne3A : vector<1x64xi32>
    %rem3A = vector.broadcast %jit3A : i32 to vector<1x64xi32>
    %rem3A_34 = arith.remsi %add3A_16, %rem3A : vector<1x64xi32>
    %ne3A_35 = arith.constant 0 : i32
    %ne3A_36 = vector.broadcast %ne3A_35 : i32 to vector<1x64xi32>
    %ne3A_37 = arith.cmpi ne, %rem3A_34, %ne3A_36 : vector<1x64xi32>
    %and3A = arith.andi %ne3A_33, %ne3A_37 : vector<1x64xi1>
    %sub3A = arith.constant 1 : i32
    %sub3A_38 = vector.broadcast %sub3A : i32 to vector<1x64xi32>
    %sub3A_39 = arith.subi %div3A_17, %sub3A_38 : vector<1x64xi32>
    %select_n3A = arith.select %and3A, %sub3A_39, %div3A_17 : vector<1x64xi1>, vector<1x64xi32>
    %mul3A = arith.constant 8 : i32
    %mul3A_40 = vector.broadcast %mul3A : i32 to vector<1x64xi32>
    %mul3A_41 = arith.muli %select_n3A, %mul3A_40 : vector<1x64xi32>
    %broadcast_in_dim3A_42 = arith.constant 0 : i32
    %broadcast_in_dim3A_43 = vector.broadcast %broadcast_in_dim3A_42 : i32 to vector<1x1xi32>
    %slice3A = vector.extract_strided_slice %mul3A_41 {offsets = [0, 0], sizes = [1, 63], strides = [1, 1]} : vector<1x64xi32> to vector<1x63xi32>
    %concatenate3A = tpu.concatenate %broadcast_in_dim3A_43, %slice3A in 1 : vector<1x1xi32>, vector<1x63xi32> -> vector<1x64xi32>
    %add3A_44 = arith.addi %mul3A_41, %concatenate3A : vector<1x64xi32>
    %broadcast_in_dim3A_45 = arith.constant 0 : i32
    %broadcast_in_dim3A_46 = vector.broadcast %broadcast_in_dim3A_45 : i32 to vector<1x2xi32>
    %slice3A_47 = vector.extract_strided_slice %add3A_44 {offsets = [0, 0], sizes = [1, 62], strides = [1, 1]} : vector<1x64xi32> to vector<1x62xi32>
    %concatenate3A_48 = tpu.concatenate %broadcast_in_dim3A_46, %slice3A_47 in 1 : vector<1x2xi32>, vector<1x62xi32> -> vector<1x64xi32>
    %add3A_49 = arith.addi %add3A_44, %concatenate3A_48 : vector<1x64xi32>
    %broadcast_in_dim3A_50 = arith.constant 0 : i32
    %broadcast_in_dim3A_51 = vector.broadcast %broadcast_in_dim3A_50 : i32 to vector<1x4xi32>
    %slice3A_52 = vector.extract_strided_slice %add3A_49 {offsets = [0, 0], sizes = [1, 60], strides = [1, 1]} : vector<1x64xi32> to vector<1x60xi32>
    %concatenate3A_53 = tpu.concatenate %broadcast_in_dim3A_51, %slice3A_52 in 1 : vector<1x4xi32>, vector<1x60xi32> -> vector<1x64xi32>
    %add3A_54 = arith.addi %add3A_49, %concatenate3A_53 : vector<1x64xi32>
    %broadcast_in_dim3A_55 = arith.constant 0 : i32
    %broadcast_in_dim3A_56 = vector.broadcast %broadcast_in_dim3A_55 : i32 to vector<1x8xi32>
    %slice3A_57 = vector.extract_strided_slice %add3A_54 {offsets = [0, 0], sizes = [1, 56], strides = [1, 1]} : vector<1x64xi32> to vector<1x56xi32>
    %concatenate3A_58 = tpu.concatenate %broadcast_in_dim3A_56, %slice3A_57 in 1 : vector<1x8xi32>, vector<1x56xi32> -> vector<1x64xi32>
    %add3A_59 = arith.addi %add3A_54, %concatenate3A_58 : vector<1x64xi32>
    %broadcast_in_dim3A_60 = arith.constant 0 : i32
    %broadcast_in_dim3A_61 = vector.broadcast %broadcast_in_dim3A_60 : i32 to vector<1x16xi32>
    %slice3A_62 = vector.extract_strided_slice %add3A_59 {offsets = [0, 0], sizes = [1, 48], strides = [1, 1]} : vector<1x64xi32> to vector<1x48xi32>
    %concatenate3A_63 = tpu.concatenate %broadcast_in_dim3A_61, %slice3A_62 in 1 : vector<1x16xi32>, vector<1x48xi32> -> vector<1x64xi32>
    %add3A_64 = arith.addi %add3A_59, %concatenate3A_63 : vector<1x64xi32>
    %broadcast_in_dim3A_65 = arith.constant 0 : i32
    %broadcast_in_dim3A_66 = vector.broadcast %broadcast_in_dim3A_65 : i32 to vector<1x32xi32>
    %slice3A_67 = vector.extract_strided_slice %add3A_64 {offsets = [0, 0], sizes = [1, 32], strides = [1, 1]} : vector<1x64xi32> to vector<1x32xi32>
    %concatenate3A_68 = tpu.concatenate %broadcast_in_dim3A_66, %slice3A_67 in 1 : vector<1x32xi32>, vector<1x32xi32> -> vector<1x64xi32>
    %add3A_69 = arith.addi %add3A_64, %concatenate3A_68 : vector<1x64xi32>
    %sub3A_70 = arith.subi %add3A_69, %mul3A_41 : vector<1x64xi32>
    %broadcast_in_dim3A_71 = arith.constant 0 : i32
    %broadcast_in_dim3A_72 = vector.broadcast %broadcast_in_dim3A_71 : i32 to vector<1x64xi32>
    %slice3A_73 = vector.extract_strided_slice %convert_element_type3A {offsets = [0, 0], sizes = [2047, 64], strides = [1, 1]} : vector<2048x64xi32> to vector<2047x64xi32>
    %concatenate3A_74 = tpu.concatenate %broadcast_in_dim3A_72, %slice3A_73 in 0 : vector<1x64xi32>, vector<2047x64xi32> -> vector<2048x64xi32>
    %add3A_75 = arith.addi %convert_element_type3A, %concatenate3A_74 : vector<2048x64xi32>
    %broadcast_in_dim3A_76 = arith.constant 0 : i32
    %broadcast_in_dim3A_77 = vector.broadcast %broadcast_in_dim3A_76 : i32 to vector<2x64xi32>
    %slice3A_78 = vector.extract_strided_slice %add3A_75 {offsets = [0, 0], sizes = [2046, 64], strides = [1, 1]} : vector<2048x64xi32> to vector<2046x64xi32>
    %concatenate3A_79 = tpu.concatenate %broadcast_in_dim3A_77, %slice3A_78 in 0 : vector<2x64xi32>, vector<2046x64xi32> -> vector<2048x64xi32>
    %add3A_80 = arith.addi %add3A_75, %concatenate3A_79 : vector<2048x64xi32>
    %broadcast_in_dim3A_81 = arith.constant 0 : i32
    %broadcast_in_dim3A_82 = vector.broadcast %broadcast_in_dim3A_81 : i32 to vector<4x64xi32>
    %slice3A_83 = vector.extract_strided_slice %add3A_80 {offsets = [0, 0], sizes = [2044, 64], strides = [1, 1]} : vector<2048x64xi32> to vector<2044x64xi32>
    %concatenate3A_84 = tpu.concatenate %broadcast_in_dim3A_82, %slice3A_83 in 0 : vector<4x64xi32>, vector<2044x64xi32> -> vector<2048x64xi32>
    %add3A_85 = arith.addi %add3A_80, %concatenate3A_84 : vector<2048x64xi32>
    %broadcast_in_dim3A_86 = arith.constant 0 : i32
    %broadcast_in_dim3A_87 = vector.broadcast %broadcast_in_dim3A_86 : i32 to vector<8x64xi32>
    %slice3A_88 = vector.extract_strided_slice %add3A_85 {offsets = [0, 0], sizes = [2040, 64], strides = [1, 1]} : vector<2048x64xi32> to vector<2040x64xi32>
    %concatenate3A_89 = tpu.concatenate %broadcast_in_dim3A_87, %slice3A_88 in 0 : vector<8x64xi32>, vector<2040x64xi32> -> vector<2048x64xi32>
    %add3A_90 = arith.addi %add3A_85, %concatenate3A_89 : vector<2048x64xi32>
    %broadcast_in_dim3A_91 = arith.constant 0 : i32
    %broadcast_in_dim3A_92 = vector.broadcast %broadcast_in_dim3A_91 : i32 to vector<16x64xi32>
    %slice3A_93 = vector.extract_strided_slice %add3A_90 {offsets = [0, 0], sizes = [2032, 64], strides = [1, 1]} : vector<2048x64xi32> to vector<2032x64xi32>
    %concatenate3A_94 = tpu.concatenate %broadcast_in_dim3A_92, %slice3A_93 in 0 : vector<16x64xi32>, vector<2032x64xi32> -> vector<2048x64xi32>
    %add3A_95 = arith.addi %add3A_90, %concatenate3A_94 : vector<2048x64xi32>
    %broadcast_in_dim3A_96 = arith.constant 0 : i32
    %broadcast_in_dim3A_97 = vector.broadcast %broadcast_in_dim3A_96 : i32 to vector<32x64xi32>
    %slice3A_98 = vector.extract_strided_slice %add3A_95 {offsets = [0, 0], sizes = [2016, 64], strides = [1, 1]} : vector<2048x64xi32> to vector<2016x64xi32>
    %concatenate3A_99 = tpu.concatenate %broadcast_in_dim3A_97, %slice3A_98 in 0 : vector<32x64xi32>, vector<2016x64xi32> -> vector<2048x64xi32>
    %add3A_100 = arith.addi %add3A_95, %concatenate3A_99 : vector<2048x64xi32>
    %broadcast_in_dim3A_101 = arith.constant 0 : i32
    %broadcast_in_dim3A_102 = vector.broadcast %broadcast_in_dim3A_101 : i32 to vector<64x64xi32>
    %slice3A_103 = vector.extract_strided_slice %add3A_100 {offsets = [0, 0], sizes = [1984, 64], strides = [1, 1]} : vector<2048x64xi32> to vector<1984x64xi32>
    %concatenate3A_104 = tpu.concatenate %broadcast_in_dim3A_102, %slice3A_103 in 0 : vector<64x64xi32>, vector<1984x64xi32> -> vector<2048x64xi32>
    %add3A_105 = arith.addi %add3A_100, %concatenate3A_104 : vector<2048x64xi32>
    %broadcast_in_dim3A_106 = arith.constant 0 : i32
    %broadcast_in_dim3A_107 = vector.broadcast %broadcast_in_dim3A_106 : i32 to vector<128x64xi32>
    %slice3A_108 = vector.extract_strided_slice %add3A_105 {offsets = [0, 0], sizes = [1920, 64], strides = [1, 1]} : vector<2048x64xi32> to vector<1920x64xi32>
    %concatenate3A_109 = tpu.concatenate %broadcast_in_dim3A_107, %slice3A_108 in 0 : vector<128x64xi32>, vector<1920x64xi32> -> vector<2048x64xi32>
    %add3A_110 = arith.addi %add3A_105, %concatenate3A_109 : vector<2048x64xi32>
    %broadcast_in_dim3A_111 = arith.constant 0 : i32
    %broadcast_in_dim3A_112 = vector.broadcast %broadcast_in_dim3A_111 : i32 to vector<256x64xi32>
    %slice3A_113 = vector.extract_strided_slice %add3A_110 {offsets = [0, 0], sizes = [1792, 64], strides = [1, 1]} : vector<2048x64xi32> to vector<1792x64xi32>
    %concatenate3A_114 = tpu.concatenate %broadcast_in_dim3A_112, %slice3A_113 in 0 : vector<256x64xi32>, vector<1792x64xi32> -> vector<2048x64xi32>
    %add3A_115 = arith.addi %add3A_110, %concatenate3A_114 : vector<2048x64xi32>
    %broadcast_in_dim3A_116 = arith.constant 0 : i32
    %broadcast_in_dim3A_117 = vector.broadcast %broadcast_in_dim3A_116 : i32 to vector<512x64xi32>
    %slice3A_118 = vector.extract_strided_slice %add3A_115 {offsets = [0, 0], sizes = [1536, 64], strides = [1, 1]} : vector<2048x64xi32> to vector<1536x64xi32>
    %concatenate3A_119 = tpu.concatenate %broadcast_in_dim3A_117, %slice3A_118 in 0 : vector<512x64xi32>, vector<1536x64xi32> -> vector<2048x64xi32>
    %add3A_120 = arith.addi %add3A_115, %concatenate3A_119 : vector<2048x64xi32>
    %broadcast_in_dim3A_121 = arith.constant 0 : i32
    %broadcast_in_dim3A_122 = vector.broadcast %broadcast_in_dim3A_121 : i32 to vector<1024x64xi32>
    %slice3A_123 = vector.extract_strided_slice %add3A_120 {offsets = [0, 0], sizes = [1024, 64], strides = [1, 1]} : vector<2048x64xi32> to vector<1024x64xi32>
    %concatenate3A_124 = tpu.concatenate %broadcast_in_dim3A_122, %slice3A_123 in 0 : vector<1024x64xi32>, vector<1024x64xi32> -> vector<2048x64xi32>
    %add3A_125 = arith.addi %add3A_120, %concatenate3A_124 : vector<2048x64xi32>
    %add3A_126 = vector.broadcast %sub3A_70 : vector<1x64xi32> to vector<2048x64xi32>
    %add3A_127 = arith.addi %add3A_126, %add3A_125 : vector<2048x64xi32>
    %sub3A_128 = arith.constant 1 : i32
    %sub3A_129 = vector.broadcast %sub3A_128 : i32 to vector<2048x64xi32>
    %sub3A_130 = arith.subi %add3A_127, %sub3A_129 : vector<2048x64xi32>
    %mul3A_131 = arith.muli %convert_element_type3A, %sub3A_130 : vector<2048x64xi32>
    %reduce_sum3A_132 = arith.constant dense<0> : vector<2048xi32>
    %reduce_sum3A_133 = vector.multi_reduction <add>, %mul3A_131, %reduce_sum3A_132 [1] : vector<2048x64xi32> to vector<2048xi32>
    %broadcast_in_dim3A_134 = vector.shape_cast %reduce_sum3A_133 : vector<2048xi32> to vector<2048x1xi32>
    %swap3A = arith.constant 0 : index
    %swap3A_135 = arith.constant 0 : index
    %swap3A_136 = vector.load %arg3[%swap3A, %swap3A_135] : memref<2048x1xi32, #tpu.memory_space<vmem>>, vector<2048x1xi32>
    tpu.vector_store %arg3[%swap3A, %swap3A_135], %broadcast_in_dim3A_134 {strides = array<i32>} : memref<2048x1xi32, #tpu.memory_space<vmem>>, vector<2048x1xi32>,
    %slice3A_137 = vector.extract_strided_slice %add3A_69 {offsets = [0, 63], sizes = [1, 1], strides = [1, 1]} : vector<1x64xi32> to vector<1x1xi32>
    %broadcast_in_dim3A_138 = vector.shape_cast %slice3A_137 : vector<1x1xi32> to vector<1x1xi32>
    %broadcast_in_dim3A_139 = vector.broadcast %broadcast_in_dim3A_138 : vector<1x1xi32> to vector<1x64xi32>
    %concatenate3A_140 = tpu.concatenate %sub3A_70, %broadcast_in_dim3A_139 in 1 : vector<1x64xi32>, vector<1x64xi32> -> vector<1x128xi32>
    %swap3A_141 = arith.constant 0 : index
    %swap3A_142 = arith.constant 0 : index
    %swap3A_143 = vector.load %arg4[%swap3A_141, %swap3A_142] : memref<1x128xi32, #tpu.memory_space<vmem>>, vector<1x128xi32>
    tpu.vector_store %arg4[%swap3A_141, %swap3A_142], %concatenate3A_140 {strides = array<i32>} : memref<1x128xi32, #tpu.memory_space<vmem>>, vector<1x128xi32>,
    return
  }
}

module attributes {stable_mosaic.version = 14 : i64} {
  func.func @_ffn_body(%arg0: i32, %arg1: memref<128xi32, #tpu.memory_space<smem>>, %arg2: memref<2688x768xf32, #tpu.memory_space<vmem>>, %arg3: memref<8x768x64xbf16, #tpu.memory_space<vmem>>, %arg4: memref<8x768x64xf32, #tpu.memory_space<vmem>>, %arg5: memref<8x1x64xf32, #tpu.memory_space<vmem>>, %arg6: memref<8x64x768xbf16, #tpu.memory_space<vmem>>, %arg7: memref<1x768xf32, #tpu.memory_space<vmem>>, %arg8: memref<2688x768xf32, #tpu.memory_space<vmem>>) attributes {dimension_semantics = [#tpu.dimension_semantics<arbitrary>], iteration_bounds = array<i64: 8>, scalar_prefetch = 1 : i64, scratch_operands = 0 : i64, tpu.core_type = #tpu.core_type<tc>, window_params = [{pipeline_mode = #tpu.pipeline_mode<synchronous>, transform_indices = @transform_0, window_bounds = array<i64: 2688, 768>}, {transform_indices = @transform_1, window_bounds = array<i64: 8, 768, 64>}, {transform_indices = @transform_2, window_bounds = array<i64: 8, 768, 64>}, {transform_indices = @transform_3, window_bounds = array<i64: 8, 1, 64>}, {transform_indices = @transform_4, window_bounds = array<i64: 8, 64, 768>}, {pipeline_mode = #tpu.pipeline_mode<synchronous>, transform_indices = @transform_5, window_bounds = array<i64: 1, 768>}, {pipeline_mode = #tpu.pipeline_mode<synchronous>, transform_indices = @transform_6, window_bounds = array<i64: 2688, 768>}]} {
    %mul3A = arith.constant 8 : i32
    %mul3A_0 = arith.muli %arg0, %mul3A : i32
    %add3A = arith.constant 0 : i32
    %add3A_1 = arith.addi %mul3A_0, %add3A : i32
    %get3A = arith.index_cast %add3A_1 : i32 to index
    %get3A_2 = memref.load %arg1[%get3A] : memref<128xi32, #tpu.memory_space<smem>>
    %multiple_of3A = tpu.assume_multiple %get3A_2, 8 : i32
    %get3A_3 = arith.index_cast %multiple_of3A : i32 to index
    %get3A_4 = arith.constant 0 : index
    %get3A_5 = vector.load %arg2[%get3A_3, %get3A_4] : memref<2688x768xf32, #tpu.memory_space<vmem>>, vector<128x768xf32>
    %convert_element_type3A = arith.truncf %get3A_5 : vector<128x768xf32> to vector<128x768xbf16>
    %get3A_6 = arith.constant 0 : index
    %get3A_7 = arith.constant 0 : index
    %get3A_8 = arith.constant 0 : index
    %get3A_9 = vector.load %arg3[%get3A_6, %get3A_7, %get3A_8] : memref<8x768x64xbf16, #tpu.memory_space<vmem>>, vector<1x768x64xbf16>
    %get3A_10 = vector.shape_cast %get3A_9 : vector<1x768x64xbf16> to vector<768x64xbf16>
    %dot_general3A = arith.constant dense<0.000000e+00> : vector<128x64xf32>
    %dot_general3A_11 = tpu.matmul %convert_element_type3A, %get3A_10, %dot_general3A {dimension_numbers = #tpu.dot_dimension_numbers<[1], [0], [0], [1], [0, 0, 1, 1], [], []>, transpose_lhs_hint = false} : vector<128x768xbf16>, vector<768x64xbf16>, vector<128x64xf32> -> vector<128x64xf32>
    %get3A_12 = arith.constant 0 : index
    %get3A_13 = arith.constant 0 : index
    %get3A_14 = arith.constant 0 : index
    %get3A_15 = vector.load %arg4[%get3A_12, %get3A_13, %get3A_14] : memref<8x768x64xf32, #tpu.memory_space<vmem>>, vector<1x768x64xf32>
    %get3A_16 = vector.shape_cast %get3A_15 : vector<1x768x64xf32> to vector<768x64xf32>
    %dot_general3A_17 = arith.constant dense<0.000000e+00> : vector<128x64xf32>
    %dot_general3A_18 = tpu.matmul %get3A_5, %get3A_16, %dot_general3A_17 {dimension_numbers = #tpu.dot_dimension_numbers<[1], [0], [0], [1], [0, 0, 1, 1], [], []>, transpose_lhs_hint = false} : vector<128x768xf32>, vector<768x64xf32>, vector<128x64xf32> -> vector<128x64xf32>
    %tanh3A = math.tanh %dot_general3A_11 : vector<128x64xf32>
    %custom_jvp_call3A = arith.constant 0.000000e+00 : f32
    %max3A = vector.broadcast %custom_jvp_call3A : f32 to vector<128x64xf32>
    %max3A_19 = arith.maximumf %dot_general3A_18, %max3A : vector<128x64xf32>
    %sub3A = vector.broadcast %custom_jvp_call3A : f32 to vector<128x64xf32>
    %sub3A_20 = arith.subf %dot_general3A_18, %sub3A : vector<128x64xf32>
    %ne3A = arith.cmpf one, %sub3A_20, %sub3A_20 : vector<128x64xf32>
    %add3A_21 = vector.broadcast %custom_jvp_call3A : f32 to vector<128x64xf32>
    %add3A_22 = arith.addf %dot_general3A_18, %add3A_21 : vector<128x64xf32>
    %abs3A = math.absf %sub3A_20 : vector<128x64xf32>
    %neg3A = arith.constant 0.000000e+00 : f32
    %neg3A_23 = vector.broadcast %neg3A : f32 to vector<128x64xf32>
    %neg3A_24 = arith.subf %neg3A_23, %abs3A : vector<128x64xf32>
    %exp3A = math.exp %neg3A_24 : vector<128x64xf32>
    %log1p3A = math.log1p %exp3A : vector<128x64xf32>
    %add3A_25 = arith.addf %max3A_19, %log1p3A : vector<128x64xf32>
    %select_n3A = arith.select %ne3A, %add3A_22, %add3A_25 : vector<128x64xi1>, vector<128x64xf32>
    %add3A_26 = arith.constant 1.000000e-01 : f32
    %add3A_27 = vector.broadcast %add3A_26 : f32 to vector<128x64xf32>
    %add3A_28 = arith.addf %select_n3A, %add3A_27 : vector<128x64xf32>
    %get3A_29 = arith.constant 0 : index
    %get3A_30 = arith.constant 0 : index
    %get3A_31 = arith.constant 0 : index
    %get3A_32 = vector.load %arg5[%get3A_29, %get3A_30, %get3A_31] : memref<8x1x64xf32, #tpu.memory_space<vmem>>, vector<1x1x64xf32>
    %get3A_33 = vector.shape_cast %get3A_32 : vector<1x1x64xf32> to vector<64xf32>
    %broadcast_in_dim3A = vector.shape_cast %get3A_33 : vector<64xf32> to vector<1x64xf32>
    %add3A_34 = vector.broadcast %broadcast_in_dim3A : vector<1x64xf32> to vector<128x64xf32>
    %add3A_35 = arith.addf %add3A_28, %add3A_34 : vector<128x64xf32>
    %cos3A = math.cos %add3A_35 : vector<128x64xf32>
    %mul3A_36 = arith.mulf %tanh3A, %cos3A : vector<128x64xf32>
    %convert_element_type3A_37 = arith.truncf %mul3A_36 : vector<128x64xf32> to vector<128x64xbf16>
    %get3A_38 = arith.constant 0 : index
    %get3A_39 = arith.constant 0 : index
    %get3A_40 = arith.constant 0 : index
    %get3A_41 = vector.load %arg6[%get3A_38, %get3A_39, %get3A_40] : memref<8x64x768xbf16, #tpu.memory_space<vmem>>, vector<1x64x768xbf16>
    %get3A_42 = vector.shape_cast %get3A_41 : vector<1x64x768xbf16> to vector<64x768xbf16>
    %dot_general3A_43 = arith.constant dense<0.000000e+00> : vector<128x768xf32>
    %dot_general3A_44 = tpu.matmul %convert_element_type3A_37, %get3A_42, %dot_general3A_43 {dimension_numbers = #tpu.dot_dimension_numbers<[1], [0], [0], [1], [0, 0, 1, 1], [], []>, transpose_lhs_hint = false} : vector<128x64xbf16>, vector<64x768xbf16>, vector<128x768xf32> -> vector<128x768xf32>
    %mul3A_45 = arith.mulf %dot_general3A_44, %dot_general3A_44 : vector<128x768xf32>
    %reduce_sum3A = arith.constant dense<0.000000e+00> : vector<128xf32>
    %reduce_sum3A_46 = vector.multi_reduction <add>, %mul3A_45, %reduce_sum3A [1] : vector<128x768xf32> to vector<128xf32>
    %broadcast_in_dim3A_47 = vector.shape_cast %reduce_sum3A_46 : vector<128xf32> to vector<128x1xf32>
    %div3A = arith.constant 7.680000e+02 : f32
    %div3A_48 = vector.broadcast %div3A : f32 to vector<128x1xf32>
    %div3A_49 = arith.divf %broadcast_in_dim3A_47, %div3A_48 : vector<128x1xf32>
    %add3A_50 = arith.constant 9.99999997E-7 : f32
    %add3A_51 = vector.broadcast %add3A_50 : f32 to vector<128x1xf32>
    %add3A_52 = arith.addf %div3A_49, %add3A_51 : vector<128x1xf32>
    %rsqrt3A = math.rsqrt %add3A_52 : vector<128x1xf32>
    %mul3A_53 = vector.broadcast %rsqrt3A : vector<128x1xf32> to vector<128x768xf32>
    %mul3A_54 = arith.mulf %dot_general3A_44, %mul3A_53 : vector<128x768xf32>
    %get3A_55 = arith.constant 0 : index
    %get3A_56 = arith.constant 0 : index
    %get3A_57 = vector.load %arg7[%get3A_55, %get3A_56] : memref<1x768xf32, #tpu.memory_space<vmem>>, vector<1x768xf32>
    %mul3A_58 = vector.broadcast %get3A_57 : vector<1x768xf32> to vector<128x768xf32>
    %mul3A_59 = arith.mulf %mul3A_54, %mul3A_58 : vector<128x768xf32>
    %swap3A = arith.index_cast %multiple_of3A : i32 to index
    %swap3A_60 = arith.constant 0 : index
    %swap3A_61 = vector.load %arg8[%swap3A, %swap3A_60] : memref<2688x768xf32, #tpu.memory_space<vmem>>, vector<128x768xf32>
    tpu.vector_store %arg8[%swap3A, %swap3A_60], %mul3A_59 {strides = array<i32>} : memref<2688x768xf32, #tpu.memory_space<vmem>>, vector<128x768xf32>,
    %mul3A_62 = arith.constant 8 : i32
    %mul3A_63 = arith.muli %arg0, %mul3A_62 : i32
    %add3A_64 = arith.constant 1 : i32
    %add3A_65 = arith.addi %mul3A_63, %add3A_64 : i32
    %get3A_66 = arith.index_cast %add3A_65 : i32 to index
    %get3A_67 = memref.load %arg1[%get3A_66] : memref<128xi32, #tpu.memory_space<smem>>
    %multiple_of3A_68 = tpu.assume_multiple %get3A_67, 8 : i32
    %get3A_69 = arith.index_cast %multiple_of3A_68 : i32 to index
    %get3A_70 = arith.constant 0 : index
    %get3A_71 = vector.load %arg2[%get3A_69, %get3A_70] : memref<2688x768xf32, #tpu.memory_space<vmem>>, vector<128x768xf32>
    %convert_element_type3A_72 = arith.truncf %get3A_71 : vector<128x768xf32> to vector<128x768xbf16>
    %get3A_73 = arith.constant 1 : index
    %get3A_74 = arith.constant 0 : index
    %get3A_75 = arith.constant 0 : index
    %get3A_76 = vector.load %arg3[%get3A_73, %get3A_74, %get3A_75] : memref<8x768x64xbf16, #tpu.memory_space<vmem>>, vector<1x768x64xbf16>
    %get3A_77 = vector.shape_cast %get3A_76 : vector<1x768x64xbf16> to vector<768x64xbf16>
    %dot_general3A_78 = arith.constant dense<0.000000e+00> : vector<128x64xf32>
    %dot_general3A_79 = tpu.matmul %convert_element_type3A_72, %get3A_77, %dot_general3A_78 {dimension_numbers = #tpu.dot_dimension_numbers<[1], [0], [0], [1], [0, 0, 1, 1], [], []>, transpose_lhs_hint = false} : vector<128x768xbf16>, vector<768x64xbf16>, vector<128x64xf32> -> vector<128x64xf32>
    %get3A_80 = arith.constant 1 : index
    %get3A_81 = arith.constant 0 : index
    %get3A_82 = arith.constant 0 : index
    %get3A_83 = vector.load %arg4[%get3A_80, %get3A_81, %get3A_82] : memref<8x768x64xf32, #tpu.memory_space<vmem>>, vector<1x768x64xf32>
    %get3A_84 = vector.shape_cast %get3A_83 : vector<1x768x64xf32> to vector<768x64xf32>
    %dot_general3A_85 = arith.constant dense<0.000000e+00> : vector<128x64xf32>
    %dot_general3A_86 = tpu.matmul %get3A_71, %get3A_84, %dot_general3A_85 {dimension_numbers = #tpu.dot_dimension_numbers<[1], [0], [0], [1], [0, 0, 1, 1], [], []>, transpose_lhs_hint = false} : vector<128x768xf32>, vector<768x64xf32>, vector<128x64xf32> -> vector<128x64xf32>
    %tanh3A_87 = math.tanh %dot_general3A_79 : vector<128x64xf32>
    %custom_jvp_call3A_88 = arith.constant 0.000000e+00 : f32
    %max3A_89 = vector.broadcast %custom_jvp_call3A_88 : f32 to vector<128x64xf32>
    %max3A_90 = arith.maximumf %dot_general3A_86, %max3A_89 : vector<128x64xf32>
    %sub3A_91 = vector.broadcast %custom_jvp_call3A_88 : f32 to vector<128x64xf32>
    %sub3A_92 = arith.subf %dot_general3A_86, %sub3A_91 : vector<128x64xf32>
    %ne3A_93 = arith.cmpf one, %sub3A_92, %sub3A_92 : vector<128x64xf32>
    %add3A_94 = vector.broadcast %custom_jvp_call3A_88 : f32 to vector<128x64xf32>
    %add3A_95 = arith.addf %dot_general3A_86, %add3A_94 : vector<128x64xf32>
    %abs3A_96 = math.absf %sub3A_92 : vector<128x64xf32>
    %neg3A_97 = arith.constant 0.000000e+00 : f32
    %neg3A_98 = vector.broadcast %neg3A_97 : f32 to vector<128x64xf32>
    %neg3A_99 = arith.subf %neg3A_98, %abs3A_96 : vector<128x64xf32>
    %exp3A_100 = math.exp %neg3A_99 : vector<128x64xf32>
    %log1p3A_101 = math.log1p %exp3A_100 : vector<128x64xf32>
    %add3A_102 = arith.addf %max3A_90, %log1p3A_101 : vector<128x64xf32>
    %select_n3A_103 = arith.select %ne3A_93, %add3A_95, %add3A_102 : vector<128x64xi1>, vector<128x64xf32>
    %add3A_104 = arith.constant 1.000000e-01 : f32
    %add3A_105 = vector.broadcast %add3A_104 : f32 to vector<128x64xf32>
    %add3A_106 = arith.addf %select_n3A_103, %add3A_105 : vector<128x64xf32>
    %get3A_107 = arith.constant 1 : index
    %get3A_108 = arith.constant 0 : index
    %get3A_109 = arith.constant 0 : index
    %get3A_110 = vector.load %arg5[%get3A_107, %get3A_108, %get3A_109] : memref<8x1x64xf32, #tpu.memory_space<vmem>>, vector<1x1x64xf32>
    %get3A_111 = vector.shape_cast %get3A_110 : vector<1x1x64xf32> to vector<64xf32>
    %broadcast_in_dim3A_112 = vector.shape_cast %get3A_111 : vector<64xf32> to vector<1x64xf32>
    %add3A_113 = vector.broadcast %broadcast_in_dim3A_112 : vector<1x64xf32> to vector<128x64xf32>
    %add3A_114 = arith.addf %add3A_106, %add3A_113 : vector<128x64xf32>
    %cos3A_115 = math.cos %add3A_114 : vector<128x64xf32>
    %mul3A_116 = arith.mulf %tanh3A_87, %cos3A_115 : vector<128x64xf32>
    %convert_element_type3A_117 = arith.truncf %mul3A_116 : vector<128x64xf32> to vector<128x64xbf16>
    %get3A_118 = arith.constant 1 : index
    %get3A_119 = arith.constant 0 : index
    %get3A_120 = arith.constant 0 : index
    %get3A_121 = vector.load %arg6[%get3A_118, %get3A_119, %get3A_120] : memref<8x64x768xbf16, #tpu.memory_space<vmem>>, vector<1x64x768xbf16>
    %get3A_122 = vector.shape_cast %get3A_121 : vector<1x64x768xbf16> to vector<64x768xbf16>
    %dot_general3A_123 = arith.constant dense<0.000000e+00> : vector<128x768xf32>
    %dot_general3A_124 = tpu.matmul %convert_element_type3A_117, %get3A_122, %dot_general3A_123 {dimension_numbers = #tpu.dot_dimension_numbers<[1], [0], [0], [1], [0, 0, 1, 1], [], []>, transpose_lhs_hint = false} : vector<128x64xbf16>, vector<64x768xbf16>, vector<128x768xf32> -> vector<128x768xf32>
    %mul3A_125 = arith.mulf %dot_general3A_124, %dot_general3A_124 : vector<128x768xf32>
    %reduce_sum3A_126 = arith.constant dense<0.000000e+00> : vector<128xf32>
    %reduce_sum3A_127 = vector.multi_reduction <add>, %mul3A_125, %reduce_sum3A_126 [1] : vector<128x768xf32> to vector<128xf32>
    %broadcast_in_dim3A_128 = vector.shape_cast %reduce_sum3A_127 : vector<128xf32> to vector<128x1xf32>
    %div3A_129 = arith.constant 7.680000e+02 : f32
    %div3A_130 = vector.broadcast %div3A_129 : f32 to vector<128x1xf32>
    %div3A_131 = arith.divf %broadcast_in_dim3A_128, %div3A_130 : vector<128x1xf32>
    %add3A_132 = arith.constant 9.99999997E-7 : f32
    %add3A_133 = vector.broadcast %add3A_132 : f32 to vector<128x1xf32>
    %add3A_134 = arith.addf %div3A_131, %add3A_133 : vector<128x1xf32>
    %rsqrt3A_135 = math.rsqrt %add3A_134 : vector<128x1xf32>
    %mul3A_136 = vector.broadcast %rsqrt3A_135 : vector<128x1xf32> to vector<128x768xf32>
    %mul3A_137 = arith.mulf %dot_general3A_124, %mul3A_136 : vector<128x768xf32>
    %get3A_138 = arith.constant 0 : index
    %get3A_139 = arith.constant 0 : index
    %get3A_140 = vector.load %arg7[%get3A_138, %get3A_139] : memref<1x768xf32, #tpu.memory_space<vmem>>, vector<1x768xf32>
    %mul3A_141 = vector.broadcast %get3A_140 : vector<1x768xf32> to vector<128x768xf32>
    %mul3A_142 = arith.mulf %mul3A_137, %mul3A_141 : vector<128x768xf32>
    %swap3A_143 = arith.index_cast %multiple_of3A_68 : i32 to index
    %swap3A_144 = arith.constant 0 : index
    %swap3A_145 = vector.load %arg8[%swap3A_143, %swap3A_144] : memref<2688x768xf32, #tpu.memory_space<vmem>>, vector<128x768xf32>
    tpu.vector_store %arg8[%swap3A_143, %swap3A_144], %mul3A_142 {strides = array<i32>} : memref<2688x768xf32, #tpu.memory_space<vmem>>, vector<128x768xf32>,
    %mul3A_146 = arith.constant 8 : i32
    %mul3A_147 = arith.muli %arg0, %mul3A_146 : i32
    %add3A_148 = arith.constant 2 : i32
    %add3A_149 = arith.addi %mul3A_147, %add3A_148 : i32
    %get3A_150 = arith.index_cast %add3A_149 : i32 to index
    %get3A_151 = memref.load %arg1[%get3A_150] : memref<128xi32, #tpu.memory_space<smem>>
    %multiple_of3A_152 = tpu.assume_multiple %get3A_151, 8 : i32
    %get3A_153 = arith.index_cast %multiple_of3A_152 : i32 to index
    %get3A_154 = arith.constant 0 : index
    %get3A_155 = vector.load %arg2[%get3A_153, %get3A_154] : memref<2688x768xf32, #tpu.memory_space<vmem>>, vector<128x768xf32>
    %convert_element_type3A_156 = arith.truncf %get3A_155 : vector<128x768xf32> to vector<128x768xbf16>
    %get3A_157 = arith.constant 2 : index
    %get3A_158 = arith.constant 0 : index
    %get3A_159 = arith.constant 0 : index
    %get3A_160 = vector.load %arg3[%get3A_157, %get3A_158, %get3A_159] : memref<8x768x64xbf16, #tpu.memory_space<vmem>>, vector<1x768x64xbf16>
    %get3A_161 = vector.shape_cast %get3A_160 : vector<1x768x64xbf16> to vector<768x64xbf16>
    %dot_general3A_162 = arith.constant dense<0.000000e+00> : vector<128x64xf32>
    %dot_general3A_163 = tpu.matmul %convert_element_type3A_156, %get3A_161, %dot_general3A_162 {dimension_numbers = #tpu.dot_dimension_numbers<[1], [0], [0], [1], [0, 0, 1, 1], [], []>, transpose_lhs_hint = false} : vector<128x768xbf16>, vector<768x64xbf16>, vector<128x64xf32> -> vector<128x64xf32>
    %get3A_164 = arith.constant 2 : index
    %get3A_165 = arith.constant 0 : index
    %get3A_166 = arith.constant 0 : index
    %get3A_167 = vector.load %arg4[%get3A_164, %get3A_165, %get3A_166] : memref<8x768x64xf32, #tpu.memory_space<vmem>>, vector<1x768x64xf32>
    %get3A_168 = vector.shape_cast %get3A_167 : vector<1x768x64xf32> to vector<768x64xf32>
    %dot_general3A_169 = arith.constant dense<0.000000e+00> : vector<128x64xf32>
    %dot_general3A_170 = tpu.matmul %get3A_155, %get3A_168, %dot_general3A_169 {dimension_numbers = #tpu.dot_dimension_numbers<[1], [0], [0], [1], [0, 0, 1, 1], [], []>, transpose_lhs_hint = false} : vector<128x768xf32>, vector<768x64xf32>, vector<128x64xf32> -> vector<128x64xf32>
    %tanh3A_171 = math.tanh %dot_general3A_163 : vector<128x64xf32>
    %custom_jvp_call3A_172 = arith.constant 0.000000e+00 : f32
    %max3A_173 = vector.broadcast %custom_jvp_call3A_172 : f32 to vector<128x64xf32>
    %max3A_174 = arith.maximumf %dot_general3A_170, %max3A_173 : vector<128x64xf32>
    %sub3A_175 = vector.broadcast %custom_jvp_call3A_172 : f32 to vector<128x64xf32>
    %sub3A_176 = arith.subf %dot_general3A_170, %sub3A_175 : vector<128x64xf32>
    %ne3A_177 = arith.cmpf one, %sub3A_176, %sub3A_176 : vector<128x64xf32>
    %add3A_178 = vector.broadcast %custom_jvp_call3A_172 : f32 to vector<128x64xf32>
    %add3A_179 = arith.addf %dot_general3A_170, %add3A_178 : vector<128x64xf32>
    %abs3A_180 = math.absf %sub3A_176 : vector<128x64xf32>
    %neg3A_181 = arith.constant 0.000000e+00 : f32
    %neg3A_182 = vector.broadcast %neg3A_181 : f32 to vector<128x64xf32>
    %neg3A_183 = arith.subf %neg3A_182, %abs3A_180 : vector<128x64xf32>
    %exp3A_184 = math.exp %neg3A_183 : vector<128x64xf32>
    %log1p3A_185 = math.log1p %exp3A_184 : vector<128x64xf32>
    %add3A_186 = arith.addf %max3A_174, %log1p3A_185 : vector<128x64xf32>
    %select_n3A_187 = arith.select %ne3A_177, %add3A_179, %add3A_186 : vector<128x64xi1>, vector<128x64xf32>
    %add3A_188 = arith.constant 1.000000e-01 : f32
    %add3A_189 = vector.broadcast %add3A_188 : f32 to vector<128x64xf32>
    %add3A_190 = arith.addf %select_n3A_187, %add3A_189 : vector<128x64xf32>
    %get3A_191 = arith.constant 2 : index
    %get3A_192 = arith.constant 0 : index
    %get3A_193 = arith.constant 0 : index
    %get3A_194 = vector.load %arg5[%get3A_191, %get3A_192, %get3A_193] : memref<8x1x64xf32, #tpu.memory_space<vmem>>, vector<1x1x64xf32>
    %get3A_195 = vector.shape_cast %get3A_194 : vector<1x1x64xf32> to vector<64xf32>
    %broadcast_in_dim3A_196 = vector.shape_cast %get3A_195 : vector<64xf32> to vector<1x64xf32>
    %add3A_197 = vector.broadcast %broadcast_in_dim3A_196 : vector<1x64xf32> to vector<128x64xf32>
    %add3A_198 = arith.addf %add3A_190, %add3A_197 : vector<128x64xf32>
    %cos3A_199 = math.cos %add3A_198 : vector<128x64xf32>
    %mul3A_200 = arith.mulf %tanh3A_171, %cos3A_199 : vector<128x64xf32>
    %convert_element_type3A_201 = arith.truncf %mul3A_200 : vector<128x64xf32> to vector<128x64xbf16>
    %get3A_202 = arith.constant 2 : index
    %get3A_203 = arith.constant 0 : index
    %get3A_204 = arith.constant 0 : index
    %get3A_205 = vector.load %arg6[%get3A_202, %get3A_203, %get3A_204] : memref<8x64x768xbf16, #tpu.memory_space<vmem>>, vector<1x64x768xbf16>
    %get3A_206 = vector.shape_cast %get3A_205 : vector<1x64x768xbf16> to vector<64x768xbf16>
    %dot_general3A_207 = arith.constant dense<0.000000e+00> : vector<128x768xf32>
    %dot_general3A_208 = tpu.matmul %convert_element_type3A_201, %get3A_206, %dot_general3A_207 {dimension_numbers = #tpu.dot_dimension_numbers<[1], [0], [0], [1], [0, 0, 1, 1], [], []>, transpose_lhs_hint = false} : vector<128x64xbf16>, vector<64x768xbf16>, vector<128x768xf32> -> vector<128x768xf32>
    %mul3A_209 = arith.mulf %dot_general3A_208, %dot_general3A_208 : vector<128x768xf32>
    %reduce_sum3A_210 = arith.constant dense<0.000000e+00> : vector<128xf32>
    %reduce_sum3A_211 = vector.multi_reduction <add>, %mul3A_209, %reduce_sum3A_210 [1] : vector<128x768xf32> to vector<128xf32>
    %broadcast_in_dim3A_212 = vector.shape_cast %reduce_sum3A_211 : vector<128xf32> to vector<128x1xf32>
    %div3A_213 = arith.constant 7.680000e+02 : f32
    %div3A_214 = vector.broadcast %div3A_213 : f32 to vector<128x1xf32>
    %div3A_215 = arith.divf %broadcast_in_dim3A_212, %div3A_214 : vector<128x1xf32>
    %add3A_216 = arith.constant 9.99999997E-7 : f32
    %add3A_217 = vector.broadcast %add3A_216 : f32 to vector<128x1xf32>
    %add3A_218 = arith.addf %div3A_215, %add3A_217 : vector<128x1xf32>
    %rsqrt3A_219 = math.rsqrt %add3A_218 : vector<128x1xf32>
    %mul3A_220 = vector.broadcast %rsqrt3A_219 : vector<128x1xf32> to vector<128x768xf32>
    %mul3A_221 = arith.mulf %dot_general3A_208, %mul3A_220 : vector<128x768xf32>
    %get3A_222 = arith.constant 0 : index
    %get3A_223 = arith.constant 0 : index
    %get3A_224 = vector.load %arg7[%get3A_222, %get3A_223] : memref<1x768xf32, #tpu.memory_space<vmem>>, vector<1x768xf32>
    %mul3A_225 = vector.broadcast %get3A_224 : vector<1x768xf32> to vector<128x768xf32>
    %mul3A_226 = arith.mulf %mul3A_221, %mul3A_225 : vector<128x768xf32>
    %swap3A_227 = arith.index_cast %multiple_of3A_152 : i32 to index
    %swap3A_228 = arith.constant 0 : index
    %swap3A_229 = vector.load %arg8[%swap3A_227, %swap3A_228] : memref<2688x768xf32, #tpu.memory_space<vmem>>, vector<128x768xf32>
    tpu.vector_store %arg8[%swap3A_227, %swap3A_228], %mul3A_226 {strides = array<i32>} : memref<2688x768xf32, #tpu.memory_space<vmem>>, vector<128x768xf32>,
    %mul3A_230 = arith.constant 8 : i32
    %mul3A_231 = arith.muli %arg0, %mul3A_230 : i32
    %add3A_232 = arith.constant 3 : i32
    %add3A_233 = arith.addi %mul3A_231, %add3A_232 : i32
    %get3A_234 = arith.index_cast %add3A_233 : i32 to index
    %get3A_235 = memref.load %arg1[%get3A_234] : memref<128xi32, #tpu.memory_space<smem>>
    %multiple_of3A_236 = tpu.assume_multiple %get3A_235, 8 : i32
    %get3A_237 = arith.index_cast %multiple_of3A_236 : i32 to index
    %get3A_238 = arith.constant 0 : index
    %get3A_239 = vector.load %arg2[%get3A_237, %get3A_238] : memref<2688x768xf32, #tpu.memory_space<vmem>>, vector<128x768xf32>
    %convert_element_type3A_240 = arith.truncf %get3A_239 : vector<128x768xf32> to vector<128x768xbf16>
    %get3A_241 = arith.constant 3 : index
    %get3A_242 = arith.constant 0 : index
    %get3A_243 = arith.constant 0 : index
    %get3A_244 = vector.load %arg3[%get3A_241, %get3A_242, %get3A_243] : memref<8x768x64xbf16, #tpu.memory_space<vmem>>, vector<1x768x64xbf16>
    %get3A_245 = vector.shape_cast %get3A_244 : vector<1x768x64xbf16> to vector<768x64xbf16>
    %dot_general3A_246 = arith.constant dense<0.000000e+00> : vector<128x64xf32>
    %dot_general3A_247 = tpu.matmul %convert_element_type3A_240, %get3A_245, %dot_general3A_246 {dimension_numbers = #tpu.dot_dimension_numbers<[1], [0], [0], [1], [0, 0, 1, 1], [], []>, transpose_lhs_hint = false} : vector<128x768xbf16>, vector<768x64xbf16>, vector<128x64xf32> -> vector<128x64xf32>
    %get3A_248 = arith.constant 3 : index
    %get3A_249 = arith.constant 0 : index
    %get3A_250 = arith.constant 0 : index
    %get3A_251 = vector.load %arg4[%get3A_248, %get3A_249, %get3A_250] : memref<8x768x64xf32, #tpu.memory_space<vmem>>, vector<1x768x64xf32>
    %get3A_252 = vector.shape_cast %get3A_251 : vector<1x768x64xf32> to vector<768x64xf32>
    %dot_general3A_253 = arith.constant dense<0.000000e+00> : vector<128x64xf32>
    %dot_general3A_254 = tpu.matmul %get3A_239, %get3A_252, %dot_general3A_253 {dimension_numbers = #tpu.dot_dimension_numbers<[1], [0], [0], [1], [0, 0, 1, 1], [], []>, transpose_lhs_hint = false} : vector<128x768xf32>, vector<768x64xf32>, vector<128x64xf32> -> vector<128x64xf32>
    %tanh3A_255 = math.tanh %dot_general3A_247 : vector<128x64xf32>
    %custom_jvp_call3A_256 = arith.constant 0.000000e+00 : f32
    %max3A_257 = vector.broadcast %custom_jvp_call3A_256 : f32 to vector<128x64xf32>
    %max3A_258 = arith.maximumf %dot_general3A_254, %max3A_257 : vector<128x64xf32>
    %sub3A_259 = vector.broadcast %custom_jvp_call3A_256 : f32 to vector<128x64xf32>
    %sub3A_260 = arith.subf %dot_general3A_254, %sub3A_259 : vector<128x64xf32>
    %ne3A_261 = arith.cmpf one, %sub3A_260, %sub3A_260 : vector<128x64xf32>
    %add3A_262 = vector.broadcast %custom_jvp_call3A_256 : f32 to vector<128x64xf32>
    %add3A_263 = arith.addf %dot_general3A_254, %add3A_262 : vector<128x64xf32>
    %abs3A_264 = math.absf %sub3A_260 : vector<128x64xf32>
    %neg3A_265 = arith.constant 0.000000e+00 : f32
    %neg3A_266 = vector.broadcast %neg3A_265 : f32 to vector<128x64xf32>
    %neg3A_267 = arith.subf %neg3A_266, %abs3A_264 : vector<128x64xf32>
    %exp3A_268 = math.exp %neg3A_267 : vector<128x64xf32>
    %log1p3A_269 = math.log1p %exp3A_268 : vector<128x64xf32>
    %add3A_270 = arith.addf %max3A_258, %log1p3A_269 : vector<128x64xf32>
    %select_n3A_271 = arith.select %ne3A_261, %add3A_263, %add3A_270 : vector<128x64xi1>, vector<128x64xf32>
    %add3A_272 = arith.constant 1.000000e-01 : f32
    %add3A_273 = vector.broadcast %add3A_272 : f32 to vector<128x64xf32>
    %add3A_274 = arith.addf %select_n3A_271, %add3A_273 : vector<128x64xf32>
    %get3A_275 = arith.constant 3 : index
    %get3A_276 = arith.constant 0 : index
    %get3A_277 = arith.constant 0 : index
    %get3A_278 = vector.load %arg5[%get3A_275, %get3A_276, %get3A_277] : memref<8x1x64xf32, #tpu.memory_space<vmem>>, vector<1x1x64xf32>
    %get3A_279 = vector.shape_cast %get3A_278 : vector<1x1x64xf32> to vector<64xf32>
    %broadcast_in_dim3A_280 = vector.shape_cast %get3A_279 : vector<64xf32> to vector<1x64xf32>
    %add3A_281 = vector.broadcast %broadcast_in_dim3A_280 : vector<1x64xf32> to vector<128x64xf32>
    %add3A_282 = arith.addf %add3A_274, %add3A_281 : vector<128x64xf32>
    %cos3A_283 = math.cos %add3A_282 : vector<128x64xf32>
    %mul3A_284 = arith.mulf %tanh3A_255, %cos3A_283 : vector<128x64xf32>
    %convert_element_type3A_285 = arith.truncf %mul3A_284 : vector<128x64xf32> to vector<128x64xbf16>
    %get3A_286 = arith.constant 3 : index
    %get3A_287 = arith.constant 0 : index
    %get3A_288 = arith.constant 0 : index
    %get3A_289 = vector.load %arg6[%get3A_286, %get3A_287, %get3A_288] : memref<8x64x768xbf16, #tpu.memory_space<vmem>>, vector<1x64x768xbf16>
    %get3A_290 = vector.shape_cast %get3A_289 : vector<1x64x768xbf16> to vector<64x768xbf16>
    %dot_general3A_291 = arith.constant dense<0.000000e+00> : vector<128x768xf32>
    %dot_general3A_292 = tpu.matmul %convert_element_type3A_285, %get3A_290, %dot_general3A_291 {dimension_numbers = #tpu.dot_dimension_numbers<[1], [0], [0], [1], [0, 0, 1, 1], [], []>, transpose_lhs_hint = false} : vector<128x64xbf16>, vector<64x768xbf16>, vector<128x768xf32> -> vector<128x768xf32>
    %mul3A_293 = arith.mulf %dot_general3A_292, %dot_general3A_292 : vector<128x768xf32>
    %reduce_sum3A_294 = arith.constant dense<0.000000e+00> : vector<128xf32>
    %reduce_sum3A_295 = vector.multi_reduction <add>, %mul3A_293, %reduce_sum3A_294 [1] : vector<128x768xf32> to vector<128xf32>
    %broadcast_in_dim3A_296 = vector.shape_cast %reduce_sum3A_295 : vector<128xf32> to vector<128x1xf32>
    %div3A_297 = arith.constant 7.680000e+02 : f32
    %div3A_298 = vector.broadcast %div3A_297 : f32 to vector<128x1xf32>
    %div3A_299 = arith.divf %broadcast_in_dim3A_296, %div3A_298 : vector<128x1xf32>
    %add3A_300 = arith.constant 9.99999997E-7 : f32
    %add3A_301 = vector.broadcast %add3A_300 : f32 to vector<128x1xf32>
    %add3A_302 = arith.addf %div3A_299, %add3A_301 : vector<128x1xf32>
    %rsqrt3A_303 = math.rsqrt %add3A_302 : vector<128x1xf32>
    %mul3A_304 = vector.broadcast %rsqrt3A_303 : vector<128x1xf32> to vector<128x768xf32>
    %mul3A_305 = arith.mulf %dot_general3A_292, %mul3A_304 : vector<128x768xf32>
    %get3A_306 = arith.constant 0 : index
    %get3A_307 = arith.constant 0 : index
    %get3A_308 = vector.load %arg7[%get3A_306, %get3A_307] : memref<1x768xf32, #tpu.memory_space<vmem>>, vector<1x768xf32>
    %mul3A_309 = vector.broadcast %get3A_308 : vector<1x768xf32> to vector<128x768xf32>
    %mul3A_310 = arith.mulf %mul3A_305, %mul3A_309 : vector<128x768xf32>
    %swap3A_311 = arith.index_cast %multiple_of3A_236 : i32 to index
    %swap3A_312 = arith.constant 0 : index
    %swap3A_313 = vector.load %arg8[%swap3A_311, %swap3A_312] : memref<2688x768xf32, #tpu.memory_space<vmem>>, vector<128x768xf32>
    tpu.vector_store %arg8[%swap3A_311, %swap3A_312], %mul3A_310 {strides = array<i32>} : memref<2688x768xf32, #tpu.memory_space<vmem>>, vector<128x768xf32>,
    %mul3A_314 = arith.constant 8 : i32
    %mul3A_315 = arith.muli %arg0, %mul3A_314 : i32
    %add3A_316 = arith.constant 4 : i32
    %add3A_317 = arith.addi %mul3A_315, %add3A_316 : i32
    %get3A_318 = arith.index_cast %add3A_317 : i32 to index
    %get3A_319 = memref.load %arg1[%get3A_318] : memref<128xi32, #tpu.memory_space<smem>>
    %multiple_of3A_320 = tpu.assume_multiple %get3A_319, 8 : i32
    %get3A_321 = arith.index_cast %multiple_of3A_320 : i32 to index
    %get3A_322 = arith.constant 0 : index
    %get3A_323 = vector.load %arg2[%get3A_321, %get3A_322] : memref<2688x768xf32, #tpu.memory_space<vmem>>, vector<128x768xf32>
    %convert_element_type3A_324 = arith.truncf %get3A_323 : vector<128x768xf32> to vector<128x768xbf16>
    %get3A_325 = arith.constant 4 : index
    %get3A_326 = arith.constant 0 : index
    %get3A_327 = arith.constant 0 : index
    %get3A_328 = vector.load %arg3[%get3A_325, %get3A_326, %get3A_327] : memref<8x768x64xbf16, #tpu.memory_space<vmem>>, vector<1x768x64xbf16>
    %get3A_329 = vector.shape_cast %get3A_328 : vector<1x768x64xbf16> to vector<768x64xbf16>
    %dot_general3A_330 = arith.constant dense<0.000000e+00> : vector<128x64xf32>
    %dot_general3A_331 = tpu.matmul %convert_element_type3A_324, %get3A_329, %dot_general3A_330 {dimension_numbers = #tpu.dot_dimension_numbers<[1], [0], [0], [1], [0, 0, 1, 1], [], []>, transpose_lhs_hint = false} : vector<128x768xbf16>, vector<768x64xbf16>, vector<128x64xf32> -> vector<128x64xf32>
    %get3A_332 = arith.constant 4 : index
    %get3A_333 = arith.constant 0 : index
    %get3A_334 = arith.constant 0 : index
    %get3A_335 = vector.load %arg4[%get3A_332, %get3A_333, %get3A_334] : memref<8x768x64xf32, #tpu.memory_space<vmem>>, vector<1x768x64xf32>
    %get3A_336 = vector.shape_cast %get3A_335 : vector<1x768x64xf32> to vector<768x64xf32>
    %dot_general3A_337 = arith.constant dense<0.000000e+00> : vector<128x64xf32>
    %dot_general3A_338 = tpu.matmul %get3A_323, %get3A_336, %dot_general3A_337 {dimension_numbers = #tpu.dot_dimension_numbers<[1], [0], [0], [1], [0, 0, 1, 1], [], []>, transpose_lhs_hint = false} : vector<128x768xf32>, vector<768x64xf32>, vector<128x64xf32> -> vector<128x64xf32>
    %tanh3A_339 = math.tanh %dot_general3A_331 : vector<128x64xf32>
    %custom_jvp_call3A_340 = arith.constant 0.000000e+00 : f32
    %max3A_341 = vector.broadcast %custom_jvp_call3A_340 : f32 to vector<128x64xf32>
    %max3A_342 = arith.maximumf %dot_general3A_338, %max3A_341 : vector<128x64xf32>
    %sub3A_343 = vector.broadcast %custom_jvp_call3A_340 : f32 to vector<128x64xf32>
    %sub3A_344 = arith.subf %dot_general3A_338, %sub3A_343 : vector<128x64xf32>
    %ne3A_345 = arith.cmpf one, %sub3A_344, %sub3A_344 : vector<128x64xf32>
    %add3A_346 = vector.broadcast %custom_jvp_call3A_340 : f32 to vector<128x64xf32>
    %add3A_347 = arith.addf %dot_general3A_338, %add3A_346 : vector<128x64xf32>
    %abs3A_348 = math.absf %sub3A_344 : vector<128x64xf32>
    %neg3A_349 = arith.constant 0.000000e+00 : f32
    %neg3A_350 = vector.broadcast %neg3A_349 : f32 to vector<128x64xf32>
    %neg3A_351 = arith.subf %neg3A_350, %abs3A_348 : vector<128x64xf32>
    %exp3A_352 = math.exp %neg3A_351 : vector<128x64xf32>
    %log1p3A_353 = math.log1p %exp3A_352 : vector<128x64xf32>
    %add3A_354 = arith.addf %max3A_342, %log1p3A_353 : vector<128x64xf32>
    %select_n3A_355 = arith.select %ne3A_345, %add3A_347, %add3A_354 : vector<128x64xi1>, vector<128x64xf32>
    %add3A_356 = arith.constant 1.000000e-01 : f32
    %add3A_357 = vector.broadcast %add3A_356 : f32 to vector<128x64xf32>
    %add3A_358 = arith.addf %select_n3A_355, %add3A_357 : vector<128x64xf32>
    %get3A_359 = arith.constant 4 : index
    %get3A_360 = arith.constant 0 : index
    %get3A_361 = arith.constant 0 : index
    %get3A_362 = vector.load %arg5[%get3A_359, %get3A_360, %get3A_361] : memref<8x1x64xf32, #tpu.memory_space<vmem>>, vector<1x1x64xf32>
    %get3A_363 = vector.shape_cast %get3A_362 : vector<1x1x64xf32> to vector<64xf32>
    %broadcast_in_dim3A_364 = vector.shape_cast %get3A_363 : vector<64xf32> to vector<1x64xf32>
    %add3A_365 = vector.broadcast %broadcast_in_dim3A_364 : vector<1x64xf32> to vector<128x64xf32>
    %add3A_366 = arith.addf %add3A_358, %add3A_365 : vector<128x64xf32>
    %cos3A_367 = math.cos %add3A_366 : vector<128x64xf32>
    %mul3A_368 = arith.mulf %tanh3A_339, %cos3A_367 : vector<128x64xf32>
    %convert_element_type3A_369 = arith.truncf %mul3A_368 : vector<128x64xf32> to vector<128x64xbf16>
    %get3A_370 = arith.constant 4 : index
    %get3A_371 = arith.constant 0 : index
    %get3A_372 = arith.constant 0 : index
    %get3A_373 = vector.load %arg6[%get3A_370, %get3A_371, %get3A_372] : memref<8x64x768xbf16, #tpu.memory_space<vmem>>, vector<1x64x768xbf16>
    %get3A_374 = vector.shape_cast %get3A_373 : vector<1x64x768xbf16> to vector<64x768xbf16>
    %dot_general3A_375 = arith.constant dense<0.000000e+00> : vector<128x768xf32>
    %dot_general3A_376 = tpu.matmul %convert_element_type3A_369, %get3A_374, %dot_general3A_375 {dimension_numbers = #tpu.dot_dimension_numbers<[1], [0], [0], [1], [0, 0, 1, 1], [], []>, transpose_lhs_hint = false} : vector<128x64xbf16>, vector<64x768xbf16>, vector<128x768xf32> -> vector<128x768xf32>
    %mul3A_377 = arith.mulf %dot_general3A_376, %dot_general3A_376 : vector<128x768xf32>
    %reduce_sum3A_378 = arith.constant dense<0.000000e+00> : vector<128xf32>
    %reduce_sum3A_379 = vector.multi_reduction <add>, %mul3A_377, %reduce_sum3A_378 [1] : vector<128x768xf32> to vector<128xf32>
    %broadcast_in_dim3A_380 = vector.shape_cast %reduce_sum3A_379 : vector<128xf32> to vector<128x1xf32>
    %div3A_381 = arith.constant 7.680000e+02 : f32
    %div3A_382 = vector.broadcast %div3A_381 : f32 to vector<128x1xf32>
    %div3A_383 = arith.divf %broadcast_in_dim3A_380, %div3A_382 : vector<128x1xf32>
    %add3A_384 = arith.constant 9.99999997E-7 : f32
    %add3A_385 = vector.broadcast %add3A_384 : f32 to vector<128x1xf32>
    %add3A_386 = arith.addf %div3A_383, %add3A_385 : vector<128x1xf32>
    %rsqrt3A_387 = math.rsqrt %add3A_386 : vector<128x1xf32>
    %mul3A_388 = vector.broadcast %rsqrt3A_387 : vector<128x1xf32> to vector<128x768xf32>
    %mul3A_389 = arith.mulf %dot_general3A_376, %mul3A_388 : vector<128x768xf32>
    %get3A_390 = arith.constant 0 : index
    %get3A_391 = arith.constant 0 : index
    %get3A_392 = vector.load %arg7[%get3A_390, %get3A_391] : memref<1x768xf32, #tpu.memory_space<vmem>>, vector<1x768xf32>
    %mul3A_393 = vector.broadcast %get3A_392 : vector<1x768xf32> to vector<128x768xf32>
    %mul3A_394 = arith.mulf %mul3A_389, %mul3A_393 : vector<128x768xf32>
    %swap3A_395 = arith.index_cast %multiple_of3A_320 : i32 to index
    %swap3A_396 = arith.constant 0 : index
    %swap3A_397 = vector.load %arg8[%swap3A_395, %swap3A_396] : memref<2688x768xf32, #tpu.memory_space<vmem>>, vector<128x768xf32>
    tpu.vector_store %arg8[%swap3A_395, %swap3A_396], %mul3A_394 {strides = array<i32>} : memref<2688x768xf32, #tpu.memory_space<vmem>>, vector<128x768xf32>,
    %mul3A_398 = arith.constant 8 : i32
    %mul3A_399 = arith.muli %arg0, %mul3A_398 : i32
    %add3A_400 = arith.constant 5 : i32
    %add3A_401 = arith.addi %mul3A_399, %add3A_400 : i32
    %get3A_402 = arith.index_cast %add3A_401 : i32 to index
    %get3A_403 = memref.load %arg1[%get3A_402] : memref<128xi32, #tpu.memory_space<smem>>
    %multiple_of3A_404 = tpu.assume_multiple %get3A_403, 8 : i32
    %get3A_405 = arith.index_cast %multiple_of3A_404 : i32 to index
    %get3A_406 = arith.constant 0 : index
    %get3A_407 = vector.load %arg2[%get3A_405, %get3A_406] : memref<2688x768xf32, #tpu.memory_space<vmem>>, vector<128x768xf32>
    %convert_element_type3A_408 = arith.truncf %get3A_407 : vector<128x768xf32> to vector<128x768xbf16>
    %get3A_409 = arith.constant 5 : index
    %get3A_410 = arith.constant 0 : index
    %get3A_411 = arith.constant 0 : index
    %get3A_412 = vector.load %arg3[%get3A_409, %get3A_410, %get3A_411] : memref<8x768x64xbf16, #tpu.memory_space<vmem>>, vector<1x768x64xbf16>
    %get3A_413 = vector.shape_cast %get3A_412 : vector<1x768x64xbf16> to vector<768x64xbf16>
    %dot_general3A_414 = arith.constant dense<0.000000e+00> : vector<128x64xf32>
    %dot_general3A_415 = tpu.matmul %convert_element_type3A_408, %get3A_413, %dot_general3A_414 {dimension_numbers = #tpu.dot_dimension_numbers<[1], [0], [0], [1], [0, 0, 1, 1], [], []>, transpose_lhs_hint = false} : vector<128x768xbf16>, vector<768x64xbf16>, vector<128x64xf32> -> vector<128x64xf32>
    %get3A_416 = arith.constant 5 : index
    %get3A_417 = arith.constant 0 : index
    %get3A_418 = arith.constant 0 : index
    %get3A_419 = vector.load %arg4[%get3A_416, %get3A_417, %get3A_418] : memref<8x768x64xf32, #tpu.memory_space<vmem>>, vector<1x768x64xf32>
    %get3A_420 = vector.shape_cast %get3A_419 : vector<1x768x64xf32> to vector<768x64xf32>
    %dot_general3A_421 = arith.constant dense<0.000000e+00> : vector<128x64xf32>
    %dot_general3A_422 = tpu.matmul %get3A_407, %get3A_420, %dot_general3A_421 {dimension_numbers = #tpu.dot_dimension_numbers<[1], [0], [0], [1], [0, 0, 1, 1], [], []>, transpose_lhs_hint = false} : vector<128x768xf32>, vector<768x64xf32>, vector<128x64xf32> -> vector<128x64xf32>
    %tanh3A_423 = math.tanh %dot_general3A_415 : vector<128x64xf32>
    %custom_jvp_call3A_424 = arith.constant 0.000000e+00 : f32
    %max3A_425 = vector.broadcast %custom_jvp_call3A_424 : f32 to vector<128x64xf32>
    %max3A_426 = arith.maximumf %dot_general3A_422, %max3A_425 : vector<128x64xf32>
    %sub3A_427 = vector.broadcast %custom_jvp_call3A_424 : f32 to vector<128x64xf32>
    %sub3A_428 = arith.subf %dot_general3A_422, %sub3A_427 : vector<128x64xf32>
    %ne3A_429 = arith.cmpf one, %sub3A_428, %sub3A_428 : vector<128x64xf32>
    %add3A_430 = vector.broadcast %custom_jvp_call3A_424 : f32 to vector<128x64xf32>
    %add3A_431 = arith.addf %dot_general3A_422, %add3A_430 : vector<128x64xf32>
    %abs3A_432 = math.absf %sub3A_428 : vector<128x64xf32>
    %neg3A_433 = arith.constant 0.000000e+00 : f32
    %neg3A_434 = vector.broadcast %neg3A_433 : f32 to vector<128x64xf32>
    %neg3A_435 = arith.subf %neg3A_434, %abs3A_432 : vector<128x64xf32>
    %exp3A_436 = math.exp %neg3A_435 : vector<128x64xf32>
    %log1p3A_437 = math.log1p %exp3A_436 : vector<128x64xf32>
    %add3A_438 = arith.addf %max3A_426, %log1p3A_437 : vector<128x64xf32>
    %select_n3A_439 = arith.select %ne3A_429, %add3A_431, %add3A_438 : vector<128x64xi1>, vector<128x64xf32>
    %add3A_440 = arith.constant 1.000000e-01 : f32
    %add3A_441 = vector.broadcast %add3A_440 : f32 to vector<128x64xf32>
    %add3A_442 = arith.addf %select_n3A_439, %add3A_441 : vector<128x64xf32>
    %get3A_443 = arith.constant 5 : index
    %get3A_444 = arith.constant 0 : index
    %get3A_445 = arith.constant 0 : index
    %get3A_446 = vector.load %arg5[%get3A_443, %get3A_444, %get3A_445] : memref<8x1x64xf32, #tpu.memory_space<vmem>>, vector<1x1x64xf32>
    %get3A_447 = vector.shape_cast %get3A_446 : vector<1x1x64xf32> to vector<64xf32>
    %broadcast_in_dim3A_448 = vector.shape_cast %get3A_447 : vector<64xf32> to vector<1x64xf32>
    %add3A_449 = vector.broadcast %broadcast_in_dim3A_448 : vector<1x64xf32> to vector<128x64xf32>
    %add3A_450 = arith.addf %add3A_442, %add3A_449 : vector<128x64xf32>
    %cos3A_451 = math.cos %add3A_450 : vector<128x64xf32>
    %mul3A_452 = arith.mulf %tanh3A_423, %cos3A_451 : vector<128x64xf32>
    %convert_element_type3A_453 = arith.truncf %mul3A_452 : vector<128x64xf32> to vector<128x64xbf16>
    %get3A_454 = arith.constant 5 : index
    %get3A_455 = arith.constant 0 : index
    %get3A_456 = arith.constant 0 : index
    %get3A_457 = vector.load %arg6[%get3A_454, %get3A_455, %get3A_456] : memref<8x64x768xbf16, #tpu.memory_space<vmem>>, vector<1x64x768xbf16>
    %get3A_458 = vector.shape_cast %get3A_457 : vector<1x64x768xbf16> to vector<64x768xbf16>
    %dot_general3A_459 = arith.constant dense<0.000000e+00> : vector<128x768xf32>
    %dot_general3A_460 = tpu.matmul %convert_element_type3A_453, %get3A_458, %dot_general3A_459 {dimension_numbers = #tpu.dot_dimension_numbers<[1], [0], [0], [1], [0, 0, 1, 1], [], []>, transpose_lhs_hint = false} : vector<128x64xbf16>, vector<64x768xbf16>, vector<128x768xf32> -> vector<128x768xf32>
    %mul3A_461 = arith.mulf %dot_general3A_460, %dot_general3A_460 : vector<128x768xf32>
    %reduce_sum3A_462 = arith.constant dense<0.000000e+00> : vector<128xf32>
    %reduce_sum3A_463 = vector.multi_reduction <add>, %mul3A_461, %reduce_sum3A_462 [1] : vector<128x768xf32> to vector<128xf32>
    %broadcast_in_dim3A_464 = vector.shape_cast %reduce_sum3A_463 : vector<128xf32> to vector<128x1xf32>
    %div3A_465 = arith.constant 7.680000e+02 : f32
    %div3A_466 = vector.broadcast %div3A_465 : f32 to vector<128x1xf32>
    %div3A_467 = arith.divf %broadcast_in_dim3A_464, %div3A_466 : vector<128x1xf32>
    %add3A_468 = arith.constant 9.99999997E-7 : f32
    %add3A_469 = vector.broadcast %add3A_468 : f32 to vector<128x1xf32>
    %add3A_470 = arith.addf %div3A_467, %add3A_469 : vector<128x1xf32>
    %rsqrt3A_471 = math.rsqrt %add3A_470 : vector<128x1xf32>
    %mul3A_472 = vector.broadcast %rsqrt3A_471 : vector<128x1xf32> to vector<128x768xf32>
    %mul3A_473 = arith.mulf %dot_general3A_460, %mul3A_472 : vector<128x768xf32>
    %get3A_474 = arith.constant 0 : index
    %get3A_475 = arith.constant 0 : index
    %get3A_476 = vector.load %arg7[%get3A_474, %get3A_475] : memref<1x768xf32, #tpu.memory_space<vmem>>, vector<1x768xf32>
    %mul3A_477 = vector.broadcast %get3A_476 : vector<1x768xf32> to vector<128x768xf32>
    %mul3A_478 = arith.mulf %mul3A_473, %mul3A_477 : vector<128x768xf32>
    %swap3A_479 = arith.index_cast %multiple_of3A_404 : i32 to index
    %swap3A_480 = arith.constant 0 : index
    %swap3A_481 = vector.load %arg8[%swap3A_479, %swap3A_480] : memref<2688x768xf32, #tpu.memory_space<vmem>>, vector<128x768xf32>
    tpu.vector_store %arg8[%swap3A_479, %swap3A_480], %mul3A_478 {strides = array<i32>} : memref<2688x768xf32, #tpu.memory_space<vmem>>, vector<128x768xf32>,
    %mul3A_482 = arith.constant 8 : i32
    %mul3A_483 = arith.muli %arg0, %mul3A_482 : i32
    %add3A_484 = arith.constant 6 : i32
    %add3A_485 = arith.addi %mul3A_483, %add3A_484 : i32
    %get3A_486 = arith.index_cast %add3A_485 : i32 to index
    %get3A_487 = memref.load %arg1[%get3A_486] : memref<128xi32, #tpu.memory_space<smem>>
    %multiple_of3A_488 = tpu.assume_multiple %get3A_487, 8 : i32
    %get3A_489 = arith.index_cast %multiple_of3A_488 : i32 to index
    %get3A_490 = arith.constant 0 : index
    %get3A_491 = vector.load %arg2[%get3A_489, %get3A_490] : memref<2688x768xf32, #tpu.memory_space<vmem>>, vector<128x768xf32>
    %convert_element_type3A_492 = arith.truncf %get3A_491 : vector<128x768xf32> to vector<128x768xbf16>
    %get3A_493 = arith.constant 6 : index
    %get3A_494 = arith.constant 0 : index
    %get3A_495 = arith.constant 0 : index
    %get3A_496 = vector.load %arg3[%get3A_493, %get3A_494, %get3A_495] : memref<8x768x64xbf16, #tpu.memory_space<vmem>>, vector<1x768x64xbf16>
    %get3A_497 = vector.shape_cast %get3A_496 : vector<1x768x64xbf16> to vector<768x64xbf16>
    %dot_general3A_498 = arith.constant dense<0.000000e+00> : vector<128x64xf32>
    %dot_general3A_499 = tpu.matmul %convert_element_type3A_492, %get3A_497, %dot_general3A_498 {dimension_numbers = #tpu.dot_dimension_numbers<[1], [0], [0], [1], [0, 0, 1, 1], [], []>, transpose_lhs_hint = false} : vector<128x768xbf16>, vector<768x64xbf16>, vector<128x64xf32> -> vector<128x64xf32>
    %get3A_500 = arith.constant 6 : index
    %get3A_501 = arith.constant 0 : index
    %get3A_502 = arith.constant 0 : index
    %get3A_503 = vector.load %arg4[%get3A_500, %get3A_501, %get3A_502] : memref<8x768x64xf32, #tpu.memory_space<vmem>>, vector<1x768x64xf32>
    %get3A_504 = vector.shape_cast %get3A_503 : vector<1x768x64xf32> to vector<768x64xf32>
    %dot_general3A_505 = arith.constant dense<0.000000e+00> : vector<128x64xf32>
    %dot_general3A_506 = tpu.matmul %get3A_491, %get3A_504, %dot_general3A_505 {dimension_numbers = #tpu.dot_dimension_numbers<[1], [0], [0], [1], [0, 0, 1, 1], [], []>, transpose_lhs_hint = false} : vector<128x768xf32>, vector<768x64xf32>, vector<128x64xf32> -> vector<128x64xf32>
    %tanh3A_507 = math.tanh %dot_general3A_499 : vector<128x64xf32>
    %custom_jvp_call3A_508 = arith.constant 0.000000e+00 : f32
    %max3A_509 = vector.broadcast %custom_jvp_call3A_508 : f32 to vector<128x64xf32>
    %max3A_510 = arith.maximumf %dot_general3A_506, %max3A_509 : vector<128x64xf32>
    %sub3A_511 = vector.broadcast %custom_jvp_call3A_508 : f32 to vector<128x64xf32>
    %sub3A_512 = arith.subf %dot_general3A_506, %sub3A_511 : vector<128x64xf32>
    %ne3A_513 = arith.cmpf one, %sub3A_512, %sub3A_512 : vector<128x64xf32>
    %add3A_514 = vector.broadcast %custom_jvp_call3A_508 : f32 to vector<128x64xf32>
    %add3A_515 = arith.addf %dot_general3A_506, %add3A_514 : vector<128x64xf32>
    %abs3A_516 = math.absf %sub3A_512 : vector<128x64xf32>
    %neg3A_517 = arith.constant 0.000000e+00 : f32
    %neg3A_518 = vector.broadcast %neg3A_517 : f32 to vector<128x64xf32>
    %neg3A_519 = arith.subf %neg3A_518, %abs3A_516 : vector<128x64xf32>
    %exp3A_520 = math.exp %neg3A_519 : vector<128x64xf32>
    %log1p3A_521 = math.log1p %exp3A_520 : vector<128x64xf32>
    %add3A_522 = arith.addf %max3A_510, %log1p3A_521 : vector<128x64xf32>
    %select_n3A_523 = arith.select %ne3A_513, %add3A_515, %add3A_522 : vector<128x64xi1>, vector<128x64xf32>
    %add3A_524 = arith.constant 1.000000e-01 : f32
    %add3A_525 = vector.broadcast %add3A_524 : f32 to vector<128x64xf32>
    %add3A_526 = arith.addf %select_n3A_523, %add3A_525 : vector<128x64xf32>
    %get3A_527 = arith.constant 6 : index
    %get3A_528 = arith.constant 0 : index
    %get3A_529 = arith.constant 0 : index
    %get3A_530 = vector.load %arg5[%get3A_527, %get3A_528, %get3A_529] : memref<8x1x64xf32, #tpu.memory_space<vmem>>, vector<1x1x64xf32>
    %get3A_531 = vector.shape_cast %get3A_530 : vector<1x1x64xf32> to vector<64xf32>
    %broadcast_in_dim3A_532 = vector.shape_cast %get3A_531 : vector<64xf32> to vector<1x64xf32>
    %add3A_533 = vector.broadcast %broadcast_in_dim3A_532 : vector<1x64xf32> to vector<128x64xf32>
    %add3A_534 = arith.addf %add3A_526, %add3A_533 : vector<128x64xf32>
    %cos3A_535 = math.cos %add3A_534 : vector<128x64xf32>
    %mul3A_536 = arith.mulf %tanh3A_507, %cos3A_535 : vector<128x64xf32>
    %convert_element_type3A_537 = arith.truncf %mul3A_536 : vector<128x64xf32> to vector<128x64xbf16>
    %get3A_538 = arith.constant 6 : index
    %get3A_539 = arith.constant 0 : index
    %get3A_540 = arith.constant 0 : index
    %get3A_541 = vector.load %arg6[%get3A_538, %get3A_539, %get3A_540] : memref<8x64x768xbf16, #tpu.memory_space<vmem>>, vector<1x64x768xbf16>
    %get3A_542 = vector.shape_cast %get3A_541 : vector<1x64x768xbf16> to vector<64x768xbf16>
    %dot_general3A_543 = arith.constant dense<0.000000e+00> : vector<128x768xf32>
    %dot_general3A_544 = tpu.matmul %convert_element_type3A_537, %get3A_542, %dot_general3A_543 {dimension_numbers = #tpu.dot_dimension_numbers<[1], [0], [0], [1], [0, 0, 1, 1], [], []>, transpose_lhs_hint = false} : vector<128x64xbf16>, vector<64x768xbf16>, vector<128x768xf32> -> vector<128x768xf32>
    %mul3A_545 = arith.mulf %dot_general3A_544, %dot_general3A_544 : vector<128x768xf32>
    %reduce_sum3A_546 = arith.constant dense<0.000000e+00> : vector<128xf32>
    %reduce_sum3A_547 = vector.multi_reduction <add>, %mul3A_545, %reduce_sum3A_546 [1] : vector<128x768xf32> to vector<128xf32>
    %broadcast_in_dim3A_548 = vector.shape_cast %reduce_sum3A_547 : vector<128xf32> to vector<128x1xf32>
    %div3A_549 = arith.constant 7.680000e+02 : f32
    %div3A_550 = vector.broadcast %div3A_549 : f32 to vector<128x1xf32>
    %div3A_551 = arith.divf %broadcast_in_dim3A_548, %div3A_550 : vector<128x1xf32>
    %add3A_552 = arith.constant 9.99999997E-7 : f32
    %add3A_553 = vector.broadcast %add3A_552 : f32 to vector<128x1xf32>
    %add3A_554 = arith.addf %div3A_551, %add3A_553 : vector<128x1xf32>
    %rsqrt3A_555 = math.rsqrt %add3A_554 : vector<128x1xf32>
    %mul3A_556 = vector.broadcast %rsqrt3A_555 : vector<128x1xf32> to vector<128x768xf32>
    %mul3A_557 = arith.mulf %dot_general3A_544, %mul3A_556 : vector<128x768xf32>
    %get3A_558 = arith.constant 0 : index
    %get3A_559 = arith.constant 0 : index
    %get3A_560 = vector.load %arg7[%get3A_558, %get3A_559] : memref<1x768xf32, #tpu.memory_space<vmem>>, vector<1x768xf32>
    %mul3A_561 = vector.broadcast %get3A_560 : vector<1x768xf32> to vector<128x768xf32>
    %mul3A_562 = arith.mulf %mul3A_557, %mul3A_561 : vector<128x768xf32>
    %swap3A_563 = arith.index_cast %multiple_of3A_488 : i32 to index
    %swap3A_564 = arith.constant 0 : index
    %swap3A_565 = vector.load %arg8[%swap3A_563, %swap3A_564] : memref<2688x768xf32, #tpu.memory_space<vmem>>, vector<128x768xf32>
    tpu.vector_store %arg8[%swap3A_563, %swap3A_564], %mul3A_562 {strides = array<i32>} : memref<2688x768xf32, #tpu.memory_space<vmem>>, vector<128x768xf32>,
    %mul3A_566 = arith.constant 8 : i32
    %mul3A_567 = arith.muli %arg0, %mul3A_566 : i32
    %add3A_568 = arith.constant 7 : i32
    %add3A_569 = arith.addi %mul3A_567, %add3A_568 : i32
    %get3A_570 = arith.index_cast %add3A_569 : i32 to index
    %get3A_571 = memref.load %arg1[%get3A_570] : memref<128xi32, #tpu.memory_space<smem>>
    %multiple_of3A_572 = tpu.assume_multiple %get3A_571, 8 : i32
    %get3A_573 = arith.index_cast %multiple_of3A_572 : i32 to index
    %get3A_574 = arith.constant 0 : index
    %get3A_575 = vector.load %arg2[%get3A_573, %get3A_574] : memref<2688x768xf32, #tpu.memory_space<vmem>>, vector<128x768xf32>
    %convert_element_type3A_576 = arith.truncf %get3A_575 : vector<128x768xf32> to vector<128x768xbf16>
    %get3A_577 = arith.constant 7 : index
    %get3A_578 = arith.constant 0 : index
    %get3A_579 = arith.constant 0 : index
    %get3A_580 = vector.load %arg3[%get3A_577, %get3A_578, %get3A_579] : memref<8x768x64xbf16, #tpu.memory_space<vmem>>, vector<1x768x64xbf16>
    %get3A_581 = vector.shape_cast %get3A_580 : vector<1x768x64xbf16> to vector<768x64xbf16>
    %dot_general3A_582 = arith.constant dense<0.000000e+00> : vector<128x64xf32>
    %dot_general3A_583 = tpu.matmul %convert_element_type3A_576, %get3A_581, %dot_general3A_582 {dimension_numbers = #tpu.dot_dimension_numbers<[1], [0], [0], [1], [0, 0, 1, 1], [], []>, transpose_lhs_hint = false} : vector<128x768xbf16>, vector<768x64xbf16>, vector<128x64xf32> -> vector<128x64xf32>
    %get3A_584 = arith.constant 7 : index
    %get3A_585 = arith.constant 0 : index
    %get3A_586 = arith.constant 0 : index
    %get3A_587 = vector.load %arg4[%get3A_584, %get3A_585, %get3A_586] : memref<8x768x64xf32, #tpu.memory_space<vmem>>, vector<1x768x64xf32>
    %get3A_588 = vector.shape_cast %get3A_587 : vector<1x768x64xf32> to vector<768x64xf32>
    %dot_general3A_589 = arith.constant dense<0.000000e+00> : vector<128x64xf32>
    %dot_general3A_590 = tpu.matmul %get3A_575, %get3A_588, %dot_general3A_589 {dimension_numbers = #tpu.dot_dimension_numbers<[1], [0], [0], [1], [0, 0, 1, 1], [], []>, transpose_lhs_hint = false} : vector<128x768xf32>, vector<768x64xf32>, vector<128x64xf32> -> vector<128x64xf32>
    %tanh3A_591 = math.tanh %dot_general3A_583 : vector<128x64xf32>
    %custom_jvp_call3A_592 = arith.constant 0.000000e+00 : f32
    %max3A_593 = vector.broadcast %custom_jvp_call3A_592 : f32 to vector<128x64xf32>
    %max3A_594 = arith.maximumf %dot_general3A_590, %max3A_593 : vector<128x64xf32>
    %sub3A_595 = vector.broadcast %custom_jvp_call3A_592 : f32 to vector<128x64xf32>
    %sub3A_596 = arith.subf %dot_general3A_590, %sub3A_595 : vector<128x64xf32>
    %ne3A_597 = arith.cmpf one, %sub3A_596, %sub3A_596 : vector<128x64xf32>
    %add3A_598 = vector.broadcast %custom_jvp_call3A_592 : f32 to vector<128x64xf32>
    %add3A_599 = arith.addf %dot_general3A_590, %add3A_598 : vector<128x64xf32>
    %abs3A_600 = math.absf %sub3A_596 : vector<128x64xf32>
    %neg3A_601 = arith.constant 0.000000e+00 : f32
    %neg3A_602 = vector.broadcast %neg3A_601 : f32 to vector<128x64xf32>
    %neg3A_603 = arith.subf %neg3A_602, %abs3A_600 : vector<128x64xf32>
    %exp3A_604 = math.exp %neg3A_603 : vector<128x64xf32>
    %log1p3A_605 = math.log1p %exp3A_604 : vector<128x64xf32>
    %add3A_606 = arith.addf %max3A_594, %log1p3A_605 : vector<128x64xf32>
    %select_n3A_607 = arith.select %ne3A_597, %add3A_599, %add3A_606 : vector<128x64xi1>, vector<128x64xf32>
    %add3A_608 = arith.constant 1.000000e-01 : f32
    %add3A_609 = vector.broadcast %add3A_608 : f32 to vector<128x64xf32>
    %add3A_610 = arith.addf %select_n3A_607, %add3A_609 : vector<128x64xf32>
    %get3A_611 = arith.constant 7 : index
    %get3A_612 = arith.constant 0 : index
    %get3A_613 = arith.constant 0 : index
    %get3A_614 = vector.load %arg5[%get3A_611, %get3A_612, %get3A_613] : memref<8x1x64xf32, #tpu.memory_space<vmem>>, vector<1x1x64xf32>
    %get3A_615 = vector.shape_cast %get3A_614 : vector<1x1x64xf32> to vector<64xf32>
    %broadcast_in_dim3A_616 = vector.shape_cast %get3A_615 : vector<64xf32> to vector<1x64xf32>
    %add3A_617 = vector.broadcast %broadcast_in_dim3A_616 : vector<1x64xf32> to vector<128x64xf32>
    %add3A_618 = arith.addf %add3A_610, %add3A_617 : vector<128x64xf32>
    %cos3A_619 = math.cos %add3A_618 : vector<128x64xf32>
    %mul3A_620 = arith.mulf %tanh3A_591, %cos3A_619 : vector<128x64xf32>
    %convert_element_type3A_621 = arith.truncf %mul3A_620 : vector<128x64xf32> to vector<128x64xbf16>
    %get3A_622 = arith.constant 7 : index
    %get3A_623 = arith.constant 0 : index
    %get3A_624 = arith.constant 0 : index
    %get3A_625 = vector.load %arg6[%get3A_622, %get3A_623, %get3A_624] : memref<8x64x768xbf16, #tpu.memory_space<vmem>>, vector<1x64x768xbf16>
    %get3A_626 = vector.shape_cast %get3A_625 : vector<1x64x768xbf16> to vector<64x768xbf16>
    %dot_general3A_627 = arith.constant dense<0.000000e+00> : vector<128x768xf32>
    %dot_general3A_628 = tpu.matmul %convert_element_type3A_621, %get3A_626, %dot_general3A_627 {dimension_numbers = #tpu.dot_dimension_numbers<[1], [0], [0], [1], [0, 0, 1, 1], [], []>, transpose_lhs_hint = false} : vector<128x64xbf16>, vector<64x768xbf16>, vector<128x768xf32> -> vector<128x768xf32>
    %mul3A_629 = arith.mulf %dot_general3A_628, %dot_general3A_628 : vector<128x768xf32>
    %reduce_sum3A_630 = arith.constant dense<0.000000e+00> : vector<128xf32>
    %reduce_sum3A_631 = vector.multi_reduction <add>, %mul3A_629, %reduce_sum3A_630 [1] : vector<128x768xf32> to vector<128xf32>
    %broadcast_in_dim3A_632 = vector.shape_cast %reduce_sum3A_631 : vector<128xf32> to vector<128x1xf32>
    %div3A_633 = arith.constant 7.680000e+02 : f32
    %div3A_634 = vector.broadcast %div3A_633 : f32 to vector<128x1xf32>
    %div3A_635 = arith.divf %broadcast_in_dim3A_632, %div3A_634 : vector<128x1xf32>
    %add3A_636 = arith.constant 9.99999997E-7 : f32
    %add3A_637 = vector.broadcast %add3A_636 : f32 to vector<128x1xf32>
    %add3A_638 = arith.addf %div3A_635, %add3A_637 : vector<128x1xf32>
    %rsqrt3A_639 = math.rsqrt %add3A_638 : vector<128x1xf32>
    %mul3A_640 = vector.broadcast %rsqrt3A_639 : vector<128x1xf32> to vector<128x768xf32>
    %mul3A_641 = arith.mulf %dot_general3A_628, %mul3A_640 : vector<128x768xf32>
    %get3A_642 = arith.constant 0 : index
    %get3A_643 = arith.constant 0 : index
    %get3A_644 = vector.load %arg7[%get3A_642, %get3A_643] : memref<1x768xf32, #tpu.memory_space<vmem>>, vector<1x768xf32>
    %mul3A_645 = vector.broadcast %get3A_644 : vector<1x768xf32> to vector<128x768xf32>
    %mul3A_646 = arith.mulf %mul3A_641, %mul3A_645 : vector<128x768xf32>
    %swap3A_647 = arith.index_cast %multiple_of3A_572 : i32 to index
    %swap3A_648 = arith.constant 0 : index
    %swap3A_649 = vector.load %arg8[%swap3A_647, %swap3A_648] : memref<2688x768xf32, #tpu.memory_space<vmem>>, vector<128x768xf32>
    tpu.vector_store %arg8[%swap3A_647, %swap3A_648], %mul3A_646 {strides = array<i32>} : memref<2688x768xf32, #tpu.memory_space<vmem>>, vector<128x768xf32>,
    %mul3A_650 = arith.constant 8 : i32
    %mul3A_651 = arith.muli %arg0, %mul3A_650 : i32
    %add3A_652 = arith.constant 0 : i32
    %add3A_653 = arith.addi %mul3A_651, %add3A_652 : i32
    %get3A_654 = arith.index_cast %add3A_653 : i32 to index
    %get3A_655 = memref.load %arg1[%get3A_654] : memref<128xi32, #tpu.memory_space<smem>>
    %add3A_656 = arith.constant 1 : i32
    %add3A_657 = arith.addi %add3A_653, %add3A_656 : i32
    %get3A_658 = arith.index_cast %add3A_657 : i32 to index
    %get3A_659 = memref.load %arg1[%get3A_658] : memref<128xi32, #tpu.memory_space<smem>>
    %sub3A_660 = arith.subi %get3A_659, %get3A_655 : i32
    %add3A_661 = arith.constant 128 : i32
    %add3A_662 = arith.addi %sub3A_660, %add3A_661 : i32
    %sub3A_663 = arith.constant 1 : i32
    %sub3A_664 = arith.subi %add3A_662, %sub3A_663 : i32
    %jit3A = arith.constant 128 : i32
    %div3A_665 = arith.divsi %sub3A_664, %jit3A : i32
    %sign3A = arith.constant 0 : i32
    %sign3A_666 = arith.cmpi sgt, %sub3A_664, %sign3A : i32
    %sign3A_667 = arith.extui %sign3A_666 : i1 to i32
    %sign3A_668 = arith.constant 0 : i32
    %sign3A_669 = arith.cmpi slt, %sub3A_664, %sign3A_668 : i32
    %sign3A_670 = arith.extui %sign3A_669 : i1 to i32
    %sign3A_671 = arith.subi %sign3A_667, %sign3A_670 : i32
    %sign3A_672 = arith.constant 0 : i32
    %sign3A_673 = arith.cmpi sgt, %jit3A, %sign3A_672 : i32
    %sign3A_674 = arith.extui %sign3A_673 : i1 to i32
    %sign3A_675 = arith.constant 0 : i32
    %sign3A_676 = arith.cmpi slt, %jit3A, %sign3A_675 : i32
    %sign3A_677 = arith.extui %sign3A_676 : i1 to i32
    %sign3A_678 = arith.subi %sign3A_674, %sign3A_677 : i32
    %ne3A_679 = arith.cmpi ne, %sign3A_671, %sign3A_678 : i32
    %rem3A = arith.remsi %sub3A_664, %jit3A : i32
    %ne3A_680 = arith.constant 0 : i32
    %ne3A_681 = arith.cmpi ne, %rem3A, %ne3A_680 : i32
    %and3A = arith.andi %ne3A_679, %ne3A_681 : i1
    %sub3A_682 = arith.constant 1 : i32
    %sub3A_683 = arith.subi %div3A_665, %sub3A_682 : i32
    %select_n3A_684 = arith.select %and3A, %sub3A_683, %div3A_665 : i32
    %while3A = arith.constant 0 : i32
    %while3A_685 = arith.constant 1 : i32
    %while3A_686 = arith.subi %select_n3A_684, %while3A_685 : i32
    %while3A_687 = arith.addi %while3A_685, %while3A_686 : i32
    %while3A_688 = arith.constant 1 : i32
    %while3A_689 = arith.divsi %while3A_686, %while3A_688 : i32
    %while3A_690 = arith.muli %while3A_689, %while3A_688 : i32
    %while3A_691 = arith.addi %while3A_685, %while3A_690 : i32
    %while3A_692 = arith.constant 1 : i32
    scf.for %while3A_1037 = %while3A_685 to %while3A_691 step %while3A_692  : i32 {
      %mul3A_1038 = arith.constant 128 : i32
      %mul3A_1039 = arith.muli %while3A_1037, %mul3A_1038 : i32
      %sub3A_1040 = arith.constant 128 : i32
      %sub3A_1041 = arith.subi %sub3A_660, %sub3A_1040 : i32
      %min3A = arith.minsi %mul3A_1039, %sub3A_1041 : i32
      %add3A_1042 = arith.addi %get3A_655, %min3A : i32
      %multiple_of3A_1043 = tpu.assume_multiple %add3A_1042, 8 : i32
      %get3A_1044 = arith.index_cast %multiple_of3A_1043 : i32 to index
      %get3A_1045 = arith.constant 0 : index
      %get3A_1046 = vector.load %arg2[%get3A_1044, %get3A_1045] : memref<2688x768xf32, #tpu.memory_space<vmem>>, vector<128x768xf32>
      %convert_element_type3A_1047 = arith.truncf %get3A_1046 : vector<128x768xf32> to vector<128x768xbf16>
      %get3A_1048 = arith.constant 0 : index
      %get3A_1049 = arith.constant 0 : index
      %get3A_1050 = arith.constant 0 : index
      %get3A_1051 = vector.load %arg3[%get3A_1048, %get3A_1049, %get3A_1050] : memref<8x768x64xbf16, #tpu.memory_space<vmem>>, vector<1x768x64xbf16>
      %get3A_1052 = vector.shape_cast %get3A_1051 : vector<1x768x64xbf16> to vector<768x64xbf16>
      %dot_general3A_1053 = arith.constant dense<0.000000e+00> : vector<128x64xf32>
      %dot_general3A_1054 = tpu.matmul %convert_element_type3A_1047, %get3A_1052, %dot_general3A_1053 {dimension_numbers = #tpu.dot_dimension_numbers<[1], [0], [0], [1], [0, 0, 1, 1], [], []>, transpose_lhs_hint = false} : vector<128x768xbf16>, vector<768x64xbf16>, vector<128x64xf32> -> vector<128x64xf32>
      %get3A_1055 = arith.constant 0 : index
      %get3A_1056 = arith.constant 0 : index
      %get3A_1057 = arith.constant 0 : index
      %get3A_1058 = vector.load %arg4[%get3A_1055, %get3A_1056, %get3A_1057] : memref<8x768x64xf32, #tpu.memory_space<vmem>>, vector<1x768x64xf32>
      %get3A_1059 = vector.shape_cast %get3A_1058 : vector<1x768x64xf32> to vector<768x64xf32>
      %dot_general3A_1060 = arith.constant dense<0.000000e+00> : vector<128x64xf32>
      %dot_general3A_1061 = tpu.matmul %get3A_1046, %get3A_1059, %dot_general3A_1060 {dimension_numbers = #tpu.dot_dimension_numbers<[1], [0], [0], [1], [0, 0, 1, 1], [], []>, transpose_lhs_hint = false} : vector<128x768xf32>, vector<768x64xf32>, vector<128x64xf32> -> vector<128x64xf32>
      %tanh3A_1062 = math.tanh %dot_general3A_1054 : vector<128x64xf32>
      %custom_jvp_call3A_1063 = arith.constant 0.000000e+00 : f32
      %max3A_1064 = vector.broadcast %custom_jvp_call3A_1063 : f32 to vector<128x64xf32>
      %max3A_1065 = arith.maximumf %dot_general3A_1061, %max3A_1064 : vector<128x64xf32>
      %sub3A_1066 = vector.broadcast %custom_jvp_call3A_1063 : f32 to vector<128x64xf32>
      %sub3A_1067 = arith.subf %dot_general3A_1061, %sub3A_1066 : vector<128x64xf32>
      %ne3A_1068 = arith.cmpf one, %sub3A_1067, %sub3A_1067 : vector<128x64xf32>
      %add3A_1069 = vector.broadcast %custom_jvp_call3A_1063 : f32 to vector<128x64xf32>
      %add3A_1070 = arith.addf %dot_general3A_1061, %add3A_1069 : vector<128x64xf32>
      %abs3A_1071 = math.absf %sub3A_1067 : vector<128x64xf32>
      %neg3A_1072 = arith.constant 0.000000e+00 : f32
      %neg3A_1073 = vector.broadcast %neg3A_1072 : f32 to vector<128x64xf32>
      %neg3A_1074 = arith.subf %neg3A_1073, %abs3A_1071 : vector<128x64xf32>
      %exp3A_1075 = math.exp %neg3A_1074 : vector<128x64xf32>
      %log1p3A_1076 = math.log1p %exp3A_1075 : vector<128x64xf32>
      %add3A_1077 = arith.addf %max3A_1065, %log1p3A_1076 : vector<128x64xf32>
      %select_n3A_1078 = arith.select %ne3A_1068, %add3A_1070, %add3A_1077 : vector<128x64xi1>, vector<128x64xf32>
      %add3A_1079 = arith.constant 1.000000e-01 : f32
      %add3A_1080 = vector.broadcast %add3A_1079 : f32 to vector<128x64xf32>
      %add3A_1081 = arith.addf %select_n3A_1078, %add3A_1080 : vector<128x64xf32>
      %get3A_1082 = arith.constant 0 : index
      %get3A_1083 = arith.constant 0 : index
      %get3A_1084 = arith.constant 0 : index
      %get3A_1085 = vector.load %arg5[%get3A_1082, %get3A_1083, %get3A_1084] : memref<8x1x64xf32, #tpu.memory_space<vmem>>, vector<1x1x64xf32>
      %get3A_1086 = vector.shape_cast %get3A_1085 : vector<1x1x64xf32> to vector<64xf32>
      %broadcast_in_dim3A_1087 = vector.shape_cast %get3A_1086 : vector<64xf32> to vector<1x64xf32>
      %add3A_1088 = vector.broadcast %broadcast_in_dim3A_1087 : vector<1x64xf32> to vector<128x64xf32>
      %add3A_1089 = arith.addf %add3A_1081, %add3A_1088 : vector<128x64xf32>
      %cos3A_1090 = math.cos %add3A_1089 : vector<128x64xf32>
      %mul3A_1091 = arith.mulf %tanh3A_1062, %cos3A_1090 : vector<128x64xf32>
      %convert_element_type3A_1092 = arith.truncf %mul3A_1091 : vector<128x64xf32> to vector<128x64xbf16>
      %get3A_1093 = arith.constant 0 : index
      %get3A_1094 = arith.constant 0 : index
      %get3A_1095 = arith.constant 0 : index
      %get3A_1096 = vector.load %arg6[%get3A_1093, %get3A_1094, %get3A_1095] : memref<8x64x768xbf16, #tpu.memory_space<vmem>>, vector<1x64x768xbf16>
      %get3A_1097 = vector.shape_cast %get3A_1096 : vector<1x64x768xbf16> to vector<64x768xbf16>
      %dot_general3A_1098 = arith.constant dense<0.000000e+00> : vector<128x768xf32>
      %dot_general3A_1099 = tpu.matmul %convert_element_type3A_1092, %get3A_1097, %dot_general3A_1098 {dimension_numbers = #tpu.dot_dimension_numbers<[1], [0], [0], [1], [0, 0, 1, 1], [], []>, transpose_lhs_hint = false} : vector<128x64xbf16>, vector<64x768xbf16>, vector<128x768xf32> -> vector<128x768xf32>
      %mul3A_1100 = arith.mulf %dot_general3A_1099, %dot_general3A_1099 : vector<128x768xf32>
      %reduce_sum3A_1101 = arith.constant dense<0.000000e+00> : vector<128xf32>
      %reduce_sum3A_1102 = vector.multi_reduction <add>, %mul3A_1100, %reduce_sum3A_1101 [1] : vector<128x768xf32> to vector<128xf32>
      %broadcast_in_dim3A_1103 = vector.shape_cast %reduce_sum3A_1102 : vector<128xf32> to vector<128x1xf32>
      %div3A_1104 = arith.constant 7.680000e+02 : f32
      %div3A_1105 = vector.broadcast %div3A_1104 : f32 to vector<128x1xf32>
      %div3A_1106 = arith.divf %broadcast_in_dim3A_1103, %div3A_1105 : vector<128x1xf32>
      %add3A_1107 = arith.constant 9.99999997E-7 : f32
      %add3A_1108 = vector.broadcast %add3A_1107 : f32 to vector<128x1xf32>
      %add3A_1109 = arith.addf %div3A_1106, %add3A_1108 : vector<128x1xf32>
      %rsqrt3A_1110 = math.rsqrt %add3A_1109 : vector<128x1xf32>
      %mul3A_1111 = vector.broadcast %rsqrt3A_1110 : vector<128x1xf32> to vector<128x768xf32>
      %mul3A_1112 = arith.mulf %dot_general3A_1099, %mul3A_1111 : vector<128x768xf32>
      %get3A_1113 = arith.constant 0 : index
      %get3A_1114 = arith.constant 0 : index
      %get3A_1115 = vector.load %arg7[%get3A_1113, %get3A_1114] : memref<1x768xf32, #tpu.memory_space<vmem>>, vector<1x768xf32>
      %mul3A_1116 = vector.broadcast %get3A_1115 : vector<1x768xf32> to vector<128x768xf32>
      %mul3A_1117 = arith.mulf %mul3A_1112, %mul3A_1116 : vector<128x768xf32>
      %swap3A_1118 = arith.index_cast %multiple_of3A_1043 : i32 to index
      %swap3A_1119 = arith.constant 0 : index
      %swap3A_1120 = vector.load %arg8[%swap3A_1118, %swap3A_1119] : memref<2688x768xf32, #tpu.memory_space<vmem>>, vector<128x768xf32>
      tpu.vector_store %arg8[%swap3A_1118, %swap3A_1119], %mul3A_1117 {strides = array<i32>} : memref<2688x768xf32, #tpu.memory_space<vmem>>, vector<128x768xf32>,
    }
    %while3A_693 = arith.constant 1 : i32
    scf.for %while3A_1037 = %while3A_691 to %while3A_687 step %while3A_693  : i32 {
      %mul3A_1038 = arith.constant 128 : i32
      %mul3A_1039 = arith.muli %while3A_1037, %mul3A_1038 : i32
      %sub3A_1040 = arith.constant 128 : i32
      %sub3A_1041 = arith.subi %sub3A_660, %sub3A_1040 : i32
      %min3A = arith.minsi %mul3A_1039, %sub3A_1041 : i32
      %add3A_1042 = arith.addi %get3A_655, %min3A : i32
      %multiple_of3A_1043 = tpu.assume_multiple %add3A_1042, 8 : i32
      %get3A_1044 = arith.index_cast %multiple_of3A_1043 : i32 to index
      %get3A_1045 = arith.constant 0 : index
      %get3A_1046 = vector.load %arg2[%get3A_1044, %get3A_1045] : memref<2688x768xf32, #tpu.memory_space<vmem>>, vector<128x768xf32>
      %convert_element_type3A_1047 = arith.truncf %get3A_1046 : vector<128x768xf32> to vector<128x768xbf16>
      %get3A_1048 = arith.constant 0 : index
      %get3A_1049 = arith.constant 0 : index
      %get3A_1050 = arith.constant 0 : index
      %get3A_1051 = vector.load %arg3[%get3A_1048, %get3A_1049, %get3A_1050] : memref<8x768x64xbf16, #tpu.memory_space<vmem>>, vector<1x768x64xbf16>
      %get3A_1052 = vector.shape_cast %get3A_1051 : vector<1x768x64xbf16> to vector<768x64xbf16>
      %dot_general3A_1053 = arith.constant dense<0.000000e+00> : vector<128x64xf32>
      %dot_general3A_1054 = tpu.matmul %convert_element_type3A_1047, %get3A_1052, %dot_general3A_1053 {dimension_numbers = #tpu.dot_dimension_numbers<[1], [0], [0], [1], [0, 0, 1, 1], [], []>, transpose_lhs_hint = false} : vector<128x768xbf16>, vector<768x64xbf16>, vector<128x64xf32> -> vector<128x64xf32>
      %get3A_1055 = arith.constant 0 : index
      %get3A_1056 = arith.constant 0 : index
      %get3A_1057 = arith.constant 0 : index
      %get3A_1058 = vector.load %arg4[%get3A_1055, %get3A_1056, %get3A_1057] : memref<8x768x64xf32, #tpu.memory_space<vmem>>, vector<1x768x64xf32>
      %get3A_1059 = vector.shape_cast %get3A_1058 : vector<1x768x64xf32> to vector<768x64xf32>
      %dot_general3A_1060 = arith.constant dense<0.000000e+00> : vector<128x64xf32>
      %dot_general3A_1061 = tpu.matmul %get3A_1046, %get3A_1059, %dot_general3A_1060 {dimension_numbers = #tpu.dot_dimension_numbers<[1], [0], [0], [1], [0, 0, 1, 1], [], []>, transpose_lhs_hint = false} : vector<128x768xf32>, vector<768x64xf32>, vector<128x64xf32> -> vector<128x64xf32>
      %tanh3A_1062 = math.tanh %dot_general3A_1054 : vector<128x64xf32>
      %custom_jvp_call3A_1063 = arith.constant 0.000000e+00 : f32
      %max3A_1064 = vector.broadcast %custom_jvp_call3A_1063 : f32 to vector<128x64xf32>
      %max3A_1065 = arith.maximumf %dot_general3A_1061, %max3A_1064 : vector<128x64xf32>
      %sub3A_1066 = vector.broadcast %custom_jvp_call3A_1063 : f32 to vector<128x64xf32>
      %sub3A_1067 = arith.subf %dot_general3A_1061, %sub3A_1066 : vector<128x64xf32>
      %ne3A_1068 = arith.cmpf one, %sub3A_1067, %sub3A_1067 : vector<128x64xf32>
      %add3A_1069 = vector.broadcast %custom_jvp_call3A_1063 : f32 to vector<128x64xf32>
      %add3A_1070 = arith.addf %dot_general3A_1061, %add3A_1069 : vector<128x64xf32>
      %abs3A_1071 = math.absf %sub3A_1067 : vector<128x64xf32>
      %neg3A_1072 = arith.constant 0.000000e+00 : f32
      %neg3A_1073 = vector.broadcast %neg3A_1072 : f32 to vector<128x64xf32>
      %neg3A_1074 = arith.subf %neg3A_1073, %abs3A_1071 : vector<128x64xf32>
      %exp3A_1075 = math.exp %neg3A_1074 : vector<128x64xf32>
      %log1p3A_1076 = math.log1p %exp3A_1075 : vector<128x64xf32>
      %add3A_1077 = arith.addf %max3A_1065, %log1p3A_1076 : vector<128x64xf32>
      %select_n3A_1078 = arith.select %ne3A_1068, %add3A_1070, %add3A_1077 : vector<128x64xi1>, vector<128x64xf32>
      %add3A_1079 = arith.constant 1.000000e-01 : f32
      %add3A_1080 = vector.broadcast %add3A_1079 : f32 to vector<128x64xf32>
      %add3A_1081 = arith.addf %select_n3A_1078, %add3A_1080 : vector<128x64xf32>
      %get3A_1082 = arith.constant 0 : index
      %get3A_1083 = arith.constant 0 : index
      %get3A_1084 = arith.constant 0 : index
      %get3A_1085 = vector.load %arg5[%get3A_1082, %get3A_1083, %get3A_1084] : memref<8x1x64xf32, #tpu.memory_space<vmem>>, vector<1x1x64xf32>
      %get3A_1086 = vector.shape_cast %get3A_1085 : vector<1x1x64xf32> to vector<64xf32>
      %broadcast_in_dim3A_1087 = vector.shape_cast %get3A_1086 : vector<64xf32> to vector<1x64xf32>
      %add3A_1088 = vector.broadcast %broadcast_in_dim3A_1087 : vector<1x64xf32> to vector<128x64xf32>
      %add3A_1089 = arith.addf %add3A_1081, %add3A_1088 : vector<128x64xf32>
      %cos3A_1090 = math.cos %add3A_1089 : vector<128x64xf32>
      %mul3A_1091 = arith.mulf %tanh3A_1062, %cos3A_1090 : vector<128x64xf32>
      %convert_element_type3A_1092 = arith.truncf %mul3A_1091 : vector<128x64xf32> to vector<128x64xbf16>
      %get3A_1093 = arith.constant 0 : index
      %get3A_1094 = arith.constant 0 : index
      %get3A_1095 = arith.constant 0 : index
      %get3A_1096 = vector.load %arg6[%get3A_1093, %get3A_1094, %get3A_1095] : memref<8x64x768xbf16, #tpu.memory_space<vmem>>, vector<1x64x768xbf16>
      %get3A_1097 = vector.shape_cast %get3A_1096 : vector<1x64x768xbf16> to vector<64x768xbf16>
      %dot_general3A_1098 = arith.constant dense<0.000000e+00> : vector<128x768xf32>
      %dot_general3A_1099 = tpu.matmul %convert_element_type3A_1092, %get3A_1097, %dot_general3A_1098 {dimension_numbers = #tpu.dot_dimension_numbers<[1], [0], [0], [1], [0, 0, 1, 1], [], []>, transpose_lhs_hint = false} : vector<128x64xbf16>, vector<64x768xbf16>, vector<128x768xf32> -> vector<128x768xf32>
      %mul3A_1100 = arith.mulf %dot_general3A_1099, %dot_general3A_1099 : vector<128x768xf32>
      %reduce_sum3A_1101 = arith.constant dense<0.000000e+00> : vector<128xf32>
      %reduce_sum3A_1102 = vector.multi_reduction <add>, %mul3A_1100, %reduce_sum3A_1101 [1] : vector<128x768xf32> to vector<128xf32>
      %broadcast_in_dim3A_1103 = vector.shape_cast %reduce_sum3A_1102 : vector<128xf32> to vector<128x1xf32>
      %div3A_1104 = arith.constant 7.680000e+02 : f32
      %div3A_1105 = vector.broadcast %div3A_1104 : f32 to vector<128x1xf32>
      %div3A_1106 = arith.divf %broadcast_in_dim3A_1103, %div3A_1105 : vector<128x1xf32>
      %add3A_1107 = arith.constant 9.99999997E-7 : f32
      %add3A_1108 = vector.broadcast %add3A_1107 : f32 to vector<128x1xf32>
      %add3A_1109 = arith.addf %div3A_1106, %add3A_1108 : vector<128x1xf32>
      %rsqrt3A_1110 = math.rsqrt %add3A_1109 : vector<128x1xf32>
      %mul3A_1111 = vector.broadcast %rsqrt3A_1110 : vector<128x1xf32> to vector<128x768xf32>
      %mul3A_1112 = arith.mulf %dot_general3A_1099, %mul3A_1111 : vector<128x768xf32>
      %get3A_1113 = arith.constant 0 : index
      %get3A_1114 = arith.constant 0 : index
      %get3A_1115 = vector.load %arg7[%get3A_1113, %get3A_1114] : memref<1x768xf32, #tpu.memory_space<vmem>>, vector<1x768xf32>
      %mul3A_1116 = vector.broadcast %get3A_1115 : vector<1x768xf32> to vector<128x768xf32>
      %mul3A_1117 = arith.mulf %mul3A_1112, %mul3A_1116 : vector<128x768xf32>
      %swap3A_1118 = arith.index_cast %multiple_of3A_1043 : i32 to index
      %swap3A_1119 = arith.constant 0 : index
      %swap3A_1120 = vector.load %arg8[%swap3A_1118, %swap3A_1119] : memref<2688x768xf32, #tpu.memory_space<vmem>>, vector<128x768xf32>
      tpu.vector_store %arg8[%swap3A_1118, %swap3A_1119], %mul3A_1117 {strides = array<i32>} : memref<2688x768xf32, #tpu.memory_space<vmem>>, vector<128x768xf32>,
    }
    %mul3A_694 = arith.constant 8 : i32
    %mul3A_695 = arith.muli %arg0, %mul3A_694 : i32
    %add3A_696 = arith.constant 1 : i32
    %add3A_697 = arith.addi %mul3A_695, %add3A_696 : i32
    %get3A_698 = arith.index_cast %add3A_697 : i32 to index
    %get3A_699 = memref.load %arg1[%get3A_698] : memref<128xi32, #tpu.memory_space<smem>>
    %add3A_700 = arith.constant 1 : i32
    %add3A_701 = arith.addi %add3A_697, %add3A_700 : i32
    %get3A_702 = arith.index_cast %add3A_701 : i32 to index
    %get3A_703 = memref.load %arg1[%get3A_702] : memref<128xi32, #tpu.memory_space<smem>>
    %sub3A_704 = arith.subi %get3A_703, %get3A_699 : i32
    %add3A_705 = arith.constant 128 : i32
    %add3A_706 = arith.addi %sub3A_704, %add3A_705 : i32
    %sub3A_707 = arith.constant 1 : i32
    %sub3A_708 = arith.subi %add3A_706, %sub3A_707 : i32
    %jit3A_709 = arith.constant 128 : i32
    %div3A_710 = arith.divsi %sub3A_708, %jit3A_709 : i32
    %sign3A_711 = arith.constant 0 : i32
    %sign3A_712 = arith.cmpi sgt, %sub3A_708, %sign3A_711 : i32
    %sign3A_713 = arith.extui %sign3A_712 : i1 to i32
    %sign3A_714 = arith.constant 0 : i32
    %sign3A_715 = arith.cmpi slt, %sub3A_708, %sign3A_714 : i32
    %sign3A_716 = arith.extui %sign3A_715 : i1 to i32
    %sign3A_717 = arith.subi %sign3A_713, %sign3A_716 : i32
    %sign3A_718 = arith.constant 0 : i32
    %sign3A_719 = arith.cmpi sgt, %jit3A_709, %sign3A_718 : i32
    %sign3A_720 = arith.extui %sign3A_719 : i1 to i32
    %sign3A_721 = arith.constant 0 : i32
    %sign3A_722 = arith.cmpi slt, %jit3A_709, %sign3A_721 : i32
    %sign3A_723 = arith.extui %sign3A_722 : i1 to i32
    %sign3A_724 = arith.subi %sign3A_720, %sign3A_723 : i32
    %ne3A_725 = arith.cmpi ne, %sign3A_717, %sign3A_724 : i32
    %rem3A_726 = arith.remsi %sub3A_708, %jit3A_709 : i32
    %ne3A_727 = arith.constant 0 : i32
    %ne3A_728 = arith.cmpi ne, %rem3A_726, %ne3A_727 : i32
    %and3A_729 = arith.andi %ne3A_725, %ne3A_728 : i1
    %sub3A_730 = arith.constant 1 : i32
    %sub3A_731 = arith.subi %div3A_710, %sub3A_730 : i32
    %select_n3A_732 = arith.select %and3A_729, %sub3A_731, %div3A_710 : i32
    %while3A_733 = arith.constant 0 : i32
    %while3A_734 = arith.constant 1 : i32
    %while3A_735 = arith.subi %select_n3A_732, %while3A_734 : i32
    %while3A_736 = arith.addi %while3A_734, %while3A_735 : i32
    %while3A_737 = arith.constant 1 : i32
    %while3A_738 = arith.divsi %while3A_735, %while3A_737 : i32
    %while3A_739 = arith.muli %while3A_738, %while3A_737 : i32
    %while3A_740 = arith.addi %while3A_734, %while3A_739 : i32
    %while3A_741 = arith.constant 1 : i32
    scf.for %while3A_1037 = %while3A_734 to %while3A_740 step %while3A_741  : i32 {
      %mul3A_1038 = arith.constant 128 : i32
      %mul3A_1039 = arith.muli %while3A_1037, %mul3A_1038 : i32
      %sub3A_1040 = arith.constant 128 : i32
      %sub3A_1041 = arith.subi %sub3A_704, %sub3A_1040 : i32
      %min3A = arith.minsi %mul3A_1039, %sub3A_1041 : i32
      %add3A_1042 = arith.addi %get3A_699, %min3A : i32
      %multiple_of3A_1043 = tpu.assume_multiple %add3A_1042, 8 : i32
      %get3A_1044 = arith.index_cast %multiple_of3A_1043 : i32 to index
      %get3A_1045 = arith.constant 0 : index
      %get3A_1046 = vector.load %arg2[%get3A_1044, %get3A_1045] : memref<2688x768xf32, #tpu.memory_space<vmem>>, vector<128x768xf32>
      %convert_element_type3A_1047 = arith.truncf %get3A_1046 : vector<128x768xf32> to vector<128x768xbf16>
      %get3A_1048 = arith.constant 1 : index
      %get3A_1049 = arith.constant 0 : index
      %get3A_1050 = arith.constant 0 : index
      %get3A_1051 = vector.load %arg3[%get3A_1048, %get3A_1049, %get3A_1050] : memref<8x768x64xbf16, #tpu.memory_space<vmem>>, vector<1x768x64xbf16>
      %get3A_1052 = vector.shape_cast %get3A_1051 : vector<1x768x64xbf16> to vector<768x64xbf16>
      %dot_general3A_1053 = arith.constant dense<0.000000e+00> : vector<128x64xf32>
      %dot_general3A_1054 = tpu.matmul %convert_element_type3A_1047, %get3A_1052, %dot_general3A_1053 {dimension_numbers = #tpu.dot_dimension_numbers<[1], [0], [0], [1], [0, 0, 1, 1], [], []>, transpose_lhs_hint = false} : vector<128x768xbf16>, vector<768x64xbf16>, vector<128x64xf32> -> vector<128x64xf32>
      %get3A_1055 = arith.constant 1 : index
      %get3A_1056 = arith.constant 0 : index
      %get3A_1057 = arith.constant 0 : index
      %get3A_1058 = vector.load %arg4[%get3A_1055, %get3A_1056, %get3A_1057] : memref<8x768x64xf32, #tpu.memory_space<vmem>>, vector<1x768x64xf32>
      %get3A_1059 = vector.shape_cast %get3A_1058 : vector<1x768x64xf32> to vector<768x64xf32>
      %dot_general3A_1060 = arith.constant dense<0.000000e+00> : vector<128x64xf32>
      %dot_general3A_1061 = tpu.matmul %get3A_1046, %get3A_1059, %dot_general3A_1060 {dimension_numbers = #tpu.dot_dimension_numbers<[1], [0], [0], [1], [0, 0, 1, 1], [], []>, transpose_lhs_hint = false} : vector<128x768xf32>, vector<768x64xf32>, vector<128x64xf32> -> vector<128x64xf32>
      %tanh3A_1062 = math.tanh %dot_general3A_1054 : vector<128x64xf32>
      %custom_jvp_call3A_1063 = arith.constant 0.000000e+00 : f32
      %max3A_1064 = vector.broadcast %custom_jvp_call3A_1063 : f32 to vector<128x64xf32>
      %max3A_1065 = arith.maximumf %dot_general3A_1061, %max3A_1064 : vector<128x64xf32>
      %sub3A_1066 = vector.broadcast %custom_jvp_call3A_1063 : f32 to vector<128x64xf32>
      %sub3A_1067 = arith.subf %dot_general3A_1061, %sub3A_1066 : vector<128x64xf32>
      %ne3A_1068 = arith.cmpf one, %sub3A_1067, %sub3A_1067 : vector<128x64xf32>
      %add3A_1069 = vector.broadcast %custom_jvp_call3A_1063 : f32 to vector<128x64xf32>
      %add3A_1070 = arith.addf %dot_general3A_1061, %add3A_1069 : vector<128x64xf32>
      %abs3A_1071 = math.absf %sub3A_1067 : vector<128x64xf32>
      %neg3A_1072 = arith.constant 0.000000e+00 : f32
      %neg3A_1073 = vector.broadcast %neg3A_1072 : f32 to vector<128x64xf32>
      %neg3A_1074 = arith.subf %neg3A_1073, %abs3A_1071 : vector<128x64xf32>
      %exp3A_1075 = math.exp %neg3A_1074 : vector<128x64xf32>
      %log1p3A_1076 = math.log1p %exp3A_1075 : vector<128x64xf32>
      %add3A_1077 = arith.addf %max3A_1065, %log1p3A_1076 : vector<128x64xf32>
      %select_n3A_1078 = arith.select %ne3A_1068, %add3A_1070, %add3A_1077 : vector<128x64xi1>, vector<128x64xf32>
      %add3A_1079 = arith.constant 1.000000e-01 : f32
      %add3A_1080 = vector.broadcast %add3A_1079 : f32 to vector<128x64xf32>
      %add3A_1081 = arith.addf %select_n3A_1078, %add3A_1080 : vector<128x64xf32>
      %get3A_1082 = arith.constant 1 : index
      %get3A_1083 = arith.constant 0 : index
      %get3A_1084 = arith.constant 0 : index
      %get3A_1085 = vector.load %arg5[%get3A_1082, %get3A_1083, %get3A_1084] : memref<8x1x64xf32, #tpu.memory_space<vmem>>, vector<1x1x64xf32>
      %get3A_1086 = vector.shape_cast %get3A_1085 : vector<1x1x64xf32> to vector<64xf32>
      %broadcast_in_dim3A_1087 = vector.shape_cast %get3A_1086 : vector<64xf32> to vector<1x64xf32>
      %add3A_1088 = vector.broadcast %broadcast_in_dim3A_1087 : vector<1x64xf32> to vector<128x64xf32>
      %add3A_1089 = arith.addf %add3A_1081, %add3A_1088 : vector<128x64xf32>
      %cos3A_1090 = math.cos %add3A_1089 : vector<128x64xf32>
      %mul3A_1091 = arith.mulf %tanh3A_1062, %cos3A_1090 : vector<128x64xf32>
      %convert_element_type3A_1092 = arith.truncf %mul3A_1091 : vector<128x64xf32> to vector<128x64xbf16>
      %get3A_1093 = arith.constant 1 : index
      %get3A_1094 = arith.constant 0 : index
      %get3A_1095 = arith.constant 0 : index
      %get3A_1096 = vector.load %arg6[%get3A_1093, %get3A_1094, %get3A_1095] : memref<8x64x768xbf16, #tpu.memory_space<vmem>>, vector<1x64x768xbf16>
      %get3A_1097 = vector.shape_cast %get3A_1096 : vector<1x64x768xbf16> to vector<64x768xbf16>
      %dot_general3A_1098 = arith.constant dense<0.000000e+00> : vector<128x768xf32>
      %dot_general3A_1099 = tpu.matmul %convert_element_type3A_1092, %get3A_1097, %dot_general3A_1098 {dimension_numbers = #tpu.dot_dimension_numbers<[1], [0], [0], [1], [0, 0, 1, 1], [], []>, transpose_lhs_hint = false} : vector<128x64xbf16>, vector<64x768xbf16>, vector<128x768xf32> -> vector<128x768xf32>
      %mul3A_1100 = arith.mulf %dot_general3A_1099, %dot_general3A_1099 : vector<128x768xf32>
      %reduce_sum3A_1101 = arith.constant dense<0.000000e+00> : vector<128xf32>
      %reduce_sum3A_1102 = vector.multi_reduction <add>, %mul3A_1100, %reduce_sum3A_1101 [1] : vector<128x768xf32> to vector<128xf32>
      %broadcast_in_dim3A_1103 = vector.shape_cast %reduce_sum3A_1102 : vector<128xf32> to vector<128x1xf32>
      %div3A_1104 = arith.constant 7.680000e+02 : f32
      %div3A_1105 = vector.broadcast %div3A_1104 : f32 to vector<128x1xf32>
      %div3A_1106 = arith.divf %broadcast_in_dim3A_1103, %div3A_1105 : vector<128x1xf32>
      %add3A_1107 = arith.constant 9.99999997E-7 : f32
      %add3A_1108 = vector.broadcast %add3A_1107 : f32 to vector<128x1xf32>
      %add3A_1109 = arith.addf %div3A_1106, %add3A_1108 : vector<128x1xf32>
      %rsqrt3A_1110 = math.rsqrt %add3A_1109 : vector<128x1xf32>
      %mul3A_1111 = vector.broadcast %rsqrt3A_1110 : vector<128x1xf32> to vector<128x768xf32>
      %mul3A_1112 = arith.mulf %dot_general3A_1099, %mul3A_1111 : vector<128x768xf32>
      %get3A_1113 = arith.constant 0 : index
      %get3A_1114 = arith.constant 0 : index
      %get3A_1115 = vector.load %arg7[%get3A_1113, %get3A_1114] : memref<1x768xf32, #tpu.memory_space<vmem>>, vector<1x768xf32>
      %mul3A_1116 = vector.broadcast %get3A_1115 : vector<1x768xf32> to vector<128x768xf32>
      %mul3A_1117 = arith.mulf %mul3A_1112, %mul3A_1116 : vector<128x768xf32>
      %swap3A_1118 = arith.index_cast %multiple_of3A_1043 : i32 to index
      %swap3A_1119 = arith.constant 0 : index
      %swap3A_1120 = vector.load %arg8[%swap3A_1118, %swap3A_1119] : memref<2688x768xf32, #tpu.memory_space<vmem>>, vector<128x768xf32>
      tpu.vector_store %arg8[%swap3A_1118, %swap3A_1119], %mul3A_1117 {strides = array<i32>} : memref<2688x768xf32, #tpu.memory_space<vmem>>, vector<128x768xf32>,
    }
    %while3A_742 = arith.constant 1 : i32
    scf.for %while3A_1037 = %while3A_740 to %while3A_736 step %while3A_742  : i32 {
      %mul3A_1038 = arith.constant 128 : i32
      %mul3A_1039 = arith.muli %while3A_1037, %mul3A_1038 : i32
      %sub3A_1040 = arith.constant 128 : i32
      %sub3A_1041 = arith.subi %sub3A_704, %sub3A_1040 : i32
      %min3A = arith.minsi %mul3A_1039, %sub3A_1041 : i32
      %add3A_1042 = arith.addi %get3A_699, %min3A : i32
      %multiple_of3A_1043 = tpu.assume_multiple %add3A_1042, 8 : i32
      %get3A_1044 = arith.index_cast %multiple_of3A_1043 : i32 to index
      %get3A_1045 = arith.constant 0 : index
      %get3A_1046 = vector.load %arg2[%get3A_1044, %get3A_1045] : memref<2688x768xf32, #tpu.memory_space<vmem>>, vector<128x768xf32>
      %convert_element_type3A_1047 = arith.truncf %get3A_1046 : vector<128x768xf32> to vector<128x768xbf16>
      %get3A_1048 = arith.constant 1 : index
      %get3A_1049 = arith.constant 0 : index
      %get3A_1050 = arith.constant 0 : index
      %get3A_1051 = vector.load %arg3[%get3A_1048, %get3A_1049, %get3A_1050] : memref<8x768x64xbf16, #tpu.memory_space<vmem>>, vector<1x768x64xbf16>
      %get3A_1052 = vector.shape_cast %get3A_1051 : vector<1x768x64xbf16> to vector<768x64xbf16>
      %dot_general3A_1053 = arith.constant dense<0.000000e+00> : vector<128x64xf32>
      %dot_general3A_1054 = tpu.matmul %convert_element_type3A_1047, %get3A_1052, %dot_general3A_1053 {dimension_numbers = #tpu.dot_dimension_numbers<[1], [0], [0], [1], [0, 0, 1, 1], [], []>, transpose_lhs_hint = false} : vector<128x768xbf16>, vector<768x64xbf16>, vector<128x64xf32> -> vector<128x64xf32>
      %get3A_1055 = arith.constant 1 : index
      %get3A_1056 = arith.constant 0 : index
      %get3A_1057 = arith.constant 0 : index
      %get3A_1058 = vector.load %arg4[%get3A_1055, %get3A_1056, %get3A_1057] : memref<8x768x64xf32, #tpu.memory_space<vmem>>, vector<1x768x64xf32>
      %get3A_1059 = vector.shape_cast %get3A_1058 : vector<1x768x64xf32> to vector<768x64xf32>
      %dot_general3A_1060 = arith.constant dense<0.000000e+00> : vector<128x64xf32>
      %dot_general3A_1061 = tpu.matmul %get3A_1046, %get3A_1059, %dot_general3A_1060 {dimension_numbers = #tpu.dot_dimension_numbers<[1], [0], [0], [1], [0, 0, 1, 1], [], []>, transpose_lhs_hint = false} : vector<128x768xf32>, vector<768x64xf32>, vector<128x64xf32> -> vector<128x64xf32>
      %tanh3A_1062 = math.tanh %dot_general3A_1054 : vector<128x64xf32>
      %custom_jvp_call3A_1063 = arith.constant 0.000000e+00 : f32
      %max3A_1064 = vector.broadcast %custom_jvp_call3A_1063 : f32 to vector<128x64xf32>
      %max3A_1065 = arith.maximumf %dot_general3A_1061, %max3A_1064 : vector<128x64xf32>
      %sub3A_1066 = vector.broadcast %custom_jvp_call3A_1063 : f32 to vector<128x64xf32>
      %sub3A_1067 = arith.subf %dot_general3A_1061, %sub3A_1066 : vector<128x64xf32>
      %ne3A_1068 = arith.cmpf one, %sub3A_1067, %sub3A_1067 : vector<128x64xf32>
      %add3A_1069 = vector.broadcast %custom_jvp_call3A_1063 : f32 to vector<128x64xf32>
      %add3A_1070 = arith.addf %dot_general3A_1061, %add3A_1069 : vector<128x64xf32>
      %abs3A_1071 = math.absf %sub3A_1067 : vector<128x64xf32>
      %neg3A_1072 = arith.constant 0.000000e+00 : f32
      %neg3A_1073 = vector.broadcast %neg3A_1072 : f32 to vector<128x64xf32>
      %neg3A_1074 = arith.subf %neg3A_1073, %abs3A_1071 : vector<128x64xf32>
      %exp3A_1075 = math.exp %neg3A_1074 : vector<128x64xf32>
      %log1p3A_1076 = math.log1p %exp3A_1075 : vector<128x64xf32>
      %add3A_1077 = arith.addf %max3A_1065, %log1p3A_1076 : vector<128x64xf32>
      %select_n3A_1078 = arith.select %ne3A_1068, %add3A_1070, %add3A_1077 : vector<128x64xi1>, vector<128x64xf32>
      %add3A_1079 = arith.constant 1.000000e-01 : f32
      %add3A_1080 = vector.broadcast %add3A_1079 : f32 to vector<128x64xf32>
      %add3A_1081 = arith.addf %select_n3A_1078, %add3A_1080 : vector<128x64xf32>
      %get3A_1082 = arith.constant 1 : index
      %get3A_1083 = arith.constant 0 : index
      %get3A_1084 = arith.constant 0 : index
      %get3A_1085 = vector.load %arg5[%get3A_1082, %get3A_1083, %get3A_1084] : memref<8x1x64xf32, #tpu.memory_space<vmem>>, vector<1x1x64xf32>
      %get3A_1086 = vector.shape_cast %get3A_1085 : vector<1x1x64xf32> to vector<64xf32>
      %broadcast_in_dim3A_1087 = vector.shape_cast %get3A_1086 : vector<64xf32> to vector<1x64xf32>
      %add3A_1088 = vector.broadcast %broadcast_in_dim3A_1087 : vector<1x64xf32> to vector<128x64xf32>
      %add3A_1089 = arith.addf %add3A_1081, %add3A_1088 : vector<128x64xf32>
      %cos3A_1090 = math.cos %add3A_1089 : vector<128x64xf32>
      %mul3A_1091 = arith.mulf %tanh3A_1062, %cos3A_1090 : vector<128x64xf32>
      %convert_element_type3A_1092 = arith.truncf %mul3A_1091 : vector<128x64xf32> to vector<128x64xbf16>
      %get3A_1093 = arith.constant 1 : index
      %get3A_1094 = arith.constant 0 : index
      %get3A_1095 = arith.constant 0 : index
      %get3A_1096 = vector.load %arg6[%get3A_1093, %get3A_1094, %get3A_1095] : memref<8x64x768xbf16, #tpu.memory_space<vmem>>, vector<1x64x768xbf16>
      %get3A_1097 = vector.shape_cast %get3A_1096 : vector<1x64x768xbf16> to vector<64x768xbf16>
      %dot_general3A_1098 = arith.constant dense<0.000000e+00> : vector<128x768xf32>
      %dot_general3A_1099 = tpu.matmul %convert_element_type3A_1092, %get3A_1097, %dot_general3A_1098 {dimension_numbers = #tpu.dot_dimension_numbers<[1], [0], [0], [1], [0, 0, 1, 1], [], []>, transpose_lhs_hint = false} : vector<128x64xbf16>, vector<64x768xbf16>, vector<128x768xf32> -> vector<128x768xf32>
      %mul3A_1100 = arith.mulf %dot_general3A_1099, %dot_general3A_1099 : vector<128x768xf32>
      %reduce_sum3A_1101 = arith.constant dense<0.000000e+00> : vector<128xf32>
      %reduce_sum3A_1102 = vector.multi_reduction <add>, %mul3A_1100, %reduce_sum3A_1101 [1] : vector<128x768xf32> to vector<128xf32>
      %broadcast_in_dim3A_1103 = vector.shape_cast %reduce_sum3A_1102 : vector<128xf32> to vector<128x1xf32>
      %div3A_1104 = arith.constant 7.680000e+02 : f32
      %div3A_1105 = vector.broadcast %div3A_1104 : f32 to vector<128x1xf32>
      %div3A_1106 = arith.divf %broadcast_in_dim3A_1103, %div3A_1105 : vector<128x1xf32>
      %add3A_1107 = arith.constant 9.99999997E-7 : f32
      %add3A_1108 = vector.broadcast %add3A_1107 : f32 to vector<128x1xf32>
      %add3A_1109 = arith.addf %div3A_1106, %add3A_1108 : vector<128x1xf32>
      %rsqrt3A_1110 = math.rsqrt %add3A_1109 : vector<128x1xf32>
      %mul3A_1111 = vector.broadcast %rsqrt3A_1110 : vector<128x1xf32> to vector<128x768xf32>
      %mul3A_1112 = arith.mulf %dot_general3A_1099, %mul3A_1111 : vector<128x768xf32>
      %get3A_1113 = arith.constant 0 : index
      %get3A_1114 = arith.constant 0 : index
      %get3A_1115 = vector.load %arg7[%get3A_1113, %get3A_1114] : memref<1x768xf32, #tpu.memory_space<vmem>>, vector<1x768xf32>
      %mul3A_1116 = vector.broadcast %get3A_1115 : vector<1x768xf32> to vector<128x768xf32>
      %mul3A_1117 = arith.mulf %mul3A_1112, %mul3A_1116 : vector<128x768xf32>
      %swap3A_1118 = arith.index_cast %multiple_of3A_1043 : i32 to index
      %swap3A_1119 = arith.constant 0 : index
      %swap3A_1120 = vector.load %arg8[%swap3A_1118, %swap3A_1119] : memref<2688x768xf32, #tpu.memory_space<vmem>>, vector<128x768xf32>
      tpu.vector_store %arg8[%swap3A_1118, %swap3A_1119], %mul3A_1117 {strides = array<i32>} : memref<2688x768xf32, #tpu.memory_space<vmem>>, vector<128x768xf32>,
    }
    %mul3A_743 = arith.constant 8 : i32
    %mul3A_744 = arith.muli %arg0, %mul3A_743 : i32
    %add3A_745 = arith.constant 2 : i32
    %add3A_746 = arith.addi %mul3A_744, %add3A_745 : i32
    %get3A_747 = arith.index_cast %add3A_746 : i32 to index
    %get3A_748 = memref.load %arg1[%get3A_747] : memref<128xi32, #tpu.memory_space<smem>>
    %add3A_749 = arith.constant 1 : i32
    %add3A_750 = arith.addi %add3A_746, %add3A_749 : i32
    %get3A_751 = arith.index_cast %add3A_750 : i32 to index
    %get3A_752 = memref.load %arg1[%get3A_751] : memref<128xi32, #tpu.memory_space<smem>>
    %sub3A_753 = arith.subi %get3A_752, %get3A_748 : i32
    %add3A_754 = arith.constant 128 : i32
    %add3A_755 = arith.addi %sub3A_753, %add3A_754 : i32
    %sub3A_756 = arith.constant 1 : i32
    %sub3A_757 = arith.subi %add3A_755, %sub3A_756 : i32
    %jit3A_758 = arith.constant 128 : i32
    %div3A_759 = arith.divsi %sub3A_757, %jit3A_758 : i32
    %sign3A_760 = arith.constant 0 : i32
    %sign3A_761 = arith.cmpi sgt, %sub3A_757, %sign3A_760 : i32
    %sign3A_762 = arith.extui %sign3A_761 : i1 to i32
    %sign3A_763 = arith.constant 0 : i32
    %sign3A_764 = arith.cmpi slt, %sub3A_757, %sign3A_763 : i32
    %sign3A_765 = arith.extui %sign3A_764 : i1 to i32
    %sign3A_766 = arith.subi %sign3A_762, %sign3A_765 : i32
    %sign3A_767 = arith.constant 0 : i32
    %sign3A_768 = arith.cmpi sgt, %jit3A_758, %sign3A_767 : i32
    %sign3A_769 = arith.extui %sign3A_768 : i1 to i32
    %sign3A_770 = arith.constant 0 : i32
    %sign3A_771 = arith.cmpi slt, %jit3A_758, %sign3A_770 : i32
    %sign3A_772 = arith.extui %sign3A_771 : i1 to i32
    %sign3A_773 = arith.subi %sign3A_769, %sign3A_772 : i32
    %ne3A_774 = arith.cmpi ne, %sign3A_766, %sign3A_773 : i32
    %rem3A_775 = arith.remsi %sub3A_757, %jit3A_758 : i32
    %ne3A_776 = arith.constant 0 : i32
    %ne3A_777 = arith.cmpi ne, %rem3A_775, %ne3A_776 : i32
    %and3A_778 = arith.andi %ne3A_774, %ne3A_777 : i1
    %sub3A_779 = arith.constant 1 : i32
    %sub3A_780 = arith.subi %div3A_759, %sub3A_779 : i32
    %select_n3A_781 = arith.select %and3A_778, %sub3A_780, %div3A_759 : i32
    %while3A_782 = arith.constant 0 : i32
    %while3A_783 = arith.constant 1 : i32
    %while3A_784 = arith.subi %select_n3A_781, %while3A_783 : i32
    %while3A_785 = arith.addi %while3A_783, %while3A_784 : i32
    %while3A_786 = arith.constant 1 : i32
    %while3A_787 = arith.divsi %while3A_784, %while3A_786 : i32
    %while3A_788 = arith.muli %while3A_787, %while3A_786 : i32
    %while3A_789 = arith.addi %while3A_783, %while3A_788 : i32
    %while3A_790 = arith.constant 1 : i32
    scf.for %while3A_1037 = %while3A_783 to %while3A_789 step %while3A_790  : i32 {
      %mul3A_1038 = arith.constant 128 : i32
      %mul3A_1039 = arith.muli %while3A_1037, %mul3A_1038 : i32
      %sub3A_1040 = arith.constant 128 : i32
      %sub3A_1041 = arith.subi %sub3A_753, %sub3A_1040 : i32
      %min3A = arith.minsi %mul3A_1039, %sub3A_1041 : i32
      %add3A_1042 = arith.addi %get3A_748, %min3A : i32
      %multiple_of3A_1043 = tpu.assume_multiple %add3A_1042, 8 : i32
      %get3A_1044 = arith.index_cast %multiple_of3A_1043 : i32 to index
      %get3A_1045 = arith.constant 0 : index
      %get3A_1046 = vector.load %arg2[%get3A_1044, %get3A_1045] : memref<2688x768xf32, #tpu.memory_space<vmem>>, vector<128x768xf32>
      %convert_element_type3A_1047 = arith.truncf %get3A_1046 : vector<128x768xf32> to vector<128x768xbf16>
      %get3A_1048 = arith.constant 2 : index
      %get3A_1049 = arith.constant 0 : index
      %get3A_1050 = arith.constant 0 : index
      %get3A_1051 = vector.load %arg3[%get3A_1048, %get3A_1049, %get3A_1050] : memref<8x768x64xbf16, #tpu.memory_space<vmem>>, vector<1x768x64xbf16>
      %get3A_1052 = vector.shape_cast %get3A_1051 : vector<1x768x64xbf16> to vector<768x64xbf16>
      %dot_general3A_1053 = arith.constant dense<0.000000e+00> : vector<128x64xf32>
      %dot_general3A_1054 = tpu.matmul %convert_element_type3A_1047, %get3A_1052, %dot_general3A_1053 {dimension_numbers = #tpu.dot_dimension_numbers<[1], [0], [0], [1], [0, 0, 1, 1], [], []>, transpose_lhs_hint = false} : vector<128x768xbf16>, vector<768x64xbf16>, vector<128x64xf32> -> vector<128x64xf32>
      %get3A_1055 = arith.constant 2 : index
      %get3A_1056 = arith.constant 0 : index
      %get3A_1057 = arith.constant 0 : index
      %get3A_1058 = vector.load %arg4[%get3A_1055, %get3A_1056, %get3A_1057] : memref<8x768x64xf32, #tpu.memory_space<vmem>>, vector<1x768x64xf32>
      %get3A_1059 = vector.shape_cast %get3A_1058 : vector<1x768x64xf32> to vector<768x64xf32>
      %dot_general3A_1060 = arith.constant dense<0.000000e+00> : vector<128x64xf32>
      %dot_general3A_1061 = tpu.matmul %get3A_1046, %get3A_1059, %dot_general3A_1060 {dimension_numbers = #tpu.dot_dimension_numbers<[1], [0], [0], [1], [0, 0, 1, 1], [], []>, transpose_lhs_hint = false} : vector<128x768xf32>, vector<768x64xf32>, vector<128x64xf32> -> vector<128x64xf32>
      %tanh3A_1062 = math.tanh %dot_general3A_1054 : vector<128x64xf32>
      %custom_jvp_call3A_1063 = arith.constant 0.000000e+00 : f32
      %max3A_1064 = vector.broadcast %custom_jvp_call3A_1063 : f32 to vector<128x64xf32>
      %max3A_1065 = arith.maximumf %dot_general3A_1061, %max3A_1064 : vector<128x64xf32>
      %sub3A_1066 = vector.broadcast %custom_jvp_call3A_1063 : f32 to vector<128x64xf32>
      %sub3A_1067 = arith.subf %dot_general3A_1061, %sub3A_1066 : vector<128x64xf32>
      %ne3A_1068 = arith.cmpf one, %sub3A_1067, %sub3A_1067 : vector<128x64xf32>
      %add3A_1069 = vector.broadcast %custom_jvp_call3A_1063 : f32 to vector<128x64xf32>
      %add3A_1070 = arith.addf %dot_general3A_1061, %add3A_1069 : vector<128x64xf32>
      %abs3A_1071 = math.absf %sub3A_1067 : vector<128x64xf32>
      %neg3A_1072 = arith.constant 0.000000e+00 : f32
      %neg3A_1073 = vector.broadcast %neg3A_1072 : f32 to vector<128x64xf32>
      %neg3A_1074 = arith.subf %neg3A_1073, %abs3A_1071 : vector<128x64xf32>
      %exp3A_1075 = math.exp %neg3A_1074 : vector<128x64xf32>
      %log1p3A_1076 = math.log1p %exp3A_1075 : vector<128x64xf32>
      %add3A_1077 = arith.addf %max3A_1065, %log1p3A_1076 : vector<128x64xf32>
      %select_n3A_1078 = arith.select %ne3A_1068, %add3A_1070, %add3A_1077 : vector<128x64xi1>, vector<128x64xf32>
      %add3A_1079 = arith.constant 1.000000e-01 : f32
      %add3A_1080 = vector.broadcast %add3A_1079 : f32 to vector<128x64xf32>
      %add3A_1081 = arith.addf %select_n3A_1078, %add3A_1080 : vector<128x64xf32>
      %get3A_1082 = arith.constant 2 : index
      %get3A_1083 = arith.constant 0 : index
      %get3A_1084 = arith.constant 0 : index
      %get3A_1085 = vector.load %arg5[%get3A_1082, %get3A_1083, %get3A_1084] : memref<8x1x64xf32, #tpu.memory_space<vmem>>, vector<1x1x64xf32>
      %get3A_1086 = vector.shape_cast %get3A_1085 : vector<1x1x64xf32> to vector<64xf32>
      %broadcast_in_dim3A_1087 = vector.shape_cast %get3A_1086 : vector<64xf32> to vector<1x64xf32>
      %add3A_1088 = vector.broadcast %broadcast_in_dim3A_1087 : vector<1x64xf32> to vector<128x64xf32>
      %add3A_1089 = arith.addf %add3A_1081, %add3A_1088 : vector<128x64xf32>
      %cos3A_1090 = math.cos %add3A_1089 : vector<128x64xf32>
      %mul3A_1091 = arith.mulf %tanh3A_1062, %cos3A_1090 : vector<128x64xf32>
      %convert_element_type3A_1092 = arith.truncf %mul3A_1091 : vector<128x64xf32> to vector<128x64xbf16>
      %get3A_1093 = arith.constant 2 : index
      %get3A_1094 = arith.constant 0 : index
      %get3A_1095 = arith.constant 0 : index
      %get3A_1096 = vector.load %arg6[%get3A_1093, %get3A_1094, %get3A_1095] : memref<8x64x768xbf16, #tpu.memory_space<vmem>>, vector<1x64x768xbf16>
      %get3A_1097 = vector.shape_cast %get3A_1096 : vector<1x64x768xbf16> to vector<64x768xbf16>
      %dot_general3A_1098 = arith.constant dense<0.000000e+00> : vector<128x768xf32>
      %dot_general3A_1099 = tpu.matmul %convert_element_type3A_1092, %get3A_1097, %dot_general3A_1098 {dimension_numbers = #tpu.dot_dimension_numbers<[1], [0], [0], [1], [0, 0, 1, 1], [], []>, transpose_lhs_hint = false} : vector<128x64xbf16>, vector<64x768xbf16>, vector<128x768xf32> -> vector<128x768xf32>
      %mul3A_1100 = arith.mulf %dot_general3A_1099, %dot_general3A_1099 : vector<128x768xf32>
      %reduce_sum3A_1101 = arith.constant dense<0.000000e+00> : vector<128xf32>
      %reduce_sum3A_1102 = vector.multi_reduction <add>, %mul3A_1100, %reduce_sum3A_1101 [1] : vector<128x768xf32> to vector<128xf32>
      %broadcast_in_dim3A_1103 = vector.shape_cast %reduce_sum3A_1102 : vector<128xf32> to vector<128x1xf32>
      %div3A_1104 = arith.constant 7.680000e+02 : f32
      %div3A_1105 = vector.broadcast %div3A_1104 : f32 to vector<128x1xf32>
      %div3A_1106 = arith.divf %broadcast_in_dim3A_1103, %div3A_1105 : vector<128x1xf32>
      %add3A_1107 = arith.constant 9.99999997E-7 : f32
      %add3A_1108 = vector.broadcast %add3A_1107 : f32 to vector<128x1xf32>
      %add3A_1109 = arith.addf %div3A_1106, %add3A_1108 : vector<128x1xf32>
      %rsqrt3A_1110 = math.rsqrt %add3A_1109 : vector<128x1xf32>
      %mul3A_1111 = vector.broadcast %rsqrt3A_1110 : vector<128x1xf32> to vector<128x768xf32>
      %mul3A_1112 = arith.mulf %dot_general3A_1099, %mul3A_1111 : vector<128x768xf32>
      %get3A_1113 = arith.constant 0 : index
      %get3A_1114 = arith.constant 0 : index
      %get3A_1115 = vector.load %arg7[%get3A_1113, %get3A_1114] : memref<1x768xf32, #tpu.memory_space<vmem>>, vector<1x768xf32>
      %mul3A_1116 = vector.broadcast %get3A_1115 : vector<1x768xf32> to vector<128x768xf32>
      %mul3A_1117 = arith.mulf %mul3A_1112, %mul3A_1116 : vector<128x768xf32>
      %swap3A_1118 = arith.index_cast %multiple_of3A_1043 : i32 to index
      %swap3A_1119 = arith.constant 0 : index
      %swap3A_1120 = vector.load %arg8[%swap3A_1118, %swap3A_1119] : memref<2688x768xf32, #tpu.memory_space<vmem>>, vector<128x768xf32>
      tpu.vector_store %arg8[%swap3A_1118, %swap3A_1119], %mul3A_1117 {strides = array<i32>} : memref<2688x768xf32, #tpu.memory_space<vmem>>, vector<128x768xf32>,
    }
    %while3A_791 = arith.constant 1 : i32
    scf.for %while3A_1037 = %while3A_789 to %while3A_785 step %while3A_791  : i32 {
      %mul3A_1038 = arith.constant 128 : i32
      %mul3A_1039 = arith.muli %while3A_1037, %mul3A_1038 : i32
      %sub3A_1040 = arith.constant 128 : i32
      %sub3A_1041 = arith.subi %sub3A_753, %sub3A_1040 : i32
      %min3A = arith.minsi %mul3A_1039, %sub3A_1041 : i32
      %add3A_1042 = arith.addi %get3A_748, %min3A : i32
      %multiple_of3A_1043 = tpu.assume_multiple %add3A_1042, 8 : i32
      %get3A_1044 = arith.index_cast %multiple_of3A_1043 : i32 to index
      %get3A_1045 = arith.constant 0 : index
      %get3A_1046 = vector.load %arg2[%get3A_1044, %get3A_1045] : memref<2688x768xf32, #tpu.memory_space<vmem>>, vector<128x768xf32>
      %convert_element_type3A_1047 = arith.truncf %get3A_1046 : vector<128x768xf32> to vector<128x768xbf16>
      %get3A_1048 = arith.constant 2 : index
      %get3A_1049 = arith.constant 0 : index
      %get3A_1050 = arith.constant 0 : index
      %get3A_1051 = vector.load %arg3[%get3A_1048, %get3A_1049, %get3A_1050] : memref<8x768x64xbf16, #tpu.memory_space<vmem>>, vector<1x768x64xbf16>
      %get3A_1052 = vector.shape_cast %get3A_1051 : vector<1x768x64xbf16> to vector<768x64xbf16>
      %dot_general3A_1053 = arith.constant dense<0.000000e+00> : vector<128x64xf32>
      %dot_general3A_1054 = tpu.matmul %convert_element_type3A_1047, %get3A_1052, %dot_general3A_1053 {dimension_numbers = #tpu.dot_dimension_numbers<[1], [0], [0], [1], [0, 0, 1, 1], [], []>, transpose_lhs_hint = false} : vector<128x768xbf16>, vector<768x64xbf16>, vector<128x64xf32> -> vector<128x64xf32>
      %get3A_1055 = arith.constant 2 : index
      %get3A_1056 = arith.constant 0 : index
      %get3A_1057 = arith.constant 0 : index
      %get3A_1058 = vector.load %arg4[%get3A_1055, %get3A_1056, %get3A_1057] : memref<8x768x64xf32, #tpu.memory_space<vmem>>, vector<1x768x64xf32>
      %get3A_1059 = vector.shape_cast %get3A_1058 : vector<1x768x64xf32> to vector<768x64xf32>
      %dot_general3A_1060 = arith.constant dense<0.000000e+00> : vector<128x64xf32>
      %dot_general3A_1061 = tpu.matmul %get3A_1046, %get3A_1059, %dot_general3A_1060 {dimension_numbers = #tpu.dot_dimension_numbers<[1], [0], [0], [1], [0, 0, 1, 1], [], []>, transpose_lhs_hint = false} : vector<128x768xf32>, vector<768x64xf32>, vector<128x64xf32> -> vector<128x64xf32>
      %tanh3A_1062 = math.tanh %dot_general3A_1054 : vector<128x64xf32>
      %custom_jvp_call3A_1063 = arith.constant 0.000000e+00 : f32
      %max3A_1064 = vector.broadcast %custom_jvp_call3A_1063 : f32 to vector<128x64xf32>
      %max3A_1065 = arith.maximumf %dot_general3A_1061, %max3A_1064 : vector<128x64xf32>
      %sub3A_1066 = vector.broadcast %custom_jvp_call3A_1063 : f32 to vector<128x64xf32>
      %sub3A_1067 = arith.subf %dot_general3A_1061, %sub3A_1066 : vector<128x64xf32>
      %ne3A_1068 = arith.cmpf one, %sub3A_1067, %sub3A_1067 : vector<128x64xf32>
      %add3A_1069 = vector.broadcast %custom_jvp_call3A_1063 : f32 to vector<128x64xf32>
      %add3A_1070 = arith.addf %dot_general3A_1061, %add3A_1069 : vector<128x64xf32>
      %abs3A_1071 = math.absf %sub3A_1067 : vector<128x64xf32>
      %neg3A_1072 = arith.constant 0.000000e+00 : f32
      %neg3A_1073 = vector.broadcast %neg3A_1072 : f32 to vector<128x64xf32>
      %neg3A_1074 = arith.subf %neg3A_1073, %abs3A_1071 : vector<128x64xf32>
      %exp3A_1075 = math.exp %neg3A_1074 : vector<128x64xf32>
      %log1p3A_1076 = math.log1p %exp3A_1075 : vector<128x64xf32>
      %add3A_1077 = arith.addf %max3A_1065, %log1p3A_1076 : vector<128x64xf32>
      %select_n3A_1078 = arith.select %ne3A_1068, %add3A_1070, %add3A_1077 : vector<128x64xi1>, vector<128x64xf32>
      %add3A_1079 = arith.constant 1.000000e-01 : f32
      %add3A_1080 = vector.broadcast %add3A_1079 : f32 to vector<128x64xf32>
      %add3A_1081 = arith.addf %select_n3A_1078, %add3A_1080 : vector<128x64xf32>
      %get3A_1082 = arith.constant 2 : index
      %get3A_1083 = arith.constant 0 : index
      %get3A_1084 = arith.constant 0 : index
      %get3A_1085 = vector.load %arg5[%get3A_1082, %get3A_1083, %get3A_1084] : memref<8x1x64xf32, #tpu.memory_space<vmem>>, vector<1x1x64xf32>
      %get3A_1086 = vector.shape_cast %get3A_1085 : vector<1x1x64xf32> to vector<64xf32>
      %broadcast_in_dim3A_1087 = vector.shape_cast %get3A_1086 : vector<64xf32> to vector<1x64xf32>
      %add3A_1088 = vector.broadcast %broadcast_in_dim3A_1087 : vector<1x64xf32> to vector<128x64xf32>
      %add3A_1089 = arith.addf %add3A_1081, %add3A_1088 : vector<128x64xf32>
      %cos3A_1090 = math.cos %add3A_1089 : vector<128x64xf32>
      %mul3A_1091 = arith.mulf %tanh3A_1062, %cos3A_1090 : vector<128x64xf32>
      %convert_element_type3A_1092 = arith.truncf %mul3A_1091 : vector<128x64xf32> to vector<128x64xbf16>
      %get3A_1093 = arith.constant 2 : index
      %get3A_1094 = arith.constant 0 : index
      %get3A_1095 = arith.constant 0 : index
      %get3A_1096 = vector.load %arg6[%get3A_1093, %get3A_1094, %get3A_1095] : memref<8x64x768xbf16, #tpu.memory_space<vmem>>, vector<1x64x768xbf16>
      %get3A_1097 = vector.shape_cast %get3A_1096 : vector<1x64x768xbf16> to vector<64x768xbf16>
      %dot_general3A_1098 = arith.constant dense<0.000000e+00> : vector<128x768xf32>
      %dot_general3A_1099 = tpu.matmul %convert_element_type3A_1092, %get3A_1097, %dot_general3A_1098 {dimension_numbers = #tpu.dot_dimension_numbers<[1], [0], [0], [1], [0, 0, 1, 1], [], []>, transpose_lhs_hint = false} : vector<128x64xbf16>, vector<64x768xbf16>, vector<128x768xf32> -> vector<128x768xf32>
      %mul3A_1100 = arith.mulf %dot_general3A_1099, %dot_general3A_1099 : vector<128x768xf32>
      %reduce_sum3A_1101 = arith.constant dense<0.000000e+00> : vector<128xf32>
      %reduce_sum3A_1102 = vector.multi_reduction <add>, %mul3A_1100, %reduce_sum3A_1101 [1] : vector<128x768xf32> to vector<128xf32>
      %broadcast_in_dim3A_1103 = vector.shape_cast %reduce_sum3A_1102 : vector<128xf32> to vector<128x1xf32>
      %div3A_1104 = arith.constant 7.680000e+02 : f32
      %div3A_1105 = vector.broadcast %div3A_1104 : f32 to vector<128x1xf32>
      %div3A_1106 = arith.divf %broadcast_in_dim3A_1103, %div3A_1105 : vector<128x1xf32>
      %add3A_1107 = arith.constant 9.99999997E-7 : f32
      %add3A_1108 = vector.broadcast %add3A_1107 : f32 to vector<128x1xf32>
      %add3A_1109 = arith.addf %div3A_1106, %add3A_1108 : vector<128x1xf32>
      %rsqrt3A_1110 = math.rsqrt %add3A_1109 : vector<128x1xf32>
      %mul3A_1111 = vector.broadcast %rsqrt3A_1110 : vector<128x1xf32> to vector<128x768xf32>
      %mul3A_1112 = arith.mulf %dot_general3A_1099, %mul3A_1111 : vector<128x768xf32>
      %get3A_1113 = arith.constant 0 : index
      %get3A_1114 = arith.constant 0 : index
      %get3A_1115 = vector.load %arg7[%get3A_1113, %get3A_1114] : memref<1x768xf32, #tpu.memory_space<vmem>>, vector<1x768xf32>
      %mul3A_1116 = vector.broadcast %get3A_1115 : vector<1x768xf32> to vector<128x768xf32>
      %mul3A_1117 = arith.mulf %mul3A_1112, %mul3A_1116 : vector<128x768xf32>
      %swap3A_1118 = arith.index_cast %multiple_of3A_1043 : i32 to index
      %swap3A_1119 = arith.constant 0 : index
      %swap3A_1120 = vector.load %arg8[%swap3A_1118, %swap3A_1119] : memref<2688x768xf32, #tpu.memory_space<vmem>>, vector<128x768xf32>
      tpu.vector_store %arg8[%swap3A_1118, %swap3A_1119], %mul3A_1117 {strides = array<i32>} : memref<2688x768xf32, #tpu.memory_space<vmem>>, vector<128x768xf32>,
    }
    %mul3A_792 = arith.constant 8 : i32
    %mul3A_793 = arith.muli %arg0, %mul3A_792 : i32
    %add3A_794 = arith.constant 3 : i32
    %add3A_795 = arith.addi %mul3A_793, %add3A_794 : i32
    %get3A_796 = arith.index_cast %add3A_795 : i32 to index
    %get3A_797 = memref.load %arg1[%get3A_796] : memref<128xi32, #tpu.memory_space<smem>>
    %add3A_798 = arith.constant 1 : i32
    %add3A_799 = arith.addi %add3A_795, %add3A_798 : i32
    %get3A_800 = arith.index_cast %add3A_799 : i32 to index
    %get3A_801 = memref.load %arg1[%get3A_800] : memref<128xi32, #tpu.memory_space<smem>>
    %sub3A_802 = arith.subi %get3A_801, %get3A_797 : i32
    %add3A_803 = arith.constant 128 : i32
    %add3A_804 = arith.addi %sub3A_802, %add3A_803 : i32
    %sub3A_805 = arith.constant 1 : i32
    %sub3A_806 = arith.subi %add3A_804, %sub3A_805 : i32
    %jit3A_807 = arith.constant 128 : i32
    %div3A_808 = arith.divsi %sub3A_806, %jit3A_807 : i32
    %sign3A_809 = arith.constant 0 : i32
    %sign3A_810 = arith.cmpi sgt, %sub3A_806, %sign3A_809 : i32
    %sign3A_811 = arith.extui %sign3A_810 : i1 to i32
    %sign3A_812 = arith.constant 0 : i32
    %sign3A_813 = arith.cmpi slt, %sub3A_806, %sign3A_812 : i32
    %sign3A_814 = arith.extui %sign3A_813 : i1 to i32
    %sign3A_815 = arith.subi %sign3A_811, %sign3A_814 : i32
    %sign3A_816 = arith.constant 0 : i32
    %sign3A_817 = arith.cmpi sgt, %jit3A_807, %sign3A_816 : i32
    %sign3A_818 = arith.extui %sign3A_817 : i1 to i32
    %sign3A_819 = arith.constant 0 : i32
    %sign3A_820 = arith.cmpi slt, %jit3A_807, %sign3A_819 : i32
    %sign3A_821 = arith.extui %sign3A_820 : i1 to i32
    %sign3A_822 = arith.subi %sign3A_818, %sign3A_821 : i32
    %ne3A_823 = arith.cmpi ne, %sign3A_815, %sign3A_822 : i32
    %rem3A_824 = arith.remsi %sub3A_806, %jit3A_807 : i32
    %ne3A_825 = arith.constant 0 : i32
    %ne3A_826 = arith.cmpi ne, %rem3A_824, %ne3A_825 : i32
    %and3A_827 = arith.andi %ne3A_823, %ne3A_826 : i1
    %sub3A_828 = arith.constant 1 : i32
    %sub3A_829 = arith.subi %div3A_808, %sub3A_828 : i32
    %select_n3A_830 = arith.select %and3A_827, %sub3A_829, %div3A_808 : i32
    %while3A_831 = arith.constant 0 : i32
    %while3A_832 = arith.constant 1 : i32
    %while3A_833 = arith.subi %select_n3A_830, %while3A_832 : i32
    %while3A_834 = arith.addi %while3A_832, %while3A_833 : i32
    %while3A_835 = arith.constant 1 : i32
    %while3A_836 = arith.divsi %while3A_833, %while3A_835 : i32
    %while3A_837 = arith.muli %while3A_836, %while3A_835 : i32
    %while3A_838 = arith.addi %while3A_832, %while3A_837 : i32
    %while3A_839 = arith.constant 1 : i32
    scf.for %while3A_1037 = %while3A_832 to %while3A_838 step %while3A_839  : i32 {
      %mul3A_1038 = arith.constant 128 : i32
      %mul3A_1039 = arith.muli %while3A_1037, %mul3A_1038 : i32
      %sub3A_1040 = arith.constant 128 : i32
      %sub3A_1041 = arith.subi %sub3A_802, %sub3A_1040 : i32
      %min3A = arith.minsi %mul3A_1039, %sub3A_1041 : i32
      %add3A_1042 = arith.addi %get3A_797, %min3A : i32
      %multiple_of3A_1043 = tpu.assume_multiple %add3A_1042, 8 : i32
      %get3A_1044 = arith.index_cast %multiple_of3A_1043 : i32 to index
      %get3A_1045 = arith.constant 0 : index
      %get3A_1046 = vector.load %arg2[%get3A_1044, %get3A_1045] : memref<2688x768xf32, #tpu.memory_space<vmem>>, vector<128x768xf32>
      %convert_element_type3A_1047 = arith.truncf %get3A_1046 : vector<128x768xf32> to vector<128x768xbf16>
      %get3A_1048 = arith.constant 3 : index
      %get3A_1049 = arith.constant 0 : index
      %get3A_1050 = arith.constant 0 : index
      %get3A_1051 = vector.load %arg3[%get3A_1048, %get3A_1049, %get3A_1050] : memref<8x768x64xbf16, #tpu.memory_space<vmem>>, vector<1x768x64xbf16>
      %get3A_1052 = vector.shape_cast %get3A_1051 : vector<1x768x64xbf16> to vector<768x64xbf16>
      %dot_general3A_1053 = arith.constant dense<0.000000e+00> : vector<128x64xf32>
      %dot_general3A_1054 = tpu.matmul %convert_element_type3A_1047, %get3A_1052, %dot_general3A_1053 {dimension_numbers = #tpu.dot_dimension_numbers<[1], [0], [0], [1], [0, 0, 1, 1], [], []>, transpose_lhs_hint = false} : vector<128x768xbf16>, vector<768x64xbf16>, vector<128x64xf32> -> vector<128x64xf32>
      %get3A_1055 = arith.constant 3 : index
      %get3A_1056 = arith.constant 0 : index
      %get3A_1057 = arith.constant 0 : index
      %get3A_1058 = vector.load %arg4[%get3A_1055, %get3A_1056, %get3A_1057] : memref<8x768x64xf32, #tpu.memory_space<vmem>>, vector<1x768x64xf32>
      %get3A_1059 = vector.shape_cast %get3A_1058 : vector<1x768x64xf32> to vector<768x64xf32>
      %dot_general3A_1060 = arith.constant dense<0.000000e+00> : vector<128x64xf32>
      %dot_general3A_1061 = tpu.matmul %get3A_1046, %get3A_1059, %dot_general3A_1060 {dimension_numbers = #tpu.dot_dimension_numbers<[1], [0], [0], [1], [0, 0, 1, 1], [], []>, transpose_lhs_hint = false} : vector<128x768xf32>, vector<768x64xf32>, vector<128x64xf32> -> vector<128x64xf32>
      %tanh3A_1062 = math.tanh %dot_general3A_1054 : vector<128x64xf32>
      %custom_jvp_call3A_1063 = arith.constant 0.000000e+00 : f32
      %max3A_1064 = vector.broadcast %custom_jvp_call3A_1063 : f32 to vector<128x64xf32>
      %max3A_1065 = arith.maximumf %dot_general3A_1061, %max3A_1064 : vector<128x64xf32>
      %sub3A_1066 = vector.broadcast %custom_jvp_call3A_1063 : f32 to vector<128x64xf32>
      %sub3A_1067 = arith.subf %dot_general3A_1061, %sub3A_1066 : vector<128x64xf32>
      %ne3A_1068 = arith.cmpf one, %sub3A_1067, %sub3A_1067 : vector<128x64xf32>
      %add3A_1069 = vector.broadcast %custom_jvp_call3A_1063 : f32 to vector<128x64xf32>
      %add3A_1070 = arith.addf %dot_general3A_1061, %add3A_1069 : vector<128x64xf32>
      %abs3A_1071 = math.absf %sub3A_1067 : vector<128x64xf32>
      %neg3A_1072 = arith.constant 0.000000e+00 : f32
      %neg3A_1073 = vector.broadcast %neg3A_1072 : f32 to vector<128x64xf32>
      %neg3A_1074 = arith.subf %neg3A_1073, %abs3A_1071 : vector<128x64xf32>
      %exp3A_1075 = math.exp %neg3A_1074 : vector<128x64xf32>
      %log1p3A_1076 = math.log1p %exp3A_1075 : vector<128x64xf32>
      %add3A_1077 = arith.addf %max3A_1065, %log1p3A_1076 : vector<128x64xf32>
      %select_n3A_1078 = arith.select %ne3A_1068, %add3A_1070, %add3A_1077 : vector<128x64xi1>, vector<128x64xf32>
      %add3A_1079 = arith.constant 1.000000e-01 : f32
      %add3A_1080 = vector.broadcast %add3A_1079 : f32 to vector<128x64xf32>
      %add3A_1081 = arith.addf %select_n3A_1078, %add3A_1080 : vector<128x64xf32>
      %get3A_1082 = arith.constant 3 : index
      %get3A_1083 = arith.constant 0 : index
      %get3A_1084 = arith.constant 0 : index
      %get3A_1085 = vector.load %arg5[%get3A_1082, %get3A_1083, %get3A_1084] : memref<8x1x64xf32, #tpu.memory_space<vmem>>, vector<1x1x64xf32>
      %get3A_1086 = vector.shape_cast %get3A_1085 : vector<1x1x64xf32> to vector<64xf32>
      %broadcast_in_dim3A_1087 = vector.shape_cast %get3A_1086 : vector<64xf32> to vector<1x64xf32>
      %add3A_1088 = vector.broadcast %broadcast_in_dim3A_1087 : vector<1x64xf32> to vector<128x64xf32>
      %add3A_1089 = arith.addf %add3A_1081, %add3A_1088 : vector<128x64xf32>
      %cos3A_1090 = math.cos %add3A_1089 : vector<128x64xf32>
      %mul3A_1091 = arith.mulf %tanh3A_1062, %cos3A_1090 : vector<128x64xf32>
      %convert_element_type3A_1092 = arith.truncf %mul3A_1091 : vector<128x64xf32> to vector<128x64xbf16>
      %get3A_1093 = arith.constant 3 : index
      %get3A_1094 = arith.constant 0 : index
      %get3A_1095 = arith.constant 0 : index
      %get3A_1096 = vector.load %arg6[%get3A_1093, %get3A_1094, %get3A_1095] : memref<8x64x768xbf16, #tpu.memory_space<vmem>>, vector<1x64x768xbf16>
      %get3A_1097 = vector.shape_cast %get3A_1096 : vector<1x64x768xbf16> to vector<64x768xbf16>
      %dot_general3A_1098 = arith.constant dense<0.000000e+00> : vector<128x768xf32>
      %dot_general3A_1099 = tpu.matmul %convert_element_type3A_1092, %get3A_1097, %dot_general3A_1098 {dimension_numbers = #tpu.dot_dimension_numbers<[1], [0], [0], [1], [0, 0, 1, 1], [], []>, transpose_lhs_hint = false} : vector<128x64xbf16>, vector<64x768xbf16>, vector<128x768xf32> -> vector<128x768xf32>
      %mul3A_1100 = arith.mulf %dot_general3A_1099, %dot_general3A_1099 : vector<128x768xf32>
      %reduce_sum3A_1101 = arith.constant dense<0.000000e+00> : vector<128xf32>
      %reduce_sum3A_1102 = vector.multi_reduction <add>, %mul3A_1100, %reduce_sum3A_1101 [1] : vector<128x768xf32> to vector<128xf32>
      %broadcast_in_dim3A_1103 = vector.shape_cast %reduce_sum3A_1102 : vector<128xf32> to vector<128x1xf32>
      %div3A_1104 = arith.constant 7.680000e+02 : f32
      %div3A_1105 = vector.broadcast %div3A_1104 : f32 to vector<128x1xf32>
      %div3A_1106 = arith.divf %broadcast_in_dim3A_1103, %div3A_1105 : vector<128x1xf32>
      %add3A_1107 = arith.constant 9.99999997E-7 : f32
      %add3A_1108 = vector.broadcast %add3A_1107 : f32 to vector<128x1xf32>
      %add3A_1109 = arith.addf %div3A_1106, %add3A_1108 : vector<128x1xf32>
      %rsqrt3A_1110 = math.rsqrt %add3A_1109 : vector<128x1xf32>
      %mul3A_1111 = vector.broadcast %rsqrt3A_1110 : vector<128x1xf32> to vector<128x768xf32>
      %mul3A_1112 = arith.mulf %dot_general3A_1099, %mul3A_1111 : vector<128x768xf32>
      %get3A_1113 = arith.constant 0 : index
      %get3A_1114 = arith.constant 0 : index
      %get3A_1115 = vector.load %arg7[%get3A_1113, %get3A_1114] : memref<1x768xf32, #tpu.memory_space<vmem>>, vector<1x768xf32>
      %mul3A_1116 = vector.broadcast %get3A_1115 : vector<1x768xf32> to vector<128x768xf32>
      %mul3A_1117 = arith.mulf %mul3A_1112, %mul3A_1116 : vector<128x768xf32>
      %swap3A_1118 = arith.index_cast %multiple_of3A_1043 : i32 to index
      %swap3A_1119 = arith.constant 0 : index
      %swap3A_1120 = vector.load %arg8[%swap3A_1118, %swap3A_1119] : memref<2688x768xf32, #tpu.memory_space<vmem>>, vector<128x768xf32>
      tpu.vector_store %arg8[%swap3A_1118, %swap3A_1119], %mul3A_1117 {strides = array<i32>} : memref<2688x768xf32, #tpu.memory_space<vmem>>, vector<128x768xf32>,
    }
    %while3A_840 = arith.constant 1 : i32
    scf.for %while3A_1037 = %while3A_838 to %while3A_834 step %while3A_840  : i32 {
      %mul3A_1038 = arith.constant 128 : i32
      %mul3A_1039 = arith.muli %while3A_1037, %mul3A_1038 : i32
      %sub3A_1040 = arith.constant 128 : i32
      %sub3A_1041 = arith.subi %sub3A_802, %sub3A_1040 : i32
      %min3A = arith.minsi %mul3A_1039, %sub3A_1041 : i32
      %add3A_1042 = arith.addi %get3A_797, %min3A : i32
      %multiple_of3A_1043 = tpu.assume_multiple %add3A_1042, 8 : i32
      %get3A_1044 = arith.index_cast %multiple_of3A_1043 : i32 to index
      %get3A_1045 = arith.constant 0 : index
      %get3A_1046 = vector.load %arg2[%get3A_1044, %get3A_1045] : memref<2688x768xf32, #tpu.memory_space<vmem>>, vector<128x768xf32>
      %convert_element_type3A_1047 = arith.truncf %get3A_1046 : vector<128x768xf32> to vector<128x768xbf16>
      %get3A_1048 = arith.constant 3 : index
      %get3A_1049 = arith.constant 0 : index
      %get3A_1050 = arith.constant 0 : index
      %get3A_1051 = vector.load %arg3[%get3A_1048, %get3A_1049, %get3A_1050] : memref<8x768x64xbf16, #tpu.memory_space<vmem>>, vector<1x768x64xbf16>
      %get3A_1052 = vector.shape_cast %get3A_1051 : vector<1x768x64xbf16> to vector<768x64xbf16>
      %dot_general3A_1053 = arith.constant dense<0.000000e+00> : vector<128x64xf32>
      %dot_general3A_1054 = tpu.matmul %convert_element_type3A_1047, %get3A_1052, %dot_general3A_1053 {dimension_numbers = #tpu.dot_dimension_numbers<[1], [0], [0], [1], [0, 0, 1, 1], [], []>, transpose_lhs_hint = false} : vector<128x768xbf16>, vector<768x64xbf16>, vector<128x64xf32> -> vector<128x64xf32>
      %get3A_1055 = arith.constant 3 : index
      %get3A_1056 = arith.constant 0 : index
      %get3A_1057 = arith.constant 0 : index
      %get3A_1058 = vector.load %arg4[%get3A_1055, %get3A_1056, %get3A_1057] : memref<8x768x64xf32, #tpu.memory_space<vmem>>, vector<1x768x64xf32>
      %get3A_1059 = vector.shape_cast %get3A_1058 : vector<1x768x64xf32> to vector<768x64xf32>
      %dot_general3A_1060 = arith.constant dense<0.000000e+00> : vector<128x64xf32>
      %dot_general3A_1061 = tpu.matmul %get3A_1046, %get3A_1059, %dot_general3A_1060 {dimension_numbers = #tpu.dot_dimension_numbers<[1], [0], [0], [1], [0, 0, 1, 1], [], []>, transpose_lhs_hint = false} : vector<128x768xf32>, vector<768x64xf32>, vector<128x64xf32> -> vector<128x64xf32>
      %tanh3A_1062 = math.tanh %dot_general3A_1054 : vector<128x64xf32>
      %custom_jvp_call3A_1063 = arith.constant 0.000000e+00 : f32
      %max3A_1064 = vector.broadcast %custom_jvp_call3A_1063 : f32 to vector<128x64xf32>
      %max3A_1065 = arith.maximumf %dot_general3A_1061, %max3A_1064 : vector<128x64xf32>
      %sub3A_1066 = vector.broadcast %custom_jvp_call3A_1063 : f32 to vector<128x64xf32>
      %sub3A_1067 = arith.subf %dot_general3A_1061, %sub3A_1066 : vector<128x64xf32>
      %ne3A_1068 = arith.cmpf one, %sub3A_1067, %sub3A_1067 : vector<128x64xf32>
      %add3A_1069 = vector.broadcast %custom_jvp_call3A_1063 : f32 to vector<128x64xf32>
      %add3A_1070 = arith.addf %dot_general3A_1061, %add3A_1069 : vector<128x64xf32>
      %abs3A_1071 = math.absf %sub3A_1067 : vector<128x64xf32>
      %neg3A_1072 = arith.constant 0.000000e+00 : f32
      %neg3A_1073 = vector.broadcast %neg3A_1072 : f32 to vector<128x64xf32>
      %neg3A_1074 = arith.subf %neg3A_1073, %abs3A_1071 : vector<128x64xf32>
      %exp3A_1075 = math.exp %neg3A_1074 : vector<128x64xf32>
      %log1p3A_1076 = math.log1p %exp3A_1075 : vector<128x64xf32>
      %add3A_1077 = arith.addf %max3A_1065, %log1p3A_1076 : vector<128x64xf32>
      %select_n3A_1078 = arith.select %ne3A_1068, %add3A_1070, %add3A_1077 : vector<128x64xi1>, vector<128x64xf32>
      %add3A_1079 = arith.constant 1.000000e-01 : f32
      %add3A_1080 = vector.broadcast %add3A_1079 : f32 to vector<128x64xf32>
      %add3A_1081 = arith.addf %select_n3A_1078, %add3A_1080 : vector<128x64xf32>
      %get3A_1082 = arith.constant 3 : index
      %get3A_1083 = arith.constant 0 : index
      %get3A_1084 = arith.constant 0 : index
      %get3A_1085 = vector.load %arg5[%get3A_1082, %get3A_1083, %get3A_1084] : memref<8x1x64xf32, #tpu.memory_space<vmem>>, vector<1x1x64xf32>
      %get3A_1086 = vector.shape_cast %get3A_1085 : vector<1x1x64xf32> to vector<64xf32>
      %broadcast_in_dim3A_1087 = vector.shape_cast %get3A_1086 : vector<64xf32> to vector<1x64xf32>
      %add3A_1088 = vector.broadcast %broadcast_in_dim3A_1087 : vector<1x64xf32> to vector<128x64xf32>
      %add3A_1089 = arith.addf %add3A_1081, %add3A_1088 : vector<128x64xf32>
      %cos3A_1090 = math.cos %add3A_1089 : vector<128x64xf32>
      %mul3A_1091 = arith.mulf %tanh3A_1062, %cos3A_1090 : vector<128x64xf32>
      %convert_element_type3A_1092 = arith.truncf %mul3A_1091 : vector<128x64xf32> to vector<128x64xbf16>
      %get3A_1093 = arith.constant 3 : index
      %get3A_1094 = arith.constant 0 : index
      %get3A_1095 = arith.constant 0 : index
      %get3A_1096 = vector.load %arg6[%get3A_1093, %get3A_1094, %get3A_1095] : memref<8x64x768xbf16, #tpu.memory_space<vmem>>, vector<1x64x768xbf16>
      %get3A_1097 = vector.shape_cast %get3A_1096 : vector<1x64x768xbf16> to vector<64x768xbf16>
      %dot_general3A_1098 = arith.constant dense<0.000000e+00> : vector<128x768xf32>
      %dot_general3A_1099 = tpu.matmul %convert_element_type3A_1092, %get3A_1097, %dot_general3A_1098 {dimension_numbers = #tpu.dot_dimension_numbers<[1], [0], [0], [1], [0, 0, 1, 1], [], []>, transpose_lhs_hint = false} : vector<128x64xbf16>, vector<64x768xbf16>, vector<128x768xf32> -> vector<128x768xf32>
      %mul3A_1100 = arith.mulf %dot_general3A_1099, %dot_general3A_1099 : vector<128x768xf32>
      %reduce_sum3A_1101 = arith.constant dense<0.000000e+00> : vector<128xf32>
      %reduce_sum3A_1102 = vector.multi_reduction <add>, %mul3A_1100, %reduce_sum3A_1101 [1] : vector<128x768xf32> to vector<128xf32>
      %broadcast_in_dim3A_1103 = vector.shape_cast %reduce_sum3A_1102 : vector<128xf32> to vector<128x1xf32>
      %div3A_1104 = arith.constant 7.680000e+02 : f32
      %div3A_1105 = vector.broadcast %div3A_1104 : f32 to vector<128x1xf32>
      %div3A_1106 = arith.divf %broadcast_in_dim3A_1103, %div3A_1105 : vector<128x1xf32>
      %add3A_1107 = arith.constant 9.99999997E-7 : f32
      %add3A_1108 = vector.broadcast %add3A_1107 : f32 to vector<128x1xf32>
      %add3A_1109 = arith.addf %div3A_1106, %add3A_1108 : vector<128x1xf32>
      %rsqrt3A_1110 = math.rsqrt %add3A_1109 : vector<128x1xf32>
      %mul3A_1111 = vector.broadcast %rsqrt3A_1110 : vector<128x1xf32> to vector<128x768xf32>
      %mul3A_1112 = arith.mulf %dot_general3A_1099, %mul3A_1111 : vector<128x768xf32>
      %get3A_1113 = arith.constant 0 : index
      %get3A_1114 = arith.constant 0 : index
      %get3A_1115 = vector.load %arg7[%get3A_1113, %get3A_1114] : memref<1x768xf32, #tpu.memory_space<vmem>>, vector<1x768xf32>
      %mul3A_1116 = vector.broadcast %get3A_1115 : vector<1x768xf32> to vector<128x768xf32>
      %mul3A_1117 = arith.mulf %mul3A_1112, %mul3A_1116 : vector<128x768xf32>
      %swap3A_1118 = arith.index_cast %multiple_of3A_1043 : i32 to index
      %swap3A_1119 = arith.constant 0 : index
      %swap3A_1120 = vector.load %arg8[%swap3A_1118, %swap3A_1119] : memref<2688x768xf32, #tpu.memory_space<vmem>>, vector<128x768xf32>
      tpu.vector_store %arg8[%swap3A_1118, %swap3A_1119], %mul3A_1117 {strides = array<i32>} : memref<2688x768xf32, #tpu.memory_space<vmem>>, vector<128x768xf32>,
    }
    %mul3A_841 = arith.constant 8 : i32
    %mul3A_842 = arith.muli %arg0, %mul3A_841 : i32
    %add3A_843 = arith.constant 4 : i32
    %add3A_844 = arith.addi %mul3A_842, %add3A_843 : i32
    %get3A_845 = arith.index_cast %add3A_844 : i32 to index
    %get3A_846 = memref.load %arg1[%get3A_845] : memref<128xi32, #tpu.memory_space<smem>>
    %add3A_847 = arith.constant 1 : i32
    %add3A_848 = arith.addi %add3A_844, %add3A_847 : i32
    %get3A_849 = arith.index_cast %add3A_848 : i32 to index
    %get3A_850 = memref.load %arg1[%get3A_849] : memref<128xi32, #tpu.memory_space<smem>>
    %sub3A_851 = arith.subi %get3A_850, %get3A_846 : i32
    %add3A_852 = arith.constant 128 : i32
    %add3A_853 = arith.addi %sub3A_851, %add3A_852 : i32
    %sub3A_854 = arith.constant 1 : i32
    %sub3A_855 = arith.subi %add3A_853, %sub3A_854 : i32
    %jit3A_856 = arith.constant 128 : i32
    %div3A_857 = arith.divsi %sub3A_855, %jit3A_856 : i32
    %sign3A_858 = arith.constant 0 : i32
    %sign3A_859 = arith.cmpi sgt, %sub3A_855, %sign3A_858 : i32
    %sign3A_860 = arith.extui %sign3A_859 : i1 to i32
    %sign3A_861 = arith.constant 0 : i32
    %sign3A_862 = arith.cmpi slt, %sub3A_855, %sign3A_861 : i32
    %sign3A_863 = arith.extui %sign3A_862 : i1 to i32
    %sign3A_864 = arith.subi %sign3A_860, %sign3A_863 : i32
    %sign3A_865 = arith.constant 0 : i32
    %sign3A_866 = arith.cmpi sgt, %jit3A_856, %sign3A_865 : i32
    %sign3A_867 = arith.extui %sign3A_866 : i1 to i32
    %sign3A_868 = arith.constant 0 : i32
    %sign3A_869 = arith.cmpi slt, %jit3A_856, %sign3A_868 : i32
    %sign3A_870 = arith.extui %sign3A_869 : i1 to i32
    %sign3A_871 = arith.subi %sign3A_867, %sign3A_870 : i32
    %ne3A_872 = arith.cmpi ne, %sign3A_864, %sign3A_871 : i32
    %rem3A_873 = arith.remsi %sub3A_855, %jit3A_856 : i32
    %ne3A_874 = arith.constant 0 : i32
    %ne3A_875 = arith.cmpi ne, %rem3A_873, %ne3A_874 : i32
    %and3A_876 = arith.andi %ne3A_872, %ne3A_875 : i1
    %sub3A_877 = arith.constant 1 : i32
    %sub3A_878 = arith.subi %div3A_857, %sub3A_877 : i32
    %select_n3A_879 = arith.select %and3A_876, %sub3A_878, %div3A_857 : i32
    %while3A_880 = arith.constant 0 : i32
    %while3A_881 = arith.constant 1 : i32
    %while3A_882 = arith.subi %select_n3A_879, %while3A_881 : i32
    %while3A_883 = arith.addi %while3A_881, %while3A_882 : i32
    %while3A_884 = arith.constant 1 : i32
    %while3A_885 = arith.divsi %while3A_882, %while3A_884 : i32
    %while3A_886 = arith.muli %while3A_885, %while3A_884 : i32
    %while3A_887 = arith.addi %while3A_881, %while3A_886 : i32
    %while3A_888 = arith.constant 1 : i32
    scf.for %while3A_1037 = %while3A_881 to %while3A_887 step %while3A_888  : i32 {
      %mul3A_1038 = arith.constant 128 : i32
      %mul3A_1039 = arith.muli %while3A_1037, %mul3A_1038 : i32
      %sub3A_1040 = arith.constant 128 : i32
      %sub3A_1041 = arith.subi %sub3A_851, %sub3A_1040 : i32
      %min3A = arith.minsi %mul3A_1039, %sub3A_1041 : i32
      %add3A_1042 = arith.addi %get3A_846, %min3A : i32
      %multiple_of3A_1043 = tpu.assume_multiple %add3A_1042, 8 : i32
      %get3A_1044 = arith.index_cast %multiple_of3A_1043 : i32 to index
      %get3A_1045 = arith.constant 0 : index
      %get3A_1046 = vector.load %arg2[%get3A_1044, %get3A_1045] : memref<2688x768xf32, #tpu.memory_space<vmem>>, vector<128x768xf32>
      %convert_element_type3A_1047 = arith.truncf %get3A_1046 : vector<128x768xf32> to vector<128x768xbf16>
      %get3A_1048 = arith.constant 4 : index
      %get3A_1049 = arith.constant 0 : index
      %get3A_1050 = arith.constant 0 : index
      %get3A_1051 = vector.load %arg3[%get3A_1048, %get3A_1049, %get3A_1050] : memref<8x768x64xbf16, #tpu.memory_space<vmem>>, vector<1x768x64xbf16>
      %get3A_1052 = vector.shape_cast %get3A_1051 : vector<1x768x64xbf16> to vector<768x64xbf16>
      %dot_general3A_1053 = arith.constant dense<0.000000e+00> : vector<128x64xf32>
      %dot_general3A_1054 = tpu.matmul %convert_element_type3A_1047, %get3A_1052, %dot_general3A_1053 {dimension_numbers = #tpu.dot_dimension_numbers<[1], [0], [0], [1], [0, 0, 1, 1], [], []>, transpose_lhs_hint = false} : vector<128x768xbf16>, vector<768x64xbf16>, vector<128x64xf32> -> vector<128x64xf32>
      %get3A_1055 = arith.constant 4 : index
      %get3A_1056 = arith.constant 0 : index
      %get3A_1057 = arith.constant 0 : index
      %get3A_1058 = vector.load %arg4[%get3A_1055, %get3A_1056, %get3A_1057] : memref<8x768x64xf32, #tpu.memory_space<vmem>>, vector<1x768x64xf32>
      %get3A_1059 = vector.shape_cast %get3A_1058 : vector<1x768x64xf32> to vector<768x64xf32>
      %dot_general3A_1060 = arith.constant dense<0.000000e+00> : vector<128x64xf32>
      %dot_general3A_1061 = tpu.matmul %get3A_1046, %get3A_1059, %dot_general3A_1060 {dimension_numbers = #tpu.dot_dimension_numbers<[1], [0], [0], [1], [0, 0, 1, 1], [], []>, transpose_lhs_hint = false} : vector<128x768xf32>, vector<768x64xf32>, vector<128x64xf32> -> vector<128x64xf32>
      %tanh3A_1062 = math.tanh %dot_general3A_1054 : vector<128x64xf32>
      %custom_jvp_call3A_1063 = arith.constant 0.000000e+00 : f32
      %max3A_1064 = vector.broadcast %custom_jvp_call3A_1063 : f32 to vector<128x64xf32>
      %max3A_1065 = arith.maximumf %dot_general3A_1061, %max3A_1064 : vector<128x64xf32>
      %sub3A_1066 = vector.broadcast %custom_jvp_call3A_1063 : f32 to vector<128x64xf32>
      %sub3A_1067 = arith.subf %dot_general3A_1061, %sub3A_1066 : vector<128x64xf32>
      %ne3A_1068 = arith.cmpf one, %sub3A_1067, %sub3A_1067 : vector<128x64xf32>
      %add3A_1069 = vector.broadcast %custom_jvp_call3A_1063 : f32 to vector<128x64xf32>
      %add3A_1070 = arith.addf %dot_general3A_1061, %add3A_1069 : vector<128x64xf32>
      %abs3A_1071 = math.absf %sub3A_1067 : vector<128x64xf32>
      %neg3A_1072 = arith.constant 0.000000e+00 : f32
      %neg3A_1073 = vector.broadcast %neg3A_1072 : f32 to vector<128x64xf32>
      %neg3A_1074 = arith.subf %neg3A_1073, %abs3A_1071 : vector<128x64xf32>
      %exp3A_1075 = math.exp %neg3A_1074 : vector<128x64xf32>
      %log1p3A_1076 = math.log1p %exp3A_1075 : vector<128x64xf32>
      %add3A_1077 = arith.addf %max3A_1065, %log1p3A_1076 : vector<128x64xf32>
      %select_n3A_1078 = arith.select %ne3A_1068, %add3A_1070, %add3A_1077 : vector<128x64xi1>, vector<128x64xf32>
      %add3A_1079 = arith.constant 1.000000e-01 : f32
      %add3A_1080 = vector.broadcast %add3A_1079 : f32 to vector<128x64xf32>
      %add3A_1081 = arith.addf %select_n3A_1078, %add3A_1080 : vector<128x64xf32>
      %get3A_1082 = arith.constant 4 : index
      %get3A_1083 = arith.constant 0 : index
      %get3A_1084 = arith.constant 0 : index
      %get3A_1085 = vector.load %arg5[%get3A_1082, %get3A_1083, %get3A_1084] : memref<8x1x64xf32, #tpu.memory_space<vmem>>, vector<1x1x64xf32>
      %get3A_1086 = vector.shape_cast %get3A_1085 : vector<1x1x64xf32> to vector<64xf32>
      %broadcast_in_dim3A_1087 = vector.shape_cast %get3A_1086 : vector<64xf32> to vector<1x64xf32>
      %add3A_1088 = vector.broadcast %broadcast_in_dim3A_1087 : vector<1x64xf32> to vector<128x64xf32>
      %add3A_1089 = arith.addf %add3A_1081, %add3A_1088 : vector<128x64xf32>
      %cos3A_1090 = math.cos %add3A_1089 : vector<128x64xf32>
      %mul3A_1091 = arith.mulf %tanh3A_1062, %cos3A_1090 : vector<128x64xf32>
      %convert_element_type3A_1092 = arith.truncf %mul3A_1091 : vector<128x64xf32> to vector<128x64xbf16>
      %get3A_1093 = arith.constant 4 : index
      %get3A_1094 = arith.constant 0 : index
      %get3A_1095 = arith.constant 0 : index
      %get3A_1096 = vector.load %arg6[%get3A_1093, %get3A_1094, %get3A_1095] : memref<8x64x768xbf16, #tpu.memory_space<vmem>>, vector<1x64x768xbf16>
      %get3A_1097 = vector.shape_cast %get3A_1096 : vector<1x64x768xbf16> to vector<64x768xbf16>
      %dot_general3A_1098 = arith.constant dense<0.000000e+00> : vector<128x768xf32>
      %dot_general3A_1099 = tpu.matmul %convert_element_type3A_1092, %get3A_1097, %dot_general3A_1098 {dimension_numbers = #tpu.dot_dimension_numbers<[1], [0], [0], [1], [0, 0, 1, 1], [], []>, transpose_lhs_hint = false} : vector<128x64xbf16>, vector<64x768xbf16>, vector<128x768xf32> -> vector<128x768xf32>
      %mul3A_1100 = arith.mulf %dot_general3A_1099, %dot_general3A_1099 : vector<128x768xf32>
      %reduce_sum3A_1101 = arith.constant dense<0.000000e+00> : vector<128xf32>
      %reduce_sum3A_1102 = vector.multi_reduction <add>, %mul3A_1100, %reduce_sum3A_1101 [1] : vector<128x768xf32> to vector<128xf32>
      %broadcast_in_dim3A_1103 = vector.shape_cast %reduce_sum3A_1102 : vector<128xf32> to vector<128x1xf32>
      %div3A_1104 = arith.constant 7.680000e+02 : f32
      %div3A_1105 = vector.broadcast %div3A_1104 : f32 to vector<128x1xf32>
      %div3A_1106 = arith.divf %broadcast_in_dim3A_1103, %div3A_1105 : vector<128x1xf32>
      %add3A_1107 = arith.constant 9.99999997E-7 : f32
      %add3A_1108 = vector.broadcast %add3A_1107 : f32 to vector<128x1xf32>
      %add3A_1109 = arith.addf %div3A_1106, %add3A_1108 : vector<128x1xf32>
      %rsqrt3A_1110 = math.rsqrt %add3A_1109 : vector<128x1xf32>
      %mul3A_1111 = vector.broadcast %rsqrt3A_1110 : vector<128x1xf32> to vector<128x768xf32>
      %mul3A_1112 = arith.mulf %dot_general3A_1099, %mul3A_1111 : vector<128x768xf32>
      %get3A_1113 = arith.constant 0 : index
      %get3A_1114 = arith.constant 0 : index
      %get3A_1115 = vector.load %arg7[%get3A_1113, %get3A_1114] : memref<1x768xf32, #tpu.memory_space<vmem>>, vector<1x768xf32>
      %mul3A_1116 = vector.broadcast %get3A_1115 : vector<1x768xf32> to vector<128x768xf32>
      %mul3A_1117 = arith.mulf %mul3A_1112, %mul3A_1116 : vector<128x768xf32>
      %swap3A_1118 = arith.index_cast %multiple_of3A_1043 : i32 to index
      %swap3A_1119 = arith.constant 0 : index
      %swap3A_1120 = vector.load %arg8[%swap3A_1118, %swap3A_1119] : memref<2688x768xf32, #tpu.memory_space<vmem>>, vector<128x768xf32>
      tpu.vector_store %arg8[%swap3A_1118, %swap3A_1119], %mul3A_1117 {strides = array<i32>} : memref<2688x768xf32, #tpu.memory_space<vmem>>, vector<128x768xf32>,
    }
    %while3A_889 = arith.constant 1 : i32
    scf.for %while3A_1037 = %while3A_887 to %while3A_883 step %while3A_889  : i32 {
      %mul3A_1038 = arith.constant 128 : i32
      %mul3A_1039 = arith.muli %while3A_1037, %mul3A_1038 : i32
      %sub3A_1040 = arith.constant 128 : i32
      %sub3A_1041 = arith.subi %sub3A_851, %sub3A_1040 : i32
      %min3A = arith.minsi %mul3A_1039, %sub3A_1041 : i32
      %add3A_1042 = arith.addi %get3A_846, %min3A : i32
      %multiple_of3A_1043 = tpu.assume_multiple %add3A_1042, 8 : i32
      %get3A_1044 = arith.index_cast %multiple_of3A_1043 : i32 to index
      %get3A_1045 = arith.constant 0 : index
      %get3A_1046 = vector.load %arg2[%get3A_1044, %get3A_1045] : memref<2688x768xf32, #tpu.memory_space<vmem>>, vector<128x768xf32>
      %convert_element_type3A_1047 = arith.truncf %get3A_1046 : vector<128x768xf32> to vector<128x768xbf16>
      %get3A_1048 = arith.constant 4 : index
      %get3A_1049 = arith.constant 0 : index
      %get3A_1050 = arith.constant 0 : index
      %get3A_1051 = vector.load %arg3[%get3A_1048, %get3A_1049, %get3A_1050] : memref<8x768x64xbf16, #tpu.memory_space<vmem>>, vector<1x768x64xbf16>
      %get3A_1052 = vector.shape_cast %get3A_1051 : vector<1x768x64xbf16> to vector<768x64xbf16>
      %dot_general3A_1053 = arith.constant dense<0.000000e+00> : vector<128x64xf32>
      %dot_general3A_1054 = tpu.matmul %convert_element_type3A_1047, %get3A_1052, %dot_general3A_1053 {dimension_numbers = #tpu.dot_dimension_numbers<[1], [0], [0], [1], [0, 0, 1, 1], [], []>, transpose_lhs_hint = false} : vector<128x768xbf16>, vector<768x64xbf16>, vector<128x64xf32> -> vector<128x64xf32>
      %get3A_1055 = arith.constant 4 : index
      %get3A_1056 = arith.constant 0 : index
      %get3A_1057 = arith.constant 0 : index
      %get3A_1058 = vector.load %arg4[%get3A_1055, %get3A_1056, %get3A_1057] : memref<8x768x64xf32, #tpu.memory_space<vmem>>, vector<1x768x64xf32>
      %get3A_1059 = vector.shape_cast %get3A_1058 : vector<1x768x64xf32> to vector<768x64xf32>
      %dot_general3A_1060 = arith.constant dense<0.000000e+00> : vector<128x64xf32>
      %dot_general3A_1061 = tpu.matmul %get3A_1046, %get3A_1059, %dot_general3A_1060 {dimension_numbers = #tpu.dot_dimension_numbers<[1], [0], [0], [1], [0, 0, 1, 1], [], []>, transpose_lhs_hint = false} : vector<128x768xf32>, vector<768x64xf32>, vector<128x64xf32> -> vector<128x64xf32>
      %tanh3A_1062 = math.tanh %dot_general3A_1054 : vector<128x64xf32>
      %custom_jvp_call3A_1063 = arith.constant 0.000000e+00 : f32
      %max3A_1064 = vector.broadcast %custom_jvp_call3A_1063 : f32 to vector<128x64xf32>
      %max3A_1065 = arith.maximumf %dot_general3A_1061, %max3A_1064 : vector<128x64xf32>
      %sub3A_1066 = vector.broadcast %custom_jvp_call3A_1063 : f32 to vector<128x64xf32>
      %sub3A_1067 = arith.subf %dot_general3A_1061, %sub3A_1066 : vector<128x64xf32>
      %ne3A_1068 = arith.cmpf one, %sub3A_1067, %sub3A_1067 : vector<128x64xf32>
      %add3A_1069 = vector.broadcast %custom_jvp_call3A_1063 : f32 to vector<128x64xf32>
      %add3A_1070 = arith.addf %dot_general3A_1061, %add3A_1069 : vector<128x64xf32>
      %abs3A_1071 = math.absf %sub3A_1067 : vector<128x64xf32>
      %neg3A_1072 = arith.constant 0.000000e+00 : f32
      %neg3A_1073 = vector.broadcast %neg3A_1072 : f32 to vector<128x64xf32>
      %neg3A_1074 = arith.subf %neg3A_1073, %abs3A_1071 : vector<128x64xf32>
      %exp3A_1075 = math.exp %neg3A_1074 : vector<128x64xf32>
      %log1p3A_1076 = math.log1p %exp3A_1075 : vector<128x64xf32>
      %add3A_1077 = arith.addf %max3A_1065, %log1p3A_1076 : vector<128x64xf32>
      %select_n3A_1078 = arith.select %ne3A_1068, %add3A_1070, %add3A_1077 : vector<128x64xi1>, vector<128x64xf32>
      %add3A_1079 = arith.constant 1.000000e-01 : f32
      %add3A_1080 = vector.broadcast %add3A_1079 : f32 to vector<128x64xf32>
      %add3A_1081 = arith.addf %select_n3A_1078, %add3A_1080 : vector<128x64xf32>
      %get3A_1082 = arith.constant 4 : index
      %get3A_1083 = arith.constant 0 : index
      %get3A_1084 = arith.constant 0 : index
      %get3A_1085 = vector.load %arg5[%get3A_1082, %get3A_1083, %get3A_1084] : memref<8x1x64xf32, #tpu.memory_space<vmem>>, vector<1x1x64xf32>
      %get3A_1086 = vector.shape_cast %get3A_1085 : vector<1x1x64xf32> to vector<64xf32>
      %broadcast_in_dim3A_1087 = vector.shape_cast %get3A_1086 : vector<64xf32> to vector<1x64xf32>
      %add3A_1088 = vector.broadcast %broadcast_in_dim3A_1087 : vector<1x64xf32> to vector<128x64xf32>
      %add3A_1089 = arith.addf %add3A_1081, %add3A_1088 : vector<128x64xf32>
      %cos3A_1090 = math.cos %add3A_1089 : vector<128x64xf32>
      %mul3A_1091 = arith.mulf %tanh3A_1062, %cos3A_1090 : vector<128x64xf32>
      %convert_element_type3A_1092 = arith.truncf %mul3A_1091 : vector<128x64xf32> to vector<128x64xbf16>
      %get3A_1093 = arith.constant 4 : index
      %get3A_1094 = arith.constant 0 : index
      %get3A_1095 = arith.constant 0 : index
      %get3A_1096 = vector.load %arg6[%get3A_1093, %get3A_1094, %get3A_1095] : memref<8x64x768xbf16, #tpu.memory_space<vmem>>, vector<1x64x768xbf16>
      %get3A_1097 = vector.shape_cast %get3A_1096 : vector<1x64x768xbf16> to vector<64x768xbf16>
      %dot_general3A_1098 = arith.constant dense<0.000000e+00> : vector<128x768xf32>
      %dot_general3A_1099 = tpu.matmul %convert_element_type3A_1092, %get3A_1097, %dot_general3A_1098 {dimension_numbers = #tpu.dot_dimension_numbers<[1], [0], [0], [1], [0, 0, 1, 1], [], []>, transpose_lhs_hint = false} : vector<128x64xbf16>, vector<64x768xbf16>, vector<128x768xf32> -> vector<128x768xf32>
      %mul3A_1100 = arith.mulf %dot_general3A_1099, %dot_general3A_1099 : vector<128x768xf32>
      %reduce_sum3A_1101 = arith.constant dense<0.000000e+00> : vector<128xf32>
      %reduce_sum3A_1102 = vector.multi_reduction <add>, %mul3A_1100, %reduce_sum3A_1101 [1] : vector<128x768xf32> to vector<128xf32>
      %broadcast_in_dim3A_1103 = vector.shape_cast %reduce_sum3A_1102 : vector<128xf32> to vector<128x1xf32>
      %div3A_1104 = arith.constant 7.680000e+02 : f32
      %div3A_1105 = vector.broadcast %div3A_1104 : f32 to vector<128x1xf32>
      %div3A_1106 = arith.divf %broadcast_in_dim3A_1103, %div3A_1105 : vector<128x1xf32>
      %add3A_1107 = arith.constant 9.99999997E-7 : f32
      %add3A_1108 = vector.broadcast %add3A_1107 : f32 to vector<128x1xf32>
      %add3A_1109 = arith.addf %div3A_1106, %add3A_1108 : vector<128x1xf32>
      %rsqrt3A_1110 = math.rsqrt %add3A_1109 : vector<128x1xf32>
      %mul3A_1111 = vector.broadcast %rsqrt3A_1110 : vector<128x1xf32> to vector<128x768xf32>
      %mul3A_1112 = arith.mulf %dot_general3A_1099, %mul3A_1111 : vector<128x768xf32>
      %get3A_1113 = arith.constant 0 : index
      %get3A_1114 = arith.constant 0 : index
      %get3A_1115 = vector.load %arg7[%get3A_1113, %get3A_1114] : memref<1x768xf32, #tpu.memory_space<vmem>>, vector<1x768xf32>
      %mul3A_1116 = vector.broadcast %get3A_1115 : vector<1x768xf32> to vector<128x768xf32>
      %mul3A_1117 = arith.mulf %mul3A_1112, %mul3A_1116 : vector<128x768xf32>
      %swap3A_1118 = arith.index_cast %multiple_of3A_1043 : i32 to index
      %swap3A_1119 = arith.constant 0 : index
      %swap3A_1120 = vector.load %arg8[%swap3A_1118, %swap3A_1119] : memref<2688x768xf32, #tpu.memory_space<vmem>>, vector<128x768xf32>
      tpu.vector_store %arg8[%swap3A_1118, %swap3A_1119], %mul3A_1117 {strides = array<i32>} : memref<2688x768xf32, #tpu.memory_space<vmem>>, vector<128x768xf32>,
    }
    %mul3A_890 = arith.constant 8 : i32
    %mul3A_891 = arith.muli %arg0, %mul3A_890 : i32
    %add3A_892 = arith.constant 5 : i32
    %add3A_893 = arith.addi %mul3A_891, %add3A_892 : i32
    %get3A_894 = arith.index_cast %add3A_893 : i32 to index
    %get3A_895 = memref.load %arg1[%get3A_894] : memref<128xi32, #tpu.memory_space<smem>>
    %add3A_896 = arith.constant 1 : i32
    %add3A_897 = arith.addi %add3A_893, %add3A_896 : i32
    %get3A_898 = arith.index_cast %add3A_897 : i32 to index
    %get3A_899 = memref.load %arg1[%get3A_898] : memref<128xi32, #tpu.memory_space<smem>>
    %sub3A_900 = arith.subi %get3A_899, %get3A_895 : i32
    %add3A_901 = arith.constant 128 : i32
    %add3A_902 = arith.addi %sub3A_900, %add3A_901 : i32
    %sub3A_903 = arith.constant 1 : i32
    %sub3A_904 = arith.subi %add3A_902, %sub3A_903 : i32
    %jit3A_905 = arith.constant 128 : i32
    %div3A_906 = arith.divsi %sub3A_904, %jit3A_905 : i32
    %sign3A_907 = arith.constant 0 : i32
    %sign3A_908 = arith.cmpi sgt, %sub3A_904, %sign3A_907 : i32
    %sign3A_909 = arith.extui %sign3A_908 : i1 to i32
    %sign3A_910 = arith.constant 0 : i32
    %sign3A_911 = arith.cmpi slt, %sub3A_904, %sign3A_910 : i32
    %sign3A_912 = arith.extui %sign3A_911 : i1 to i32
    %sign3A_913 = arith.subi %sign3A_909, %sign3A_912 : i32
    %sign3A_914 = arith.constant 0 : i32
    %sign3A_915 = arith.cmpi sgt, %jit3A_905, %sign3A_914 : i32
    %sign3A_916 = arith.extui %sign3A_915 : i1 to i32
    %sign3A_917 = arith.constant 0 : i32
    %sign3A_918 = arith.cmpi slt, %jit3A_905, %sign3A_917 : i32
    %sign3A_919 = arith.extui %sign3A_918 : i1 to i32
    %sign3A_920 = arith.subi %sign3A_916, %sign3A_919 : i32
    %ne3A_921 = arith.cmpi ne, %sign3A_913, %sign3A_920 : i32
    %rem3A_922 = arith.remsi %sub3A_904, %jit3A_905 : i32
    %ne3A_923 = arith.constant 0 : i32
    %ne3A_924 = arith.cmpi ne, %rem3A_922, %ne3A_923 : i32
    %and3A_925 = arith.andi %ne3A_921, %ne3A_924 : i1
    %sub3A_926 = arith.constant 1 : i32
    %sub3A_927 = arith.subi %div3A_906, %sub3A_926 : i32
    %select_n3A_928 = arith.select %and3A_925, %sub3A_927, %div3A_906 : i32
    %while3A_929 = arith.constant 0 : i32
    %while3A_930 = arith.constant 1 : i32
    %while3A_931 = arith.subi %select_n3A_928, %while3A_930 : i32
    %while3A_932 = arith.addi %while3A_930, %while3A_931 : i32
    %while3A_933 = arith.constant 1 : i32
    %while3A_934 = arith.divsi %while3A_931, %while3A_933 : i32
    %while3A_935 = arith.muli %while3A_934, %while3A_933 : i32
    %while3A_936 = arith.addi %while3A_930, %while3A_935 : i32
    %while3A_937 = arith.constant 1 : i32
    scf.for %while3A_1037 = %while3A_930 to %while3A_936 step %while3A_937  : i32 {
      %mul3A_1038 = arith.constant 128 : i32
      %mul3A_1039 = arith.muli %while3A_1037, %mul3A_1038 : i32
      %sub3A_1040 = arith.constant 128 : i32
      %sub3A_1041 = arith.subi %sub3A_900, %sub3A_1040 : i32
      %min3A = arith.minsi %mul3A_1039, %sub3A_1041 : i32
      %add3A_1042 = arith.addi %get3A_895, %min3A : i32
      %multiple_of3A_1043 = tpu.assume_multiple %add3A_1042, 8 : i32
      %get3A_1044 = arith.index_cast %multiple_of3A_1043 : i32 to index
      %get3A_1045 = arith.constant 0 : index
      %get3A_1046 = vector.load %arg2[%get3A_1044, %get3A_1045] : memref<2688x768xf32, #tpu.memory_space<vmem>>, vector<128x768xf32>
      %convert_element_type3A_1047 = arith.truncf %get3A_1046 : vector<128x768xf32> to vector<128x768xbf16>
      %get3A_1048 = arith.constant 5 : index
      %get3A_1049 = arith.constant 0 : index
      %get3A_1050 = arith.constant 0 : index
      %get3A_1051 = vector.load %arg3[%get3A_1048, %get3A_1049, %get3A_1050] : memref<8x768x64xbf16, #tpu.memory_space<vmem>>, vector<1x768x64xbf16>
      %get3A_1052 = vector.shape_cast %get3A_1051 : vector<1x768x64xbf16> to vector<768x64xbf16>
      %dot_general3A_1053 = arith.constant dense<0.000000e+00> : vector<128x64xf32>
      %dot_general3A_1054 = tpu.matmul %convert_element_type3A_1047, %get3A_1052, %dot_general3A_1053 {dimension_numbers = #tpu.dot_dimension_numbers<[1], [0], [0], [1], [0, 0, 1, 1], [], []>, transpose_lhs_hint = false} : vector<128x768xbf16>, vector<768x64xbf16>, vector<128x64xf32> -> vector<128x64xf32>
      %get3A_1055 = arith.constant 5 : index
      %get3A_1056 = arith.constant 0 : index
      %get3A_1057 = arith.constant 0 : index
      %get3A_1058 = vector.load %arg4[%get3A_1055, %get3A_1056, %get3A_1057] : memref<8x768x64xf32, #tpu.memory_space<vmem>>, vector<1x768x64xf32>
      %get3A_1059 = vector.shape_cast %get3A_1058 : vector<1x768x64xf32> to vector<768x64xf32>
      %dot_general3A_1060 = arith.constant dense<0.000000e+00> : vector<128x64xf32>
      %dot_general3A_1061 = tpu.matmul %get3A_1046, %get3A_1059, %dot_general3A_1060 {dimension_numbers = #tpu.dot_dimension_numbers<[1], [0], [0], [1], [0, 0, 1, 1], [], []>, transpose_lhs_hint = false} : vector<128x768xf32>, vector<768x64xf32>, vector<128x64xf32> -> vector<128x64xf32>
      %tanh3A_1062 = math.tanh %dot_general3A_1054 : vector<128x64xf32>
      %custom_jvp_call3A_1063 = arith.constant 0.000000e+00 : f32
      %max3A_1064 = vector.broadcast %custom_jvp_call3A_1063 : f32 to vector<128x64xf32>
      %max3A_1065 = arith.maximumf %dot_general3A_1061, %max3A_1064 : vector<128x64xf32>
      %sub3A_1066 = vector.broadcast %custom_jvp_call3A_1063 : f32 to vector<128x64xf32>
      %sub3A_1067 = arith.subf %dot_general3A_1061, %sub3A_1066 : vector<128x64xf32>
      %ne3A_1068 = arith.cmpf one, %sub3A_1067, %sub3A_1067 : vector<128x64xf32>
      %add3A_1069 = vector.broadcast %custom_jvp_call3A_1063 : f32 to vector<128x64xf32>
      %add3A_1070 = arith.addf %dot_general3A_1061, %add3A_1069 : vector<128x64xf32>
      %abs3A_1071 = math.absf %sub3A_1067 : vector<128x64xf32>
      %neg3A_1072 = arith.constant 0.000000e+00 : f32
      %neg3A_1073 = vector.broadcast %neg3A_1072 : f32 to vector<128x64xf32>
      %neg3A_1074 = arith.subf %neg3A_1073, %abs3A_1071 : vector<128x64xf32>
      %exp3A_1075 = math.exp %neg3A_1074 : vector<128x64xf32>
      %log1p3A_1076 = math.log1p %exp3A_1075 : vector<128x64xf32>
      %add3A_1077 = arith.addf %max3A_1065, %log1p3A_1076 : vector<128x64xf32>
      %select_n3A_1078 = arith.select %ne3A_1068, %add3A_1070, %add3A_1077 : vector<128x64xi1>, vector<128x64xf32>
      %add3A_1079 = arith.constant 1.000000e-01 : f32
      %add3A_1080 = vector.broadcast %add3A_1079 : f32 to vector<128x64xf32>
      %add3A_1081 = arith.addf %select_n3A_1078, %add3A_1080 : vector<128x64xf32>
      %get3A_1082 = arith.constant 5 : index
      %get3A_1083 = arith.constant 0 : index
      %get3A_1084 = arith.constant 0 : index
      %get3A_1085 = vector.load %arg5[%get3A_1082, %get3A_1083, %get3A_1084] : memref<8x1x64xf32, #tpu.memory_space<vmem>>, vector<1x1x64xf32>
      %get3A_1086 = vector.shape_cast %get3A_1085 : vector<1x1x64xf32> to vector<64xf32>
      %broadcast_in_dim3A_1087 = vector.shape_cast %get3A_1086 : vector<64xf32> to vector<1x64xf32>
      %add3A_1088 = vector.broadcast %broadcast_in_dim3A_1087 : vector<1x64xf32> to vector<128x64xf32>
      %add3A_1089 = arith.addf %add3A_1081, %add3A_1088 : vector<128x64xf32>
      %cos3A_1090 = math.cos %add3A_1089 : vector<128x64xf32>
      %mul3A_1091 = arith.mulf %tanh3A_1062, %cos3A_1090 : vector<128x64xf32>
      %convert_element_type3A_1092 = arith.truncf %mul3A_1091 : vector<128x64xf32> to vector<128x64xbf16>
      %get3A_1093 = arith.constant 5 : index
      %get3A_1094 = arith.constant 0 : index
      %get3A_1095 = arith.constant 0 : index
      %get3A_1096 = vector.load %arg6[%get3A_1093, %get3A_1094, %get3A_1095] : memref<8x64x768xbf16, #tpu.memory_space<vmem>>, vector<1x64x768xbf16>
      %get3A_1097 = vector.shape_cast %get3A_1096 : vector<1x64x768xbf16> to vector<64x768xbf16>
      %dot_general3A_1098 = arith.constant dense<0.000000e+00> : vector<128x768xf32>
      %dot_general3A_1099 = tpu.matmul %convert_element_type3A_1092, %get3A_1097, %dot_general3A_1098 {dimension_numbers = #tpu.dot_dimension_numbers<[1], [0], [0], [1], [0, 0, 1, 1], [], []>, transpose_lhs_hint = false} : vector<128x64xbf16>, vector<64x768xbf16>, vector<128x768xf32> -> vector<128x768xf32>
      %mul3A_1100 = arith.mulf %dot_general3A_1099, %dot_general3A_1099 : vector<128x768xf32>
      %reduce_sum3A_1101 = arith.constant dense<0.000000e+00> : vector<128xf32>
      %reduce_sum3A_1102 = vector.multi_reduction <add>, %mul3A_1100, %reduce_sum3A_1101 [1] : vector<128x768xf32> to vector<128xf32>
      %broadcast_in_dim3A_1103 = vector.shape_cast %reduce_sum3A_1102 : vector<128xf32> to vector<128x1xf32>
      %div3A_1104 = arith.constant 7.680000e+02 : f32
      %div3A_1105 = vector.broadcast %div3A_1104 : f32 to vector<128x1xf32>
      %div3A_1106 = arith.divf %broadcast_in_dim3A_1103, %div3A_1105 : vector<128x1xf32>
      %add3A_1107 = arith.constant 9.99999997E-7 : f32
      %add3A_1108 = vector.broadcast %add3A_1107 : f32 to vector<128x1xf32>
      %add3A_1109 = arith.addf %div3A_1106, %add3A_1108 : vector<128x1xf32>
      %rsqrt3A_1110 = math.rsqrt %add3A_1109 : vector<128x1xf32>
      %mul3A_1111 = vector.broadcast %rsqrt3A_1110 : vector<128x1xf32> to vector<128x768xf32>
      %mul3A_1112 = arith.mulf %dot_general3A_1099, %mul3A_1111 : vector<128x768xf32>
      %get3A_1113 = arith.constant 0 : index
      %get3A_1114 = arith.constant 0 : index
      %get3A_1115 = vector.load %arg7[%get3A_1113, %get3A_1114] : memref<1x768xf32, #tpu.memory_space<vmem>>, vector<1x768xf32>
      %mul3A_1116 = vector.broadcast %get3A_1115 : vector<1x768xf32> to vector<128x768xf32>
      %mul3A_1117 = arith.mulf %mul3A_1112, %mul3A_1116 : vector<128x768xf32>
      %swap3A_1118 = arith.index_cast %multiple_of3A_1043 : i32 to index
      %swap3A_1119 = arith.constant 0 : index
      %swap3A_1120 = vector.load %arg8[%swap3A_1118, %swap3A_1119] : memref<2688x768xf32, #tpu.memory_space<vmem>>, vector<128x768xf32>
      tpu.vector_store %arg8[%swap3A_1118, %swap3A_1119], %mul3A_1117 {strides = array<i32>} : memref<2688x768xf32, #tpu.memory_space<vmem>>, vector<128x768xf32>,
    }
    %while3A_938 = arith.constant 1 : i32
    scf.for %while3A_1037 = %while3A_936 to %while3A_932 step %while3A_938  : i32 {
      %mul3A_1038 = arith.constant 128 : i32
      %mul3A_1039 = arith.muli %while3A_1037, %mul3A_1038 : i32
      %sub3A_1040 = arith.constant 128 : i32
      %sub3A_1041 = arith.subi %sub3A_900, %sub3A_1040 : i32
      %min3A = arith.minsi %mul3A_1039, %sub3A_1041 : i32
      %add3A_1042 = arith.addi %get3A_895, %min3A : i32
      %multiple_of3A_1043 = tpu.assume_multiple %add3A_1042, 8 : i32
      %get3A_1044 = arith.index_cast %multiple_of3A_1043 : i32 to index
      %get3A_1045 = arith.constant 0 : index
      %get3A_1046 = vector.load %arg2[%get3A_1044, %get3A_1045] : memref<2688x768xf32, #tpu.memory_space<vmem>>, vector<128x768xf32>
      %convert_element_type3A_1047 = arith.truncf %get3A_1046 : vector<128x768xf32> to vector<128x768xbf16>
      %get3A_1048 = arith.constant 5 : index
      %get3A_1049 = arith.constant 0 : index
      %get3A_1050 = arith.constant 0 : index
      %get3A_1051 = vector.load %arg3[%get3A_1048, %get3A_1049, %get3A_1050] : memref<8x768x64xbf16, #tpu.memory_space<vmem>>, vector<1x768x64xbf16>
      %get3A_1052 = vector.shape_cast %get3A_1051 : vector<1x768x64xbf16> to vector<768x64xbf16>
      %dot_general3A_1053 = arith.constant dense<0.000000e+00> : vector<128x64xf32>
      %dot_general3A_1054 = tpu.matmul %convert_element_type3A_1047, %get3A_1052, %dot_general3A_1053 {dimension_numbers = #tpu.dot_dimension_numbers<[1], [0], [0], [1], [0, 0, 1, 1], [], []>, transpose_lhs_hint = false} : vector<128x768xbf16>, vector<768x64xbf16>, vector<128x64xf32> -> vector<128x64xf32>
      %get3A_1055 = arith.constant 5 : index
      %get3A_1056 = arith.constant 0 : index
      %get3A_1057 = arith.constant 0 : index
      %get3A_1058 = vector.load %arg4[%get3A_1055, %get3A_1056, %get3A_1057] : memref<8x768x64xf32, #tpu.memory_space<vmem>>, vector<1x768x64xf32>
      %get3A_1059 = vector.shape_cast %get3A_1058 : vector<1x768x64xf32> to vector<768x64xf32>
      %dot_general3A_1060 = arith.constant dense<0.000000e+00> : vector<128x64xf32>
      %dot_general3A_1061 = tpu.matmul %get3A_1046, %get3A_1059, %dot_general3A_1060 {dimension_numbers = #tpu.dot_dimension_numbers<[1], [0], [0], [1], [0, 0, 1, 1], [], []>, transpose_lhs_hint = false} : vector<128x768xf32>, vector<768x64xf32>, vector<128x64xf32> -> vector<128x64xf32>
      %tanh3A_1062 = math.tanh %dot_general3A_1054 : vector<128x64xf32>
      %custom_jvp_call3A_1063 = arith.constant 0.000000e+00 : f32
      %max3A_1064 = vector.broadcast %custom_jvp_call3A_1063 : f32 to vector<128x64xf32>
      %max3A_1065 = arith.maximumf %dot_general3A_1061, %max3A_1064 : vector<128x64xf32>
      %sub3A_1066 = vector.broadcast %custom_jvp_call3A_1063 : f32 to vector<128x64xf32>
      %sub3A_1067 = arith.subf %dot_general3A_1061, %sub3A_1066 : vector<128x64xf32>
      %ne3A_1068 = arith.cmpf one, %sub3A_1067, %sub3A_1067 : vector<128x64xf32>
      %add3A_1069 = vector.broadcast %custom_jvp_call3A_1063 : f32 to vector<128x64xf32>
      %add3A_1070 = arith.addf %dot_general3A_1061, %add3A_1069 : vector<128x64xf32>
      %abs3A_1071 = math.absf %sub3A_1067 : vector<128x64xf32>
      %neg3A_1072 = arith.constant 0.000000e+00 : f32
      %neg3A_1073 = vector.broadcast %neg3A_1072 : f32 to vector<128x64xf32>
      %neg3A_1074 = arith.subf %neg3A_1073, %abs3A_1071 : vector<128x64xf32>
      %exp3A_1075 = math.exp %neg3A_1074 : vector<128x64xf32>
      %log1p3A_1076 = math.log1p %exp3A_1075 : vector<128x64xf32>
      %add3A_1077 = arith.addf %max3A_1065, %log1p3A_1076 : vector<128x64xf32>
      %select_n3A_1078 = arith.select %ne3A_1068, %add3A_1070, %add3A_1077 : vector<128x64xi1>, vector<128x64xf32>
      %add3A_1079 = arith.constant 1.000000e-01 : f32
      %add3A_1080 = vector.broadcast %add3A_1079 : f32 to vector<128x64xf32>
      %add3A_1081 = arith.addf %select_n3A_1078, %add3A_1080 : vector<128x64xf32>
      %get3A_1082 = arith.constant 5 : index
      %get3A_1083 = arith.constant 0 : index
      %get3A_1084 = arith.constant 0 : index
      %get3A_1085 = vector.load %arg5[%get3A_1082, %get3A_1083, %get3A_1084] : memref<8x1x64xf32, #tpu.memory_space<vmem>>, vector<1x1x64xf32>
      %get3A_1086 = vector.shape_cast %get3A_1085 : vector<1x1x64xf32> to vector<64xf32>
      %broadcast_in_dim3A_1087 = vector.shape_cast %get3A_1086 : vector<64xf32> to vector<1x64xf32>
      %add3A_1088 = vector.broadcast %broadcast_in_dim3A_1087 : vector<1x64xf32> to vector<128x64xf32>
      %add3A_1089 = arith.addf %add3A_1081, %add3A_1088 : vector<128x64xf32>
      %cos3A_1090 = math.cos %add3A_1089 : vector<128x64xf32>
      %mul3A_1091 = arith.mulf %tanh3A_1062, %cos3A_1090 : vector<128x64xf32>
      %convert_element_type3A_1092 = arith.truncf %mul3A_1091 : vector<128x64xf32> to vector<128x64xbf16>
      %get3A_1093 = arith.constant 5 : index
      %get3A_1094 = arith.constant 0 : index
      %get3A_1095 = arith.constant 0 : index
      %get3A_1096 = vector.load %arg6[%get3A_1093, %get3A_1094, %get3A_1095] : memref<8x64x768xbf16, #tpu.memory_space<vmem>>, vector<1x64x768xbf16>
      %get3A_1097 = vector.shape_cast %get3A_1096 : vector<1x64x768xbf16> to vector<64x768xbf16>
      %dot_general3A_1098 = arith.constant dense<0.000000e+00> : vector<128x768xf32>
      %dot_general3A_1099 = tpu.matmul %convert_element_type3A_1092, %get3A_1097, %dot_general3A_1098 {dimension_numbers = #tpu.dot_dimension_numbers<[1], [0], [0], [1], [0, 0, 1, 1], [], []>, transpose_lhs_hint = false} : vector<128x64xbf16>, vector<64x768xbf16>, vector<128x768xf32> -> vector<128x768xf32>
      %mul3A_1100 = arith.mulf %dot_general3A_1099, %dot_general3A_1099 : vector<128x768xf32>
      %reduce_sum3A_1101 = arith.constant dense<0.000000e+00> : vector<128xf32>
      %reduce_sum3A_1102 = vector.multi_reduction <add>, %mul3A_1100, %reduce_sum3A_1101 [1] : vector<128x768xf32> to vector<128xf32>
      %broadcast_in_dim3A_1103 = vector.shape_cast %reduce_sum3A_1102 : vector<128xf32> to vector<128x1xf32>
      %div3A_1104 = arith.constant 7.680000e+02 : f32
      %div3A_1105 = vector.broadcast %div3A_1104 : f32 to vector<128x1xf32>
      %div3A_1106 = arith.divf %broadcast_in_dim3A_1103, %div3A_1105 : vector<128x1xf32>
      %add3A_1107 = arith.constant 9.99999997E-7 : f32
      %add3A_1108 = vector.broadcast %add3A_1107 : f32 to vector<128x1xf32>
      %add3A_1109 = arith.addf %div3A_1106, %add3A_1108 : vector<128x1xf32>
      %rsqrt3A_1110 = math.rsqrt %add3A_1109 : vector<128x1xf32>
      %mul3A_1111 = vector.broadcast %rsqrt3A_1110 : vector<128x1xf32> to vector<128x768xf32>
      %mul3A_1112 = arith.mulf %dot_general3A_1099, %mul3A_1111 : vector<128x768xf32>
      %get3A_1113 = arith.constant 0 : index
      %get3A_1114 = arith.constant 0 : index
      %get3A_1115 = vector.load %arg7[%get3A_1113, %get3A_1114] : memref<1x768xf32, #tpu.memory_space<vmem>>, vector<1x768xf32>
      %mul3A_1116 = vector.broadcast %get3A_1115 : vector<1x768xf32> to vector<128x768xf32>
      %mul3A_1117 = arith.mulf %mul3A_1112, %mul3A_1116 : vector<128x768xf32>
      %swap3A_1118 = arith.index_cast %multiple_of3A_1043 : i32 to index
      %swap3A_1119 = arith.constant 0 : index
      %swap3A_1120 = vector.load %arg8[%swap3A_1118, %swap3A_1119] : memref<2688x768xf32, #tpu.memory_space<vmem>>, vector<128x768xf32>
      tpu.vector_store %arg8[%swap3A_1118, %swap3A_1119], %mul3A_1117 {strides = array<i32>} : memref<2688x768xf32, #tpu.memory_space<vmem>>, vector<128x768xf32>,
    }
    %mul3A_939 = arith.constant 8 : i32
    %mul3A_940 = arith.muli %arg0, %mul3A_939 : i32
    %add3A_941 = arith.constant 6 : i32
    %add3A_942 = arith.addi %mul3A_940, %add3A_941 : i32
    %get3A_943 = arith.index_cast %add3A_942 : i32 to index
    %get3A_944 = memref.load %arg1[%get3A_943] : memref<128xi32, #tpu.memory_space<smem>>
    %add3A_945 = arith.constant 1 : i32
    %add3A_946 = arith.addi %add3A_942, %add3A_945 : i32
    %get3A_947 = arith.index_cast %add3A_946 : i32 to index
    %get3A_948 = memref.load %arg1[%get3A_947] : memref<128xi32, #tpu.memory_space<smem>>
    %sub3A_949 = arith.subi %get3A_948, %get3A_944 : i32
    %add3A_950 = arith.constant 128 : i32
    %add3A_951 = arith.addi %sub3A_949, %add3A_950 : i32
    %sub3A_952 = arith.constant 1 : i32
    %sub3A_953 = arith.subi %add3A_951, %sub3A_952 : i32
    %jit3A_954 = arith.constant 128 : i32
    %div3A_955 = arith.divsi %sub3A_953, %jit3A_954 : i32
    %sign3A_956 = arith.constant 0 : i32
    %sign3A_957 = arith.cmpi sgt, %sub3A_953, %sign3A_956 : i32
    %sign3A_958 = arith.extui %sign3A_957 : i1 to i32
    %sign3A_959 = arith.constant 0 : i32
    %sign3A_960 = arith.cmpi slt, %sub3A_953, %sign3A_959 : i32
    %sign3A_961 = arith.extui %sign3A_960 : i1 to i32
    %sign3A_962 = arith.subi %sign3A_958, %sign3A_961 : i32
    %sign3A_963 = arith.constant 0 : i32
    %sign3A_964 = arith.cmpi sgt, %jit3A_954, %sign3A_963 : i32
    %sign3A_965 = arith.extui %sign3A_964 : i1 to i32
    %sign3A_966 = arith.constant 0 : i32
    %sign3A_967 = arith.cmpi slt, %jit3A_954, %sign3A_966 : i32
    %sign3A_968 = arith.extui %sign3A_967 : i1 to i32
    %sign3A_969 = arith.subi %sign3A_965, %sign3A_968 : i32
    %ne3A_970 = arith.cmpi ne, %sign3A_962, %sign3A_969 : i32
    %rem3A_971 = arith.remsi %sub3A_953, %jit3A_954 : i32
    %ne3A_972 = arith.constant 0 : i32
    %ne3A_973 = arith.cmpi ne, %rem3A_971, %ne3A_972 : i32
    %and3A_974 = arith.andi %ne3A_970, %ne3A_973 : i1
    %sub3A_975 = arith.constant 1 : i32
    %sub3A_976 = arith.subi %div3A_955, %sub3A_975 : i32
    %select_n3A_977 = arith.select %and3A_974, %sub3A_976, %div3A_955 : i32
    %while3A_978 = arith.constant 0 : i32
    %while3A_979 = arith.constant 1 : i32
    %while3A_980 = arith.subi %select_n3A_977, %while3A_979 : i32
    %while3A_981 = arith.addi %while3A_979, %while3A_980 : i32
    %while3A_982 = arith.constant 1 : i32
    %while3A_983 = arith.divsi %while3A_980, %while3A_982 : i32
    %while3A_984 = arith.muli %while3A_983, %while3A_982 : i32
    %while3A_985 = arith.addi %while3A_979, %while3A_984 : i32
    %while3A_986 = arith.constant 1 : i32
    scf.for %while3A_1037 = %while3A_979 to %while3A_985 step %while3A_986  : i32 {
      %mul3A_1038 = arith.constant 128 : i32
      %mul3A_1039 = arith.muli %while3A_1037, %mul3A_1038 : i32
      %sub3A_1040 = arith.constant 128 : i32
      %sub3A_1041 = arith.subi %sub3A_949, %sub3A_1040 : i32
      %min3A = arith.minsi %mul3A_1039, %sub3A_1041 : i32
      %add3A_1042 = arith.addi %get3A_944, %min3A : i32
      %multiple_of3A_1043 = tpu.assume_multiple %add3A_1042, 8 : i32
      %get3A_1044 = arith.index_cast %multiple_of3A_1043 : i32 to index
      %get3A_1045 = arith.constant 0 : index
      %get3A_1046 = vector.load %arg2[%get3A_1044, %get3A_1045] : memref<2688x768xf32, #tpu.memory_space<vmem>>, vector<128x768xf32>
      %convert_element_type3A_1047 = arith.truncf %get3A_1046 : vector<128x768xf32> to vector<128x768xbf16>
      %get3A_1048 = arith.constant 6 : index
      %get3A_1049 = arith.constant 0 : index
      %get3A_1050 = arith.constant 0 : index
      %get3A_1051 = vector.load %arg3[%get3A_1048, %get3A_1049, %get3A_1050] : memref<8x768x64xbf16, #tpu.memory_space<vmem>>, vector<1x768x64xbf16>
      %get3A_1052 = vector.shape_cast %get3A_1051 : vector<1x768x64xbf16> to vector<768x64xbf16>
      %dot_general3A_1053 = arith.constant dense<0.000000e+00> : vector<128x64xf32>
      %dot_general3A_1054 = tpu.matmul %convert_element_type3A_1047, %get3A_1052, %dot_general3A_1053 {dimension_numbers = #tpu.dot_dimension_numbers<[1], [0], [0], [1], [0, 0, 1, 1], [], []>, transpose_lhs_hint = false} : vector<128x768xbf16>, vector<768x64xbf16>, vector<128x64xf32> -> vector<128x64xf32>
      %get3A_1055 = arith.constant 6 : index
      %get3A_1056 = arith.constant 0 : index
      %get3A_1057 = arith.constant 0 : index
      %get3A_1058 = vector.load %arg4[%get3A_1055, %get3A_1056, %get3A_1057] : memref<8x768x64xf32, #tpu.memory_space<vmem>>, vector<1x768x64xf32>
      %get3A_1059 = vector.shape_cast %get3A_1058 : vector<1x768x64xf32> to vector<768x64xf32>
      %dot_general3A_1060 = arith.constant dense<0.000000e+00> : vector<128x64xf32>
      %dot_general3A_1061 = tpu.matmul %get3A_1046, %get3A_1059, %dot_general3A_1060 {dimension_numbers = #tpu.dot_dimension_numbers<[1], [0], [0], [1], [0, 0, 1, 1], [], []>, transpose_lhs_hint = false} : vector<128x768xf32>, vector<768x64xf32>, vector<128x64xf32> -> vector<128x64xf32>
      %tanh3A_1062 = math.tanh %dot_general3A_1054 : vector<128x64xf32>
      %custom_jvp_call3A_1063 = arith.constant 0.000000e+00 : f32
      %max3A_1064 = vector.broadcast %custom_jvp_call3A_1063 : f32 to vector<128x64xf32>
      %max3A_1065 = arith.maximumf %dot_general3A_1061, %max3A_1064 : vector<128x64xf32>
      %sub3A_1066 = vector.broadcast %custom_jvp_call3A_1063 : f32 to vector<128x64xf32>
      %sub3A_1067 = arith.subf %dot_general3A_1061, %sub3A_1066 : vector<128x64xf32>
      %ne3A_1068 = arith.cmpf one, %sub3A_1067, %sub3A_1067 : vector<128x64xf32>
      %add3A_1069 = vector.broadcast %custom_jvp_call3A_1063 : f32 to vector<128x64xf32>
      %add3A_1070 = arith.addf %dot_general3A_1061, %add3A_1069 : vector<128x64xf32>
      %abs3A_1071 = math.absf %sub3A_1067 : vector<128x64xf32>
      %neg3A_1072 = arith.constant 0.000000e+00 : f32
      %neg3A_1073 = vector.broadcast %neg3A_1072 : f32 to vector<128x64xf32>
      %neg3A_1074 = arith.subf %neg3A_1073, %abs3A_1071 : vector<128x64xf32>
      %exp3A_1075 = math.exp %neg3A_1074 : vector<128x64xf32>
      %log1p3A_1076 = math.log1p %exp3A_1075 : vector<128x64xf32>
      %add3A_1077 = arith.addf %max3A_1065, %log1p3A_1076 : vector<128x64xf32>
      %select_n3A_1078 = arith.select %ne3A_1068, %add3A_1070, %add3A_1077 : vector<128x64xi1>, vector<128x64xf32>
      %add3A_1079 = arith.constant 1.000000e-01 : f32
      %add3A_1080 = vector.broadcast %add3A_1079 : f32 to vector<128x64xf32>
      %add3A_1081 = arith.addf %select_n3A_1078, %add3A_1080 : vector<128x64xf32>
      %get3A_1082 = arith.constant 6 : index
      %get3A_1083 = arith.constant 0 : index
      %get3A_1084 = arith.constant 0 : index
      %get3A_1085 = vector.load %arg5[%get3A_1082, %get3A_1083, %get3A_1084] : memref<8x1x64xf32, #tpu.memory_space<vmem>>, vector<1x1x64xf32>
      %get3A_1086 = vector.shape_cast %get3A_1085 : vector<1x1x64xf32> to vector<64xf32>
      %broadcast_in_dim3A_1087 = vector.shape_cast %get3A_1086 : vector<64xf32> to vector<1x64xf32>
      %add3A_1088 = vector.broadcast %broadcast_in_dim3A_1087 : vector<1x64xf32> to vector<128x64xf32>
      %add3A_1089 = arith.addf %add3A_1081, %add3A_1088 : vector<128x64xf32>
      %cos3A_1090 = math.cos %add3A_1089 : vector<128x64xf32>
      %mul3A_1091 = arith.mulf %tanh3A_1062, %cos3A_1090 : vector<128x64xf32>
      %convert_element_type3A_1092 = arith.truncf %mul3A_1091 : vector<128x64xf32> to vector<128x64xbf16>
      %get3A_1093 = arith.constant 6 : index
      %get3A_1094 = arith.constant 0 : index
      %get3A_1095 = arith.constant 0 : index
      %get3A_1096 = vector.load %arg6[%get3A_1093, %get3A_1094, %get3A_1095] : memref<8x64x768xbf16, #tpu.memory_space<vmem>>, vector<1x64x768xbf16>
      %get3A_1097 = vector.shape_cast %get3A_1096 : vector<1x64x768xbf16> to vector<64x768xbf16>
      %dot_general3A_1098 = arith.constant dense<0.000000e+00> : vector<128x768xf32>
      %dot_general3A_1099 = tpu.matmul %convert_element_type3A_1092, %get3A_1097, %dot_general3A_1098 {dimension_numbers = #tpu.dot_dimension_numbers<[1], [0], [0], [1], [0, 0, 1, 1], [], []>, transpose_lhs_hint = false} : vector<128x64xbf16>, vector<64x768xbf16>, vector<128x768xf32> -> vector<128x768xf32>
      %mul3A_1100 = arith.mulf %dot_general3A_1099, %dot_general3A_1099 : vector<128x768xf32>
      %reduce_sum3A_1101 = arith.constant dense<0.000000e+00> : vector<128xf32>
      %reduce_sum3A_1102 = vector.multi_reduction <add>, %mul3A_1100, %reduce_sum3A_1101 [1] : vector<128x768xf32> to vector<128xf32>
      %broadcast_in_dim3A_1103 = vector.shape_cast %reduce_sum3A_1102 : vector<128xf32> to vector<128x1xf32>
      %div3A_1104 = arith.constant 7.680000e+02 : f32
      %div3A_1105 = vector.broadcast %div3A_1104 : f32 to vector<128x1xf32>
      %div3A_1106 = arith.divf %broadcast_in_dim3A_1103, %div3A_1105 : vector<128x1xf32>
      %add3A_1107 = arith.constant 9.99999997E-7 : f32
      %add3A_1108 = vector.broadcast %add3A_1107 : f32 to vector<128x1xf32>
      %add3A_1109 = arith.addf %div3A_1106, %add3A_1108 : vector<128x1xf32>
      %rsqrt3A_1110 = math.rsqrt %add3A_1109 : vector<128x1xf32>
      %mul3A_1111 = vector.broadcast %rsqrt3A_1110 : vector<128x1xf32> to vector<128x768xf32>
      %mul3A_1112 = arith.mulf %dot_general3A_1099, %mul3A_1111 : vector<128x768xf32>
      %get3A_1113 = arith.constant 0 : index
      %get3A_1114 = arith.constant 0 : index
      %get3A_1115 = vector.load %arg7[%get3A_1113, %get3A_1114] : memref<1x768xf32, #tpu.memory_space<vmem>>, vector<1x768xf32>
      %mul3A_1116 = vector.broadcast %get3A_1115 : vector<1x768xf32> to vector<128x768xf32>
      %mul3A_1117 = arith.mulf %mul3A_1112, %mul3A_1116 : vector<128x768xf32>
      %swap3A_1118 = arith.index_cast %multiple_of3A_1043 : i32 to index
      %swap3A_1119 = arith.constant 0 : index
      %swap3A_1120 = vector.load %arg8[%swap3A_1118, %swap3A_1119] : memref<2688x768xf32, #tpu.memory_space<vmem>>, vector<128x768xf32>
      tpu.vector_store %arg8[%swap3A_1118, %swap3A_1119], %mul3A_1117 {strides = array<i32>} : memref<2688x768xf32, #tpu.memory_space<vmem>>, vector<128x768xf32>,
    }
    %while3A_987 = arith.constant 1 : i32
    scf.for %while3A_1037 = %while3A_985 to %while3A_981 step %while3A_987  : i32 {
      %mul3A_1038 = arith.constant 128 : i32
      %mul3A_1039 = arith.muli %while3A_1037, %mul3A_1038 : i32
      %sub3A_1040 = arith.constant 128 : i32
      %sub3A_1041 = arith.subi %sub3A_949, %sub3A_1040 : i32
      %min3A = arith.minsi %mul3A_1039, %sub3A_1041 : i32
      %add3A_1042 = arith.addi %get3A_944, %min3A : i32
      %multiple_of3A_1043 = tpu.assume_multiple %add3A_1042, 8 : i32
      %get3A_1044 = arith.index_cast %multiple_of3A_1043 : i32 to index
      %get3A_1045 = arith.constant 0 : index
      %get3A_1046 = vector.load %arg2[%get3A_1044, %get3A_1045] : memref<2688x768xf32, #tpu.memory_space<vmem>>, vector<128x768xf32>
      %convert_element_type3A_1047 = arith.truncf %get3A_1046 : vector<128x768xf32> to vector<128x768xbf16>
      %get3A_1048 = arith.constant 6 : index
      %get3A_1049 = arith.constant 0 : index
      %get3A_1050 = arith.constant 0 : index
      %get3A_1051 = vector.load %arg3[%get3A_1048, %get3A_1049, %get3A_1050] : memref<8x768x64xbf16, #tpu.memory_space<vmem>>, vector<1x768x64xbf16>
      %get3A_1052 = vector.shape_cast %get3A_1051 : vector<1x768x64xbf16> to vector<768x64xbf16>
      %dot_general3A_1053 = arith.constant dense<0.000000e+00> : vector<128x64xf32>
      %dot_general3A_1054 = tpu.matmul %convert_element_type3A_1047, %get3A_1052, %dot_general3A_1053 {dimension_numbers = #tpu.dot_dimension_numbers<[1], [0], [0], [1], [0, 0, 1, 1], [], []>, transpose_lhs_hint = false} : vector<128x768xbf16>, vector<768x64xbf16>, vector<128x64xf32> -> vector<128x64xf32>
      %get3A_1055 = arith.constant 6 : index
      %get3A_1056 = arith.constant 0 : index
      %get3A_1057 = arith.constant 0 : index
      %get3A_1058 = vector.load %arg4[%get3A_1055, %get3A_1056, %get3A_1057] : memref<8x768x64xf32, #tpu.memory_space<vmem>>, vector<1x768x64xf32>
      %get3A_1059 = vector.shape_cast %get3A_1058 : vector<1x768x64xf32> to vector<768x64xf32>
      %dot_general3A_1060 = arith.constant dense<0.000000e+00> : vector<128x64xf32>
      %dot_general3A_1061 = tpu.matmul %get3A_1046, %get3A_1059, %dot_general3A_1060 {dimension_numbers = #tpu.dot_dimension_numbers<[1], [0], [0], [1], [0, 0, 1, 1], [], []>, transpose_lhs_hint = false} : vector<128x768xf32>, vector<768x64xf32>, vector<128x64xf32> -> vector<128x64xf32>
      %tanh3A_1062 = math.tanh %dot_general3A_1054 : vector<128x64xf32>
      %custom_jvp_call3A_1063 = arith.constant 0.000000e+00 : f32
      %max3A_1064 = vector.broadcast %custom_jvp_call3A_1063 : f32 to vector<128x64xf32>
      %max3A_1065 = arith.maximumf %dot_general3A_1061, %max3A_1064 : vector<128x64xf32>
      %sub3A_1066 = vector.broadcast %custom_jvp_call3A_1063 : f32 to vector<128x64xf32>
      %sub3A_1067 = arith.subf %dot_general3A_1061, %sub3A_1066 : vector<128x64xf32>
      %ne3A_1068 = arith.cmpf one, %sub3A_1067, %sub3A_1067 : vector<128x64xf32>
      %add3A_1069 = vector.broadcast %custom_jvp_call3A_1063 : f32 to vector<128x64xf32>
      %add3A_1070 = arith.addf %dot_general3A_1061, %add3A_1069 : vector<128x64xf32>
      %abs3A_1071 = math.absf %sub3A_1067 : vector<128x64xf32>
      %neg3A_1072 = arith.constant 0.000000e+00 : f32
      %neg3A_1073 = vector.broadcast %neg3A_1072 : f32 to vector<128x64xf32>
      %neg3A_1074 = arith.subf %neg3A_1073, %abs3A_1071 : vector<128x64xf32>
      %exp3A_1075 = math.exp %neg3A_1074 : vector<128x64xf32>
      %log1p3A_1076 = math.log1p %exp3A_1075 : vector<128x64xf32>
      %add3A_1077 = arith.addf %max3A_1065, %log1p3A_1076 : vector<128x64xf32>
      %select_n3A_1078 = arith.select %ne3A_1068, %add3A_1070, %add3A_1077 : vector<128x64xi1>, vector<128x64xf32>
      %add3A_1079 = arith.constant 1.000000e-01 : f32
      %add3A_1080 = vector.broadcast %add3A_1079 : f32 to vector<128x64xf32>
      %add3A_1081 = arith.addf %select_n3A_1078, %add3A_1080 : vector<128x64xf32>
      %get3A_1082 = arith.constant 6 : index
      %get3A_1083 = arith.constant 0 : index
      %get3A_1084 = arith.constant 0 : index
      %get3A_1085 = vector.load %arg5[%get3A_1082, %get3A_1083, %get3A_1084] : memref<8x1x64xf32, #tpu.memory_space<vmem>>, vector<1x1x64xf32>
      %get3A_1086 = vector.shape_cast %get3A_1085 : vector<1x1x64xf32> to vector<64xf32>
      %broadcast_in_dim3A_1087 = vector.shape_cast %get3A_1086 : vector<64xf32> to vector<1x64xf32>
      %add3A_1088 = vector.broadcast %broadcast_in_dim3A_1087 : vector<1x64xf32> to vector<128x64xf32>
      %add3A_1089 = arith.addf %add3A_1081, %add3A_1088 : vector<128x64xf32>
      %cos3A_1090 = math.cos %add3A_1089 : vector<128x64xf32>
      %mul3A_1091 = arith.mulf %tanh3A_1062, %cos3A_1090 : vector<128x64xf32>
      %convert_element_type3A_1092 = arith.truncf %mul3A_1091 : vector<128x64xf32> to vector<128x64xbf16>
      %get3A_1093 = arith.constant 6 : index
      %get3A_1094 = arith.constant 0 : index
      %get3A_1095 = arith.constant 0 : index
      %get3A_1096 = vector.load %arg6[%get3A_1093, %get3A_1094, %get3A_1095] : memref<8x64x768xbf16, #tpu.memory_space<vmem>>, vector<1x64x768xbf16>
      %get3A_1097 = vector.shape_cast %get3A_1096 : vector<1x64x768xbf16> to vector<64x768xbf16>
      %dot_general3A_1098 = arith.constant dense<0.000000e+00> : vector<128x768xf32>
      %dot_general3A_1099 = tpu.matmul %convert_element_type3A_1092, %get3A_1097, %dot_general3A_1098 {dimension_numbers = #tpu.dot_dimension_numbers<[1], [0], [0], [1], [0, 0, 1, 1], [], []>, transpose_lhs_hint = false} : vector<128x64xbf16>, vector<64x768xbf16>, vector<128x768xf32> -> vector<128x768xf32>
      %mul3A_1100 = arith.mulf %dot_general3A_1099, %dot_general3A_1099 : vector<128x768xf32>
      %reduce_sum3A_1101 = arith.constant dense<0.000000e+00> : vector<128xf32>
      %reduce_sum3A_1102 = vector.multi_reduction <add>, %mul3A_1100, %reduce_sum3A_1101 [1] : vector<128x768xf32> to vector<128xf32>
      %broadcast_in_dim3A_1103 = vector.shape_cast %reduce_sum3A_1102 : vector<128xf32> to vector<128x1xf32>
      %div3A_1104 = arith.constant 7.680000e+02 : f32
      %div3A_1105 = vector.broadcast %div3A_1104 : f32 to vector<128x1xf32>
      %div3A_1106 = arith.divf %broadcast_in_dim3A_1103, %div3A_1105 : vector<128x1xf32>
      %add3A_1107 = arith.constant 9.99999997E-7 : f32
      %add3A_1108 = vector.broadcast %add3A_1107 : f32 to vector<128x1xf32>
      %add3A_1109 = arith.addf %div3A_1106, %add3A_1108 : vector<128x1xf32>
      %rsqrt3A_1110 = math.rsqrt %add3A_1109 : vector<128x1xf32>
      %mul3A_1111 = vector.broadcast %rsqrt3A_1110 : vector<128x1xf32> to vector<128x768xf32>
      %mul3A_1112 = arith.mulf %dot_general3A_1099, %mul3A_1111 : vector<128x768xf32>
      %get3A_1113 = arith.constant 0 : index
      %get3A_1114 = arith.constant 0 : index
      %get3A_1115 = vector.load %arg7[%get3A_1113, %get3A_1114] : memref<1x768xf32, #tpu.memory_space<vmem>>, vector<1x768xf32>
      %mul3A_1116 = vector.broadcast %get3A_1115 : vector<1x768xf32> to vector<128x768xf32>
      %mul3A_1117 = arith.mulf %mul3A_1112, %mul3A_1116 : vector<128x768xf32>
      %swap3A_1118 = arith.index_cast %multiple_of3A_1043 : i32 to index
      %swap3A_1119 = arith.constant 0 : index
      %swap3A_1120 = vector.load %arg8[%swap3A_1118, %swap3A_1119] : memref<2688x768xf32, #tpu.memory_space<vmem>>, vector<128x768xf32>
      tpu.vector_store %arg8[%swap3A_1118, %swap3A_1119], %mul3A_1117 {strides = array<i32>} : memref<2688x768xf32, #tpu.memory_space<vmem>>, vector<128x768xf32>,
    }
    %mul3A_988 = arith.constant 8 : i32
    %mul3A_989 = arith.muli %arg0, %mul3A_988 : i32
    %add3A_990 = arith.constant 7 : i32
    %add3A_991 = arith.addi %mul3A_989, %add3A_990 : i32
    %get3A_992 = arith.index_cast %add3A_991 : i32 to index
    %get3A_993 = memref.load %arg1[%get3A_992] : memref<128xi32, #tpu.memory_space<smem>>
    %add3A_994 = arith.constant 1 : i32
    %add3A_995 = arith.addi %add3A_991, %add3A_994 : i32
    %get3A_996 = arith.index_cast %add3A_995 : i32 to index
    %get3A_997 = memref.load %arg1[%get3A_996] : memref<128xi32, #tpu.memory_space<smem>>
    %sub3A_998 = arith.subi %get3A_997, %get3A_993 : i32
    %add3A_999 = arith.constant 128 : i32
    %add3A_1000 = arith.addi %sub3A_998, %add3A_999 : i32
    %sub3A_1001 = arith.constant 1 : i32
    %sub3A_1002 = arith.subi %add3A_1000, %sub3A_1001 : i32
    %jit3A_1003 = arith.constant 128 : i32
    %div3A_1004 = arith.divsi %sub3A_1002, %jit3A_1003 : i32
    %sign3A_1005 = arith.constant 0 : i32
    %sign3A_1006 = arith.cmpi sgt, %sub3A_1002, %sign3A_1005 : i32
    %sign3A_1007 = arith.extui %sign3A_1006 : i1 to i32
    %sign3A_1008 = arith.constant 0 : i32
    %sign3A_1009 = arith.cmpi slt, %sub3A_1002, %sign3A_1008 : i32
    %sign3A_1010 = arith.extui %sign3A_1009 : i1 to i32
    %sign3A_1011 = arith.subi %sign3A_1007, %sign3A_1010 : i32
    %sign3A_1012 = arith.constant 0 : i32
    %sign3A_1013 = arith.cmpi sgt, %jit3A_1003, %sign3A_1012 : i32
    %sign3A_1014 = arith.extui %sign3A_1013 : i1 to i32
    %sign3A_1015 = arith.constant 0 : i32
    %sign3A_1016 = arith.cmpi slt, %jit3A_1003, %sign3A_1015 : i32
    %sign3A_1017 = arith.extui %sign3A_1016 : i1 to i32
    %sign3A_1018 = arith.subi %sign3A_1014, %sign3A_1017 : i32
    %ne3A_1019 = arith.cmpi ne, %sign3A_1011, %sign3A_1018 : i32
    %rem3A_1020 = arith.remsi %sub3A_1002, %jit3A_1003 : i32
    %ne3A_1021 = arith.constant 0 : i32
    %ne3A_1022 = arith.cmpi ne, %rem3A_1020, %ne3A_1021 : i32
    %and3A_1023 = arith.andi %ne3A_1019, %ne3A_1022 : i1
    %sub3A_1024 = arith.constant 1 : i32
    %sub3A_1025 = arith.subi %div3A_1004, %sub3A_1024 : i32
    %select_n3A_1026 = arith.select %and3A_1023, %sub3A_1025, %div3A_1004 : i32
    %while3A_1027 = arith.constant 0 : i32
    %while3A_1028 = arith.constant 1 : i32
    %while3A_1029 = arith.subi %select_n3A_1026, %while3A_1028 : i32
    %while3A_1030 = arith.addi %while3A_1028, %while3A_1029 : i32
    %while3A_1031 = arith.constant 1 : i32
    %while3A_1032 = arith.divsi %while3A_1029, %while3A_1031 : i32
    %while3A_1033 = arith.muli %while3A_1032, %while3A_1031 : i32
    %while3A_1034 = arith.addi %while3A_1028, %while3A_1033 : i32
    %while3A_1035 = arith.constant 1 : i32
    scf.for %while3A_1037 = %while3A_1028 to %while3A_1034 step %while3A_1035  : i32 {
      %mul3A_1038 = arith.constant 128 : i32
      %mul3A_1039 = arith.muli %while3A_1037, %mul3A_1038 : i32
      %sub3A_1040 = arith.constant 128 : i32
      %sub3A_1041 = arith.subi %sub3A_998, %sub3A_1040 : i32
      %min3A = arith.minsi %mul3A_1039, %sub3A_1041 : i32
      %add3A_1042 = arith.addi %get3A_993, %min3A : i32
      %multiple_of3A_1043 = tpu.assume_multiple %add3A_1042, 8 : i32
      %get3A_1044 = arith.index_cast %multiple_of3A_1043 : i32 to index
      %get3A_1045 = arith.constant 0 : index
      %get3A_1046 = vector.load %arg2[%get3A_1044, %get3A_1045] : memref<2688x768xf32, #tpu.memory_space<vmem>>, vector<128x768xf32>
      %convert_element_type3A_1047 = arith.truncf %get3A_1046 : vector<128x768xf32> to vector<128x768xbf16>
      %get3A_1048 = arith.constant 7 : index
      %get3A_1049 = arith.constant 0 : index
      %get3A_1050 = arith.constant 0 : index
      %get3A_1051 = vector.load %arg3[%get3A_1048, %get3A_1049, %get3A_1050] : memref<8x768x64xbf16, #tpu.memory_space<vmem>>, vector<1x768x64xbf16>
      %get3A_1052 = vector.shape_cast %get3A_1051 : vector<1x768x64xbf16> to vector<768x64xbf16>
      %dot_general3A_1053 = arith.constant dense<0.000000e+00> : vector<128x64xf32>
      %dot_general3A_1054 = tpu.matmul %convert_element_type3A_1047, %get3A_1052, %dot_general3A_1053 {dimension_numbers = #tpu.dot_dimension_numbers<[1], [0], [0], [1], [0, 0, 1, 1], [], []>, transpose_lhs_hint = false} : vector<128x768xbf16>, vector<768x64xbf16>, vector<128x64xf32> -> vector<128x64xf32>
      %get3A_1055 = arith.constant 7 : index
      %get3A_1056 = arith.constant 0 : index
      %get3A_1057 = arith.constant 0 : index
      %get3A_1058 = vector.load %arg4[%get3A_1055, %get3A_1056, %get3A_1057] : memref<8x768x64xf32, #tpu.memory_space<vmem>>, vector<1x768x64xf32>
      %get3A_1059 = vector.shape_cast %get3A_1058 : vector<1x768x64xf32> to vector<768x64xf32>
      %dot_general3A_1060 = arith.constant dense<0.000000e+00> : vector<128x64xf32>
      %dot_general3A_1061 = tpu.matmul %get3A_1046, %get3A_1059, %dot_general3A_1060 {dimension_numbers = #tpu.dot_dimension_numbers<[1], [0], [0], [1], [0, 0, 1, 1], [], []>, transpose_lhs_hint = false} : vector<128x768xf32>, vector<768x64xf32>, vector<128x64xf32> -> vector<128x64xf32>
      %tanh3A_1062 = math.tanh %dot_general3A_1054 : vector<128x64xf32>
      %custom_jvp_call3A_1063 = arith.constant 0.000000e+00 : f32
      %max3A_1064 = vector.broadcast %custom_jvp_call3A_1063 : f32 to vector<128x64xf32>
      %max3A_1065 = arith.maximumf %dot_general3A_1061, %max3A_1064 : vector<128x64xf32>
      %sub3A_1066 = vector.broadcast %custom_jvp_call3A_1063 : f32 to vector<128x64xf32>
      %sub3A_1067 = arith.subf %dot_general3A_1061, %sub3A_1066 : vector<128x64xf32>
      %ne3A_1068 = arith.cmpf one, %sub3A_1067, %sub3A_1067 : vector<128x64xf32>
      %add3A_1069 = vector.broadcast %custom_jvp_call3A_1063 : f32 to vector<128x64xf32>
      %add3A_1070 = arith.addf %dot_general3A_1061, %add3A_1069 : vector<128x64xf32>
      %abs3A_1071 = math.absf %sub3A_1067 : vector<128x64xf32>
      %neg3A_1072 = arith.constant 0.000000e+00 : f32
      %neg3A_1073 = vector.broadcast %neg3A_1072 : f32 to vector<128x64xf32>
      %neg3A_1074 = arith.subf %neg3A_1073, %abs3A_1071 : vector<128x64xf32>
      %exp3A_1075 = math.exp %neg3A_1074 : vector<128x64xf32>
      %log1p3A_1076 = math.log1p %exp3A_1075 : vector<128x64xf32>
      %add3A_1077 = arith.addf %max3A_1065, %log1p3A_1076 : vector<128x64xf32>
      %select_n3A_1078 = arith.select %ne3A_1068, %add3A_1070, %add3A_1077 : vector<128x64xi1>, vector<128x64xf32>
      %add3A_1079 = arith.constant 1.000000e-01 : f32
      %add3A_1080 = vector.broadcast %add3A_1079 : f32 to vector<128x64xf32>
      %add3A_1081 = arith.addf %select_n3A_1078, %add3A_1080 : vector<128x64xf32>
      %get3A_1082 = arith.constant 7 : index
      %get3A_1083 = arith.constant 0 : index
      %get3A_1084 = arith.constant 0 : index
      %get3A_1085 = vector.load %arg5[%get3A_1082, %get3A_1083, %get3A_1084] : memref<8x1x64xf32, #tpu.memory_space<vmem>>, vector<1x1x64xf32>
      %get3A_1086 = vector.shape_cast %get3A_1085 : vector<1x1x64xf32> to vector<64xf32>
      %broadcast_in_dim3A_1087 = vector.shape_cast %get3A_1086 : vector<64xf32> to vector<1x64xf32>
      %add3A_1088 = vector.broadcast %broadcast_in_dim3A_1087 : vector<1x64xf32> to vector<128x64xf32>
      %add3A_1089 = arith.addf %add3A_1081, %add3A_1088 : vector<128x64xf32>
      %cos3A_1090 = math.cos %add3A_1089 : vector<128x64xf32>
      %mul3A_1091 = arith.mulf %tanh3A_1062, %cos3A_1090 : vector<128x64xf32>
      %convert_element_type3A_1092 = arith.truncf %mul3A_1091 : vector<128x64xf32> to vector<128x64xbf16>
      %get3A_1093 = arith.constant 7 : index
      %get3A_1094 = arith.constant 0 : index
      %get3A_1095 = arith.constant 0 : index
      %get3A_1096 = vector.load %arg6[%get3A_1093, %get3A_1094, %get3A_1095] : memref<8x64x768xbf16, #tpu.memory_space<vmem>>, vector<1x64x768xbf16>
      %get3A_1097 = vector.shape_cast %get3A_1096 : vector<1x64x768xbf16> to vector<64x768xbf16>
      %dot_general3A_1098 = arith.constant dense<0.000000e+00> : vector<128x768xf32>
      %dot_general3A_1099 = tpu.matmul %convert_element_type3A_1092, %get3A_1097, %dot_general3A_1098 {dimension_numbers = #tpu.dot_dimension_numbers<[1], [0], [0], [1], [0, 0, 1, 1], [], []>, transpose_lhs_hint = false} : vector<128x64xbf16>, vector<64x768xbf16>, vector<128x768xf32> -> vector<128x768xf32>
      %mul3A_1100 = arith.mulf %dot_general3A_1099, %dot_general3A_1099 : vector<128x768xf32>
      %reduce_sum3A_1101 = arith.constant dense<0.000000e+00> : vector<128xf32>
      %reduce_sum3A_1102 = vector.multi_reduction <add>, %mul3A_1100, %reduce_sum3A_1101 [1] : vector<128x768xf32> to vector<128xf32>
      %broadcast_in_dim3A_1103 = vector.shape_cast %reduce_sum3A_1102 : vector<128xf32> to vector<128x1xf32>
      %div3A_1104 = arith.constant 7.680000e+02 : f32
      %div3A_1105 = vector.broadcast %div3A_1104 : f32 to vector<128x1xf32>
      %div3A_1106 = arith.divf %broadcast_in_dim3A_1103, %div3A_1105 : vector<128x1xf32>
      %add3A_1107 = arith.constant 9.99999997E-7 : f32
      %add3A_1108 = vector.broadcast %add3A_1107 : f32 to vector<128x1xf32>
      %add3A_1109 = arith.addf %div3A_1106, %add3A_1108 : vector<128x1xf32>
      %rsqrt3A_1110 = math.rsqrt %add3A_1109 : vector<128x1xf32>
      %mul3A_1111 = vector.broadcast %rsqrt3A_1110 : vector<128x1xf32> to vector<128x768xf32>
      %mul3A_1112 = arith.mulf %dot_general3A_1099, %mul3A_1111 : vector<128x768xf32>
      %get3A_1113 = arith.constant 0 : index
      %get3A_1114 = arith.constant 0 : index
      %get3A_1115 = vector.load %arg7[%get3A_1113, %get3A_1114] : memref<1x768xf32, #tpu.memory_space<vmem>>, vector<1x768xf32>
      %mul3A_1116 = vector.broadcast %get3A_1115 : vector<1x768xf32> to vector<128x768xf32>
      %mul3A_1117 = arith.mulf %mul3A_1112, %mul3A_1116 : vector<128x768xf32>
      %swap3A_1118 = arith.index_cast %multiple_of3A_1043 : i32 to index
      %swap3A_1119 = arith.constant 0 : index
      %swap3A_1120 = vector.load %arg8[%swap3A_1118, %swap3A_1119] : memref<2688x768xf32, #tpu.memory_space<vmem>>, vector<128x768xf32>
      tpu.vector_store %arg8[%swap3A_1118, %swap3A_1119], %mul3A_1117 {strides = array<i32>} : memref<2688x768xf32, #tpu.memory_space<vmem>>, vector<128x768xf32>,
    }
    %while3A_1036 = arith.constant 1 : i32
    scf.for %while3A_1037 = %while3A_1034 to %while3A_1030 step %while3A_1036  : i32 {
      %mul3A_1038 = arith.constant 128 : i32
      %mul3A_1039 = arith.muli %while3A_1037, %mul3A_1038 : i32
      %sub3A_1040 = arith.constant 128 : i32
      %sub3A_1041 = arith.subi %sub3A_998, %sub3A_1040 : i32
      %min3A = arith.minsi %mul3A_1039, %sub3A_1041 : i32
      %add3A_1042 = arith.addi %get3A_993, %min3A : i32
      %multiple_of3A_1043 = tpu.assume_multiple %add3A_1042, 8 : i32
      %get3A_1044 = arith.index_cast %multiple_of3A_1043 : i32 to index
      %get3A_1045 = arith.constant 0 : index
      %get3A_1046 = vector.load %arg2[%get3A_1044, %get3A_1045] : memref<2688x768xf32, #tpu.memory_space<vmem>>, vector<128x768xf32>
      %convert_element_type3A_1047 = arith.truncf %get3A_1046 : vector<128x768xf32> to vector<128x768xbf16>
      %get3A_1048 = arith.constant 7 : index
      %get3A_1049 = arith.constant 0 : index
      %get3A_1050 = arith.constant 0 : index
      %get3A_1051 = vector.load %arg3[%get3A_1048, %get3A_1049, %get3A_1050] : memref<8x768x64xbf16, #tpu.memory_space<vmem>>, vector<1x768x64xbf16>
      %get3A_1052 = vector.shape_cast %get3A_1051 : vector<1x768x64xbf16> to vector<768x64xbf16>
      %dot_general3A_1053 = arith.constant dense<0.000000e+00> : vector<128x64xf32>
      %dot_general3A_1054 = tpu.matmul %convert_element_type3A_1047, %get3A_1052, %dot_general3A_1053 {dimension_numbers = #tpu.dot_dimension_numbers<[1], [0], [0], [1], [0, 0, 1, 1], [], []>, transpose_lhs_hint = false} : vector<128x768xbf16>, vector<768x64xbf16>, vector<128x64xf32> -> vector<128x64xf32>
      %get3A_1055 = arith.constant 7 : index
      %get3A_1056 = arith.constant 0 : index
      %get3A_1057 = arith.constant 0 : index
      %get3A_1058 = vector.load %arg4[%get3A_1055, %get3A_1056, %get3A_1057] : memref<8x768x64xf32, #tpu.memory_space<vmem>>, vector<1x768x64xf32>
      %get3A_1059 = vector.shape_cast %get3A_1058 : vector<1x768x64xf32> to vector<768x64xf32>
      %dot_general3A_1060 = arith.constant dense<0.000000e+00> : vector<128x64xf32>
      %dot_general3A_1061 = tpu.matmul %get3A_1046, %get3A_1059, %dot_general3A_1060 {dimension_numbers = #tpu.dot_dimension_numbers<[1], [0], [0], [1], [0, 0, 1, 1], [], []>, transpose_lhs_hint = false} : vector<128x768xf32>, vector<768x64xf32>, vector<128x64xf32> -> vector<128x64xf32>
      %tanh3A_1062 = math.tanh %dot_general3A_1054 : vector<128x64xf32>
      %custom_jvp_call3A_1063 = arith.constant 0.000000e+00 : f32
      %max3A_1064 = vector.broadcast %custom_jvp_call3A_1063 : f32 to vector<128x64xf32>
      %max3A_1065 = arith.maximumf %dot_general3A_1061, %max3A_1064 : vector<128x64xf32>
      %sub3A_1066 = vector.broadcast %custom_jvp_call3A_1063 : f32 to vector<128x64xf32>
      %sub3A_1067 = arith.subf %dot_general3A_1061, %sub3A_1066 : vector<128x64xf32>
      %ne3A_1068 = arith.cmpf one, %sub3A_1067, %sub3A_1067 : vector<128x64xf32>
      %add3A_1069 = vector.broadcast %custom_jvp_call3A_1063 : f32 to vector<128x64xf32>
      %add3A_1070 = arith.addf %dot_general3A_1061, %add3A_1069 : vector<128x64xf32>
      %abs3A_1071 = math.absf %sub3A_1067 : vector<128x64xf32>
      %neg3A_1072 = arith.constant 0.000000e+00 : f32
      %neg3A_1073 = vector.broadcast %neg3A_1072 : f32 to vector<128x64xf32>
      %neg3A_1074 = arith.subf %neg3A_1073, %abs3A_1071 : vector<128x64xf32>
      %exp3A_1075 = math.exp %neg3A_1074 : vector<128x64xf32>
      %log1p3A_1076 = math.log1p %exp3A_1075 : vector<128x64xf32>
      %add3A_1077 = arith.addf %max3A_1065, %log1p3A_1076 : vector<128x64xf32>
      %select_n3A_1078 = arith.select %ne3A_1068, %add3A_1070, %add3A_1077 : vector<128x64xi1>, vector<128x64xf32>
      %add3A_1079 = arith.constant 1.000000e-01 : f32
      %add3A_1080 = vector.broadcast %add3A_1079 : f32 to vector<128x64xf32>
      %add3A_1081 = arith.addf %select_n3A_1078, %add3A_1080 : vector<128x64xf32>
      %get3A_1082 = arith.constant 7 : index
      %get3A_1083 = arith.constant 0 : index
      %get3A_1084 = arith.constant 0 : index
      %get3A_1085 = vector.load %arg5[%get3A_1082, %get3A_1083, %get3A_1084] : memref<8x1x64xf32, #tpu.memory_space<vmem>>, vector<1x1x64xf32>
      %get3A_1086 = vector.shape_cast %get3A_1085 : vector<1x1x64xf32> to vector<64xf32>
      %broadcast_in_dim3A_1087 = vector.shape_cast %get3A_1086 : vector<64xf32> to vector<1x64xf32>
      %add3A_1088 = vector.broadcast %broadcast_in_dim3A_1087 : vector<1x64xf32> to vector<128x64xf32>
      %add3A_1089 = arith.addf %add3A_1081, %add3A_1088 : vector<128x64xf32>
      %cos3A_1090 = math.cos %add3A_1089 : vector<128x64xf32>
      %mul3A_1091 = arith.mulf %tanh3A_1062, %cos3A_1090 : vector<128x64xf32>
      %convert_element_type3A_1092 = arith.truncf %mul3A_1091 : vector<128x64xf32> to vector<128x64xbf16>
      %get3A_1093 = arith.constant 7 : index
      %get3A_1094 = arith.constant 0 : index
      %get3A_1095 = arith.constant 0 : index
      %get3A_1096 = vector.load %arg6[%get3A_1093, %get3A_1094, %get3A_1095] : memref<8x64x768xbf16, #tpu.memory_space<vmem>>, vector<1x64x768xbf16>
      %get3A_1097 = vector.shape_cast %get3A_1096 : vector<1x64x768xbf16> to vector<64x768xbf16>
      %dot_general3A_1098 = arith.constant dense<0.000000e+00> : vector<128x768xf32>
      %dot_general3A_1099 = tpu.matmul %convert_element_type3A_1092, %get3A_1097, %dot_general3A_1098 {dimension_numbers = #tpu.dot_dimension_numbers<[1], [0], [0], [1], [0, 0, 1, 1], [], []>, transpose_lhs_hint = false} : vector<128x64xbf16>, vector<64x768xbf16>, vector<128x768xf32> -> vector<128x768xf32>
      %mul3A_1100 = arith.mulf %dot_general3A_1099, %dot_general3A_1099 : vector<128x768xf32>
      %reduce_sum3A_1101 = arith.constant dense<0.000000e+00> : vector<128xf32>
      %reduce_sum3A_1102 = vector.multi_reduction <add>, %mul3A_1100, %reduce_sum3A_1101 [1] : vector<128x768xf32> to vector<128xf32>
      %broadcast_in_dim3A_1103 = vector.shape_cast %reduce_sum3A_1102 : vector<128xf32> to vector<128x1xf32>
      %div3A_1104 = arith.constant 7.680000e+02 : f32
      %div3A_1105 = vector.broadcast %div3A_1104 : f32 to vector<128x1xf32>
      %div3A_1106 = arith.divf %broadcast_in_dim3A_1103, %div3A_1105 : vector<128x1xf32>
      %add3A_1107 = arith.constant 9.99999997E-7 : f32
      %add3A_1108 = vector.broadcast %add3A_1107 : f32 to vector<128x1xf32>
      %add3A_1109 = arith.addf %div3A_1106, %add3A_1108 : vector<128x1xf32>
      %rsqrt3A_1110 = math.rsqrt %add3A_1109 : vector<128x1xf32>
      %mul3A_1111 = vector.broadcast %rsqrt3A_1110 : vector<128x1xf32> to vector<128x768xf32>
      %mul3A_1112 = arith.mulf %dot_general3A_1099, %mul3A_1111 : vector<128x768xf32>
      %get3A_1113 = arith.constant 0 : index
      %get3A_1114 = arith.constant 0 : index
      %get3A_1115 = vector.load %arg7[%get3A_1113, %get3A_1114] : memref<1x768xf32, #tpu.memory_space<vmem>>, vector<1x768xf32>
      %mul3A_1116 = vector.broadcast %get3A_1115 : vector<1x768xf32> to vector<128x768xf32>
      %mul3A_1117 = arith.mulf %mul3A_1112, %mul3A_1116 : vector<128x768xf32>
      %swap3A_1118 = arith.index_cast %multiple_of3A_1043 : i32 to index
      %swap3A_1119 = arith.constant 0 : index
      %swap3A_1120 = vector.load %arg8[%swap3A_1118, %swap3A_1119] : memref<2688x768xf32, #tpu.memory_space<vmem>>, vector<128x768xf32>
      tpu.vector_store %arg8[%swap3A_1118, %swap3A_1119], %mul3A_1117 {strides = array<i32>} : memref<2688x768xf32, #tpu.memory_space<vmem>>, vector<128x768xf32>,
    }
    return
  }
  func.func @transform_0(%arg0: i32, %arg1: memref<128xi32, #tpu.memory_space<smem>>) -> (i32, i32) {
    %c0_i32 = arith.constant 0 : i32
    %c0_i32_0 = arith.constant 0 : i32
    %c0_i32_1 = arith.constant 0 : i32
    return %c0_i32, %c0_i32_0 : i32, i32
  }
  func.func @transform_1(%arg0: i32, %arg1: memref<128xi32, #tpu.memory_space<smem>>) -> (i32, i32, i32) {
    %c0_i32 = arith.constant 0 : i32
    %c0_i32_0 = arith.constant 0 : i32
    %c0_i32_1 = arith.constant 0 : i32
    return %arg0, %c0_i32, %c0_i32_0 : i32, i32, i32
  }
  func.func @transform_2(%arg0: i32, %arg1: memref<128xi32, #tpu.memory_space<smem>>) -> (i32, i32, i32) {
    %c0_i32 = arith.constant 0 : i32
    %c0_i32_0 = arith.constant 0 : i32
    %c0_i32_1 = arith.constant 0 : i32
    return %arg0, %c0_i32, %c0_i32_0 : i32, i32, i32
  }
  func.func @transform_3(%arg0: i32, %arg1: memref<128xi32, #tpu.memory_space<smem>>) -> (i32, i32, i32) {
    %c0_i32 = arith.constant 0 : i32
    %c0_i32_0 = arith.constant 0 : i32
    %c0_i32_1 = arith.constant 0 : i32
    return %arg0, %c0_i32, %c0_i32_0 : i32, i32, i32
  }
  func.func @transform_4(%arg0: i32, %arg1: memref<128xi32, #tpu.memory_space<smem>>) -> (i32, i32, i32) {
    %c0_i32 = arith.constant 0 : i32
    %c0_i32_0 = arith.constant 0 : i32
    %c0_i32_1 = arith.constant 0 : i32
    return %arg0, %c0_i32, %c0_i32_0 : i32, i32, i32
  }
  func.func @transform_5(%arg0: i32, %arg1: memref<128xi32, #tpu.memory_space<smem>>) -> (i32, i32) {
    %c0_i32 = arith.constant 0 : i32
    %c0_i32_0 = arith.constant 0 : i32
    %c0_i32_1 = arith.constant 0 : i32
    return %c0_i32, %c0_i32_0 : i32, i32
  }
  func.func @transform_6(%arg0: i32, %arg1: memref<128xi32, #tpu.memory_space<smem>>) -> (i32, i32) {
    %c0_i32 = arith.constant 0 : i32
    %c0_i32_0 = arith.constant 0 : i32
    %c0_i32_1 = arith.constant 0 : i32
    return %c0_i32, %c0_i32_0 : i32, i32
  }
}

</mosaic_0001>

<sc_bundles>
// kernel: kernel.6.cloned.1.call-start
scs
__scs_entry_jumppad:
0x0: {  	(pc) =	sbr.rel $0x88, $3  }
0x1: {  	(tag) =	ssettag $0x0;
	lr =	simm.s32 $0x1  }
0x2: {  	[smem:$0x3F99] =	sst lr;
	_ =	strace $0xD0000000  }
0x3: {  	_ = 	snop  }
0x4: {  	_ = 	snop  }
0x5: {  	_ = 	snop  }
0x6: {  	_ = 	snop  }
0x7: {  	_ = 	snop  }
__scs_overlays_trampoline_lowered:
0x8: {  	[smem:$0x3FA8] =	sst s0  }
0x9: {  	[smem:$0x3FA9] =	sst s1  }
0xa: {  	[smem:$0x3FAA] =	sst s2  }
0xb: {  	[smem:$0x3FAB] =	sst s3  }
0xc: {  	[smem:$0x3FAC] =	sst s4  }
0xd: {  	[smem:$0x3FAD] =	sst s5  }
0xe: {  	[smem:$0x3FAE] =	sst s6  }
0xf: {  	[smem:$0x3FAF] =	sst s7  }
0x10: {  	[smem:$0x3FB0] =	sst s8  }
0x11: {  	[smem:$0x3FB1] =	sst s9;
	s0 =	simm.s32 @!p0 $0x0  }
0x12: {  	s1 =	sld [smem:$0x3F97];
	s0 =	simm.s32 @p0 $0x1  }
0x13: {  	[smem:$0x3FB2] =	sst s0;
	s0 =	simm.s32 @!p1 $0x0  }
0x14: {  	s2 =	sld [smem:$0x3F96];
	s0 =	simm.s32 @p1 $0x1  }
0x15: {  	[smem:$0x3FB3] =	sst s0;
	s0 =	simm.s32 @!p2 $0x0  }
0x16: {  	s3 =	sld [smem:$0x3FDB];
	s0 =	simm.s32 @p2 $0x1  }
0x17: {  	s4 =	simm.s32 $0x1BF5;
	[smem:$0x3FB5] =	sst s0  }
0x18: {  	s0 =	sld [smem:$0x3F98];
	_ =	swait.ge [sflag:s4], $0x0  }
0x19: {  	s7 =	sld [smem:$0x3F99]  }
0x1a: {  	s8 =	sadd.s32 $0xFFFFE003, lr  }
0x1b: {  	s9 =	sadd.s32 $0xFFFFFEF7, lr;
	s5 =	simm.s32 $0xFFFFFFFF;
	p2 =	slt.u32 s8, $0xFFFFF086  }
0x1c: {  	p1 =	slt.u32 s9, $0xF7A;
	s5 =	simm.s32 @!p2 $0x0  }
0x1d: {  	s5 =	simm.s32 @p1 $0x1;
	p0 =	seq.s32 s7, s2  }
0x1e: {  	s7 =	smul.u32 @!p0 $0xF7A, s2;
	p2 =	seq.s32 @!p0 s5, $0x0  }
0x1f: {  	s9 =	smul.u32 $0xF7A, s1;
	s8 =	simm.s32 @!p0 $0x1BF5;
	p2 =	por !p2, p0  }
0x20: {  	[sflag:s8] =	ssyncset.s32 @!p0 $0xFFFFF086;
	s6 =	sadd.s32 @!p0 s3, s7;
	s7 =	simm.s32 @!p0 $0x108  }
0x21: {  	s3 =	sadd.s32 s3, s9;
	s6 =	sadd.s32 @!p0 $0x88, s6;
	s7 =	simm.s32 @p2 $0x1082  }
0x22: {  	[simem:s7], [sflag:s8] =	dma.local @!p0 [hbm:s6], $0xF7A  }
0x23: {  	s9 =	sor.u32 $0xD0000000, s2;
	s6 =	simm.s32 $0x108;
	_ =	swait.ge @!p0 [sflag:s8], $0x0  }
0x24: {  	s3 =	sadd.s32 $0x88, s3;
	s6 =	simm.s32 @!p1 $0x1082;
	[sflag:s4] =	ssyncset.s32 $0xFFFFF086  }
0x25: {  	[simem:s6], [sflag:s4] =	dma.local [hbm:s3], $0xF7A  }
0x26: {  	[smem:$0x3F99] =	sst s1;
	(tag) =	ssettag s2;
	_ =	strace s9  }
0x27: {  	s1 =	sld [smem:$0x3FA9]  }
0x28: {  	s2 =	sld [smem:$0x3FAA]  }
0x29: {  	s4 =	sld [smem:$0x3FAC]  }
0x2a: {  	p0 =	seq.s32 s5, $0x0;
	s5 =	sld [smem:$0x3FAD]  }
0x2b: {  	s6 =	sld [smem:$0x3FAE]  }
0x2c: {  	s7 =	sld [smem:$0x3FAF]  }
0x2d: {  	s3 =	simm.s32 $0x108;
	s8 =	sld [smem:$0x3FB0]  }
0x2e: {  	s3 =	simm.s32 @!p0 $0x1082;
	s9 =	sld [smem:$0x3FB1]  }
0x2f: {  	lr =	sadd.s32 s0, s3;
	s0 =	sld [smem:$0x3FA8]  }
0x30: {  	s3 =	sld [smem:$0x3FAB]  }
0x31: {  	[smem:$0x3FB4] =	sst s10  }
0x32: {  	s10 =	sld [smem:$0x3FB2];
	_ =	sdelay $0x3  }
0x33: {  	p0 =	seq.s32 s10, $0x1;
	s10 =	sld [smem:$0x3FB4];
	_ =	sdelay $0x3  }
0x34: {  	[smem:$0x3FB4] =	sst s10  }
0x35: {  	s10 =	sld [smem:$0x3FB3];
	_ =	sdelay $0x3  }
0x36: {  	p1 =	seq.s32 s10, $0x1;
	s10 =	sld [smem:$0x3FB4];
	_ =	sdelay $0x3  }
0x37: {  	[smem:$0x3FB4] =	sst s10  }
0x38: {  	s10 =	sld [smem:$0x3FB5]  }
0x39: {  	_ = 	snop;
	(pc) =	sbr.ind lr, $3  }
0x3a: {  	_ = 	snop  }
0x3b: {  	_ = 	snop  }
0x3c: {  	p2 =	seq.s32 s10, $0x1;
	s10 =	sld [smem:$0x3FB4]  }
0x3d: {  	_ =	shalt  }
0x3e: {  	_ =	shalt  }
0x3f: {  	_ =	shalt  }
0x40: {  	_ =	shalt  }
0x41: {  	_ =	shalt  }
0x42: {  	_ =	shalt  }
0x43: {  	_ =	shalt  }
0x44: {  	_ =	shalt  }
0x45: {  	_ =	shalt  }
0x46: {  	_ =	shalt  }
0x47: {  	_ =	shalt  }
0x48: {  	_ =	shalt  }
0x49: {  	_ =	shalt  }
0x4a: {  	_ =	shalt  }
0x4b: {  	_ =	shalt  }
0x4c: {  	_ =	shalt  }
0x4d: {  	_ =	shalt  }
0x4e: {  	_ =	shalt  }
0x4f: {  	_ =	shalt  }
0x50: {  	_ =	shalt  }
0x51: {  	_ =	shalt  }
0x52: {  	_ =	shalt  }
0x53: {  	_ =	shalt  }
0x54: {  	_ =	shalt  }
0x55: {  	_ =	shalt  }
0x56: {  	_ =	shalt  }
0x57: {  	_ =	shalt  }
0x58: {  	_ =	shalt  }
0x59: {  	_ =	shalt  }
0x5a: {  	_ =	shalt  }
0x5b: {  	_ =	shalt  }
0x5c: {  	_ =	shalt  }
0x5d: {  	_ =	shalt  }
0x5e: {  	_ =	shalt  }
0x5f: {  	_ =	shalt  }
0x60: {  	_ =	shalt  }
0x61: {  	_ =	shalt  }
0x62: {  	_ =	shalt  }
0x63: {  	_ =	shalt  }
0x64: {  	_ =	shalt  }
0x65: {  	_ =	shalt  }
0x66: {  	_ =	shalt  }
0x67: {  	_ =	shalt  }
0x68: {  	_ =	shalt  }
0x69: {  	_ =	shalt  }
0x6a: {  	_ =	shalt  }
0x6b: {  	_ =	shalt  }
0x6c: {  	_ =	shalt  }
0x6d: {  	_ =	shalt  }
0x6e: {  	_ =	shalt  }
0x6f: {  	_ =	shalt  }
0x70: {  	_ =	shalt  }
0x71: {  	_ =	shalt  }
0x72: {  	_ =	shalt  }
0x73: {  	_ =	shalt  }
0x74: {  	_ =	shalt  }
0x75: {  	_ =	shalt  }
0x76: {  	_ =	shalt  }
0x77: {  	_ =	shalt  }
0x78: {  	_ =	shalt  }
0x79: {  	_ =	shalt  }
0x7a: {  	_ =	shalt  }
0x7b: {  	_ =	shalt  }
0x7c: {  	_ =	shalt  }
0x7d: {  	_ =	shalt  }
0x7e: {  	_ =	shalt  }
0x7f: {  	_ =	shalt  }
0x80: {  	_ =	shalt  }
0x81: {  	_ =	shalt  }
0x82: {  	_ =	shalt  }
0x83: {  	_ =	shalt  }
0x84: {  	_ =	shalt  }
0x85: {  	_ =	shalt  }
0x86: {  	_ =	shalt  }
0x87: {  	_ =	shalt  }
.Lfunc_end0:
.L_simem_size_0:
called_computation_lowered:
.L_overlay_start_0:
0x88: {  	s2 =	sld [smem:$0x3FD9]  }
0x89: {  	s3 =	sld [smem:$0x3FFE];
	_ =	sdelay $0x1  }
0x8a: {  	s1 =	srdreg.scid  }
0x8b: {  	s0 =	sand.u32 $0x1, s1  }
0x8c: {  	s17 =	sshll.u32 s0, $0xA;
	s2 =	sadd.s32 s3, s2  }
0x8d: {  	s2 =	sadd.s32 s2, s17  }
0x8e: {  	[smem:$0x3FC0] =	sst s2  }
0x8f: {  	_ = 	snop  }
0x90: {  	s2 =	sld [smem:$0x3FC9];
	(tm) =	ssettm $0x1  }
0x91: {  	s18 =	sld [smem:$0x3FFB];
	_ =	sdelay $0x3  }
0x92: {  	_ =	strace s18  }
0x93: {  	s3 =	sld [smem:$0x3FFC];
	_ =	sdelay $0x3  }
0x94: {  	_ =	strace s3  }
0x95: {  	s3 =	sld [smem:$0x3FFD];
	_ =	sdelay $0x3  }
0x96: {  	_ =	strace s3  }
0x97: {  	_ =	strace $0x8FFFFFFF  }
0x98: {  	s19 =	sld [smem:$0x3FDB];
	_ =	sdelay $0x1  }
0x99: {  	s4 =	simm.s32 $_scs_section_size  }
0x9a: {  	s5 =	simm.s32 $_size__tile_overlayer_lowered;
	s6 =	simm.s32 $_tile_overlayer_lowered  }
0x9b: {  	s22 =	simm.s32 $0x1BFF;
	s21 =	sshll.u32 s6, $0x1;
	s3 =	sadd.s32 s4, s19  }
0x9c: {  	s7 =	simm.s32 $0x0;
	s20 =	sshll.u32 s5, $0x1;
	s5 =	sadd.s32 s21, s3  }
0x9d: {  	[timem:s7], [sflag:s22] =	dma.local [hbm:s5], s20  }
0x9e: {  	_ =	swait.ge [sflag:s22], s20  }
0x9f: {  	s4 =	ssub.s32 $0x0, s20;
	[sflag:s22] =	ssyncset.done $0x0  }
0xa0: {  	[sflag:s22] =	ssyncadd.s32 s4;
	_ =	sdelay $0x1  }
0xa1: {  	s23 =	simm.s32 $0x1B8B  }
0xa2: {  	_ =	swait.ge [sflag:s23], $0x1  }
0xa3: {  	[sflag:s23] =	ssyncset.done $0x0  }
0xa4: {  	s25 =	simm.s32 $0x1B8E;
	s24 =	sld [smem:$0x3FFE];
	[sflag:s23] =	ssyncadd.s32 $0xFFFFFFFF  }
0xa5: {  	s26 =	simm.s32 $execute0_lowered;
	[smem:$0x3FD2] =	sst s25  }
0xa6: {  	s5 =	sshll.u32 s26, $0x1;
	_ =	strace $0x80000046;
	[dreg:$0x1] =	wrdreg $0xFFFFFFFF  }
0xa7: {  	s28 =	simm.s32 $_size_execute0_lowered;
	s3 =	sadd.s32 s3, s5;
	[dreg:$0x0] =	wrdreg $0x0  }
0xa8: {  	s5 =	sshll.u32 s28, $0x1;
	[dreg:$0x2] =	wrdreg s3  }
0xa9: {  	[dreg:$0x3] =	wrdreg s5  }
0xaa: {  	[dreg:$0x4] =	wrdreg $0xC0  }
0xab: {  	_ =	task [dreg:s7], $0x5FFFF  }
0xac: {  	[dreg:$0x1] =	wrdreg $0xFFFFFFFF  }
0xad: {  	[dreg:$0x0] =	wrdreg $0x60  }
0xae: {  	[dreg:$0x2] =	wrdreg s24  }
0xaf: {  	[dreg:$0x3] =	wrdreg s2  }
0xb0: {  	[dreg:$0x4] =	wrdreg $0x9  }
0xb1: {  	_ =	task.clear_ibuf [dreg:s7], $0x5FFFF;
	_ =	strace $0x90000046  }
0xb2: {  	s29 =	simm.s32 $0x9;
	_ =	strace $0x80000048  }
0xb3: {  	_ =	swait.ge [sflag:s29], $0x1  }
0xb4: {  	[sflag:s29] =	ssyncadd.s32 $0xFFFFFFFF  }
0xb5: {  	_ =	strace $0x90000048  }
0xb6: {  	_ =	sfence  }
0xb7: {  	s30 =	sld [smem:$0x0];
	_ =	sdelay $0x2  }
0xb8: {  	s31 =	sshll.u32 s1, $0xD;
	s1 =	sshrl.u32 s1, $0x2  }
0xb9: {  	s3 =	sand.u32 $0x4000, s31;
	s1 =	sadd.s32 s1, s30  }
0xba: {  	s0 =	sor.u32 s3, s0;
	s1 =	sshll.u32 s1, $0x11  }
0xbb: {  	s0 =	sor.u32 s1, s0  }
0xbc: {  	s0 =	sadd.s32 $0x8F2B, s0  }
0xbd: {  	[sflag:s0] =	ssyncadd.remote.s32 $0x1  }
0xbe: {  	_ =	sfence.sel $0xFFFF  }
0xbf: {  	[dreg:$0x0] =	wrdreg $0xFFFFFFFF;
	(pc) =	sbr.abs _section_cstart, $3  }
0xc0: {  	[dreg:$0x1] =	wrdreg $0xFFFFFFFF  }
0xc1: {  	_ =	task.clear_ibuf [dreg:s7], $0x2FFFF;
	_ =	strace $0x9FFFFFFF  }
0xc2: {  	(tm) =	ssettm $0x7FFFFFFF  }
0xc3: {  	_ =	shalt  }
tec
execute0_lowered:
.L_overlay_start_1:
0x0: {  	(tag) =	ssettag $0x1  }
0x1: {  	s1 =	srdreg.scid;
	s5 =	rddreg [dreg:$0x0]  }
0x2: {  	s0 =	stileid.u32;
	s3 =	rddreg [dreg:$0x1];
	s2 =	simm.s32 $0x0  }
0x3: {  	s8 =	simm.s32 $0x1;
	s26 =	simm.s32 $0x880;
	s9 =	simm.s32 $0x2  }
0x4: {  	s11 =	simm.s32 $0x1880;
	s12 =	simm.s32 $0x2080;
	s13 =	simm.s32 $0x2880  }
0x5: {  	s14 =	simm.s32 $0x3080;
	s15 =	simm.s32 $0x3880;
	s16 =	simm.s32 $0x4080  }
0x6: {  	s17 =	simm.s32 $0x4880;
	s18 =	simm.s32 $0x5080;
	s19 =	simm.s32 $0x5880  }
0x7: {  	s20 =	simm.s32 $0x6080;
	s21 =	simm.s32 $0x6880;
	s22 =	simm.s32 $0x7080  }
0x8: {  	s23 =	simm.s32 $0x7880;
	s24 =	simm.s32 $0x8080;
	s25 =	simm.s32 $0x8880  }
0x9: {  	s28 =	simm.s32 $0x9880;
	s29 =	simm.s32 $0xA080;
	s30 =	simm.s32 $0xA880  }
0xa: {  	s31 =	simm.s32 $0xB080;
	s1 =	sand.u32 $0x1, s1;
	[smem:$0x7FF] =	sst s2  }
0xb: {  	s4 =	sshll.u32 s0, $0x4;
	s6 =	sshll.u32 s1, $0x3;
	_ =	strace $0x80000047  }
0xc: {  	s1 =	ssub.s32 $0x2, s1;
	[dreg:$0x5] =	wrdreg s26;
	s4 =	sor.u32 s6, s4  }
0xd: {  	s7 =	sshrl.u32 s1, $0x1;
	s6 =	sadd.s32 s4, s5;
	s4 =	smul.u32 $0x300, s4  }
0xe: {  	s26 =	simm.s32 $0x9080;
	s1 =	ssub.s32 s1, s7;
	s6 =	sadd.s32 $0x2C00, s6  }
0xf: {  	v2 =	vlaneseq.u32;
	s7 =	simm.s32 $0x80;
	[dreg:$0x3] =	wrdreg s6;
	s4 =	sadd.s32 s3, s4  }
0x10: {  	vm0 =	vmmov $0xffff;
	v1 =	vshrl.u32 v2, $0x3;
	s3 =	sadd.s32 $0x2E00, s5;
	s6 =	smax.u32 s1, $0x1;
	s1 =	simm.s32 $0xB880  }
0x11: {  	v0 =	vand.u32 $0x7, v2;
	v2 =	vor.u32 $0x8, v2;
	v1 =	vmul.u32 $0x8, v1;
	[dreg:$0x4] =	wrdreg s4;
	s4 =	sadd.s32 $0x2F00, s5;
	s5 =	sadd.s32 $0x3000, s5  }
.LBB2_1:
0x12: {  	s0 =	rddreg [dreg:$0x3]  }
0x13: {  	[tilespmem:s2], [sflag:$0x1] =	stream.linear.gather [hbm4b:s0+s2], $0x40, $0x38;
	[tilespmem:$0xC080] =	vst v63  }
0x14: {  	s10 =	rddreg [dreg:$0x4]  }
0x15: {  	[tilespmem:s7], [sflag:$0x2] =	stream.linear.gather [hbm4b:s10+s2], $0xC000, $0x38;
	[tilespmem:$0xC080] =	vst v63  }
0x16: {  	_ =	swait.ge [sflag:s8], $0x40  }
0x17: {  	[sflag:s8] =	ssyncset.done $0x0  }
0x18: {  	[sflag:s8] =	ssyncadd.s32 $0xFFFFFFC0  }
0x19: {  	_ =	swait.ge [sflag:s9], $0xC000  }
0x1a: {  	[sflag:s9] =	ssyncset.done $0x0  }
0x1b: {  	[sflag:s9] =	ssyncadd.s32 $0xFFFF4000  }
0x1c: {  	v3 =	vld [tilespmem:$0x0];
	_ =	sdelay $0x4  }
0x1d: {  	v4 =	vshrl.u32 v3, $0x3  }
0x1e: {  	v4 =	vmul.u32 $0x30, v4  }
0x1f: {  	v3 =	vand.u32 $0x7, v3  }
0x20: {  	v3 =	vor.u32 v3, v4  }
0x21: {  	v4 =	vperm.xlane v3, v0;
	_ =	sdelay $0x1  }
0x22: {  	v4 =	vadd.s32 v1, v4;
	_ =	sdelay $0x3  }
0x23: {  	v3 =	vperm.xlane v3, v2  }
0x24: {  	[hbm4b:s3+s2] =	stream.indirect_vreg.scatter [tilespmem:s7], [sflag:$0x1], $0x80, v4, vm0, $0xb8;
	[tilespmem:$0xC080] =	vst v63  }
0x25: {  	s10 =	rddreg [dreg:$0x5];
	v3 =	vadd.s32 v1, v3  }
0x26: {  	[hbm4b:s4+s2] =	stream.indirect_vreg.scatter [tilespmem:s10], [sflag:$0x1], $0x80, v4, vm0, $0xb8;
	[tilespmem:$0xC080] =	vst v63  }
0x27: {  	s10 =	simm.s32 $0x1080  }
0x28: {  	[hbm4b:s5+s2] =	stream.indirect_vreg.scatter [tilespmem:s10], [sflag:$0x1], $0x80, v4, vm0, $0xb8;
	[tilespmem:$0xC080] =	vst v63  }
0x29: {  	_ = 	snop  }
0x2a: {  	[hbm4b:s3+s2] =	stream.indirect_vreg.scatter [tilespmem:s11], [sflag:$0x1], $0x80, v3, vm0, $0xb8;
	[tilespmem:$0xC080] =	vst v63  }
0x2b: {  	_ = 	snop  }
0x2c: {  	[hbm4b:s4+s2] =	stream.indirect_vreg.scatter [tilespmem:s12], [sflag:$0x1], $0x80, v3, vm0, $0xb8;
	[tilespmem:$0xC080] =	vst v63  }
0x2d: {  	_ = 	snop  }
0x2e: {  	[hbm4b:s5+s2] =	stream.indirect_vreg.scatter [tilespmem:s13], [sflag:$0x1], $0x80, v3, vm0, $0xb8;
	[tilespmem:$0xC080] =	vst v63  }
0x2f: {  	v3 =	vld [tilespmem:$0x10];
	_ =	sdelay $0x4  }
0x30: {  	v61 =	vshrl.u32 v3, $0x3  }
0x31: {  	v4 =	vmul.u32 $0x30, v61  }
0x32: {  	v3 =	vand.u32 $0x7, v3  }
0x33: {  	v3 =	vor.u32 v3, v4  }
0x34: {  	v4 =	vperm.xlane v3, v0;
	_ =	sdelay $0x1  }
0x35: {  	v4 =	vadd.s32 v1, v4;
	_ =	sdelay $0x3  }
0x36: {  	v3 =	vperm.xlane v3, v2  }
0x37: {  	[hbm4b:s3+s2] =	stream.indirect_vreg.scatter [tilespmem:s14], [sflag:$0x1], $0x80, v4, vm0, $0xb8;
	[tilespmem:$0xC080] =	vst v63  }
0x38: {  	v3 =	vadd.s32 v1, v3  }
0x39: {  	[hbm4b:s4+s2] =	stream.indirect_vreg.scatter [tilespmem:s15], [sflag:$0x1], $0x80, v4, vm0, $0xb8;
	[tilespmem:$0xC080] =	vst v63  }
0x3a: {  	_ = 	snop  }
0x3b: {  	[hbm4b:s5+s2] =	stream.indirect_vreg.scatter [tilespmem:s16], [sflag:$0x1], $0x80, v4, vm0, $0xb8;
	[tilespmem:$0xC080] =	vst v63  }
0x3c: {  	_ = 	snop  }
0x3d: {  	[hbm4b:s3+s2] =	stream.indirect_vreg.scatter [tilespmem:s17], [sflag:$0x1], $0x80, v3, vm0, $0xb8;
	[tilespmem:$0xC080] =	vst v63  }
0x3e: {  	_ = 	snop  }
0x3f: {  	[hbm4b:s4+s2] =	stream.indirect_vreg.scatter [tilespmem:s18], [sflag:$0x1], $0x80, v3, vm0, $0xb8;
	[tilespmem:$0xC080] =	vst v63  }
0x40: {  	_ = 	snop  }
0x41: {  	[hbm4b:s5+s2] =	stream.indirect_vreg.scatter [tilespmem:s19], [sflag:$0x1], $0x80, v3, vm0, $0xb8;
	[tilespmem:$0xC080] =	vst v63  }
0x42: {  	v3 =	vld [tilespmem:$0x20];
	_ =	sdelay $0x4  }
0x43: {  	v62 =	vshrl.u32 v3, $0x3  }
0x44: {  	v4 =	vmul.u32 $0x30, v62  }
0x45: {  	v3 =	vand.u32 $0x7, v3  }
0x46: {  	v3 =	vor.u32 v3, v4  }
0x47: {  	v4 =	vperm.xlane v3, v0;
	_ =	sdelay $0x1  }
0x48: {  	v4 =	vadd.s32 v1, v4;
	_ =	sdelay $0x3  }
0x49: {  	v3 =	vperm.xlane v3, v2  }
0x4a: {  	[hbm4b:s3+s2] =	stream.indirect_vreg.scatter [tilespmem:s20], [sflag:$0x1], $0x80, v4, vm0, $0xb8;
	[tilespmem:$0xC080] =	vst v63  }
0x4b: {  	v3 =	vadd.s32 v1, v3  }
0x4c: {  	[hbm4b:s4+s2] =	stream.indirect_vreg.scatter [tilespmem:s21], [sflag:$0x1], $0x80, v4, vm0, $0xb8;
	[tilespmem:$0xC080] =	vst v63  }
0x4d: {  	_ = 	snop  }
0x4e: {  	[hbm4b:s5+s2] =	stream.indirect_vreg.scatter [tilespmem:s22], [sflag:$0x1], $0x80, v4, vm0, $0xb8;
	[tilespmem:$0xC080] =	vst v63  }
0x4f: {  	_ = 	snop  }
0x50: {  	[hbm4b:s3+s2] =	stream.indirect_vreg.scatter [tilespmem:s23], [sflag:$0x1], $0x80, v3, vm0, $0xb8;
	[tilespmem:$0xC080] =	vst v63  }
0x51: {  	_ = 	snop  }
0x52: {  	[hbm4b:s4+s2] =	stream.indirect_vreg.scatter [tilespmem:s24], [sflag:$0x1], $0x80, v3, vm0, $0xb8;
	[tilespmem:$0xC080] =	vst v63  }
0x53: {  	_ = 	snop  }
0x54: {  	[hbm4b:s5+s2] =	stream.indirect_vreg.scatter [tilespmem:s25], [sflag:$0x1], $0x80, v3, vm0, $0xb8;
	[tilespmem:$0xC080] =	vst v63  }
0x55: {  	v3 =	vld [tilespmem:$0x30];
	_ =	sdelay $0x4  }
0x56: {  	v63 =	vshrl.u32 v3, $0x3  }
0x57: {  	v4 =	vmul.u32 $0x30, v63  }
0x58: {  	v3 =	vand.u32 $0x7, v3  }
0x59: {  	v3 =	vor.u32 v3, v4  }
0x5a: {  	v4 =	vperm.xlane v3, v0;
	_ =	sdelay $0x1  }
0x5b: {  	v4 =	vadd.s32 v1, v4;
	_ =	sdelay $0x3  }
0x5c: {  	v3 =	vperm.xlane v3, v2  }
0x5d: {  	[hbm4b:s3+s2] =	stream.indirect_vreg.scatter [tilespmem:s26], [sflag:$0x1], $0x80, v4, vm0, $0xb8;
	[tilespmem:$0xC080] =	vst v63  }
0x5e: {  	v3 =	vadd.s32 v1, v3  }
0x5f: {  	[hbm4b:s4+s2] =	stream.indirect_vreg.scatter [tilespmem:s28], [sflag:$0x1], $0x80, v4, vm0, $0xb8;
	[tilespmem:$0xC080] =	vst v63  }
0x60: {  	_ = 	snop  }
0x61: {  	[hbm4b:s5+s2] =	stream.indirect_vreg.scatter [tilespmem:s29], [sflag:$0x1], $0x80, v4, vm0, $0xb8;
	[tilespmem:$0xC080] =	vst v63  }
0x62: {  	_ = 	snop  }
0x63: {  	[hbm4b:s3+s2] =	stream.indirect_vreg.scatter [tilespmem:s30], [sflag:$0x1], $0x80, v3, vm0, $0xb8;
	[tilespmem:$0xC080] =	vst v63  }
0x64: {  	p0 =	sne.s32 s6, $0x1  }
0x65: {  	[hbm4b:s4+s2] =	stream.indirect_vreg.scatter [tilespmem:s31], [sflag:$0x1], $0x80, v3, vm0, $0xb8;
	[tilespmem:$0xC080] =	vst v63  }
.Ltmp0:
0x66: {  	_ = 	snop;
	(pc) =	sbr.rel @p0 .LBB2_1-.Ltmp0, $4  }
0x67: {  	[hbm4b:s5+s2] =	stream.indirect_vreg.scatter [tilespmem:s1], [sflag:$0x1], $0x80, v3, vm0, $0xb8;
	[tilespmem:$0xC080] =	vst v63  }
0x68: {  	_ =	swait.ge [sflag:s8], $0xC000  }
0x69: {  	[sflag:s8] =	ssyncset.done $0x0  }
0x6a: {  	s6 =	sadd.s32 $0xFFFFFFFF, s6;
	[sflag:s8] =	ssyncadd.s32 $0xFFFF4000  }
0x6b: {  	_ =	sfence.sel $0x180000  }
0x6c: {  	[bflag:$0x0] =	sbarrier.arrive $0xFFFF  }
0x6d: {  	_ =	strace $0x90000047  }
0x6e: {  	s0 =	stileid.u32;
	[bflag:$0x2] =	sbarrier.arrive $0xFFFF  }
0x6f: {  	p0 =	sne.s32 s0, $0x0;
	s0 =	rddreg [dreg:$0x2]  }
0x70: {  	s0 =	sadd.s32 @!p0 $0x100000, s0  }
0x71: {  	[sflag:s0] =	ssyncadd.tile.s32 @!p0 $0x1;
	_ =	shalt  }
.Lfunc_end2:
_tile_overlayer_lowered:
.L_overlay_start_2:
0x72: {  	(tag) =	ssettag $0x2  }
0x73: {  	s0 =	rddreg [dreg:$0x0];
	s2 =	stileid.u32  }
0x74: {  	s1 =	rddreg [dreg:$0x1];
	p0 =	sne.s32 s2, $0x0  }
0x75: {  	s3 =	rddreg [dreg:$0x2];
	[bflag:$0x3] =	sbarrier.arrive $0xFFFF;
	s2 =	simm.s32 @!p0 $0x1C03  }
0x76: {  	[timem:s3], [sflag:s2] =	dma.local @!p0 [hbm:s0], s1  }
0x77: {  	s0 =	simm.s32 @!p0 $0x3  }
0x78: {  	_ =	swait.ge @!p0 [sflag:s0], s1  }
0x79: {  	s1 =	ssub.s32 @!p0 $0x0, s1;
	[sflag:s0] =	ssyncset.done @!p0 $0x0  }
0x7a: {  	[sflag:s0] =	ssyncadd.s32 @!p0 s1  }
0x7b: {  	[bflag:$0x3] =	sbarrier.arrive $0xFFFF  }
0x7c: {  	_ =	shalt  }

// kernel: kernel.9.cloned.1.call-start
scs
__scs_entry_jumppad:
0x0: {  	(pc) =	sbr.rel $0x88, $3  }
0x1: {  	(tag) =	ssettag $0x0;
	lr =	simm.s32 $0x1  }
0x2: {  	[smem:$0x3F99] =	sst lr;
	_ =	strace $0xD0000000  }
0x3: {  	_ = 	snop  }
0x4: {  	_ = 	snop  }
0x5: {  	_ = 	snop  }
0x6: {  	_ = 	snop  }
0x7: {  	_ = 	snop  }
__scs_overlays_trampoline_lowered:
0x8: {  	[smem:$0x3FA8] =	sst s0  }
0x9: {  	[smem:$0x3FA9] =	sst s1  }
0xa: {  	[smem:$0x3FAA] =	sst s2  }
0xb: {  	[smem:$0x3FAB] =	sst s3  }
0xc: {  	[smem:$0x3FAC] =	sst s4  }
0xd: {  	[smem:$0x3FAD] =	sst s5  }
0xe: {  	[smem:$0x3FAE] =	sst s6  }
0xf: {  	[smem:$0x3FAF] =	sst s7  }
0x10: {  	[smem:$0x3FB0] =	sst s8  }
0x11: {  	[smem:$0x3FB1] =	sst s9;
	s0 =	simm.s32 @!p0 $0x0  }
0x12: {  	s1 =	sld [smem:$0x3F97];
	s0 =	simm.s32 @p0 $0x1  }
0x13: {  	[smem:$0x3FB2] =	sst s0;
	s0 =	simm.s32 @!p1 $0x0  }
0x14: {  	s2 =	sld [smem:$0x3F96];
	s0 =	simm.s32 @p1 $0x1  }
0x15: {  	[smem:$0x3FB3] =	sst s0;
	s0 =	simm.s32 @!p2 $0x0  }
0x16: {  	s3 =	sld [smem:$0x3FDB];
	s0 =	simm.s32 @p2 $0x1  }
0x17: {  	s4 =	simm.s32 $0x1BF5;
	[smem:$0x3FB5] =	sst s0  }
0x18: {  	s0 =	sld [smem:$0x3F98];
	_ =	swait.ge [sflag:s4], $0x0  }
0x19: {  	s7 =	sld [smem:$0x3F99]  }
0x1a: {  	s8 =	sadd.s32 $0xFFFFE003, lr  }
0x1b: {  	s9 =	sadd.s32 $0xFFFFFEF7, lr;
	s5 =	simm.s32 $0xFFFFFFFF;
	p2 =	slt.u32 s8, $0xFFFFF086  }
0x1c: {  	p1 =	slt.u32 s9, $0xF7A;
	s5 =	simm.s32 @!p2 $0x0  }
0x1d: {  	s5 =	simm.s32 @p1 $0x1;
	p0 =	seq.s32 s7, s2  }
0x1e: {  	s7 =	smul.u32 @!p0 $0xF7A, s2;
	p2 =	seq.s32 @!p0 s5, $0x0  }
0x1f: {  	s9 =	smul.u32 $0xF7A, s1;
	s8 =	simm.s32 @!p0 $0x1BF5;
	p2 =	por !p2, p0  }
0x20: {  	[sflag:s8] =	ssyncset.s32 @!p0 $0xFFFFF086;
	s6 =	sadd.s32 @!p0 s3, s7;
	s7 =	simm.s32 @!p0 $0x108  }
0x21: {  	s3 =	sadd.s32 s3, s9;
	s6 =	sadd.s32 @!p0 $0x88, s6;
	s7 =	simm.s32 @p2 $0x1082  }
0x22: {  	[simem:s7], [sflag:s8] =	dma.local @!p0 [hbm:s6], $0xF7A  }
0x23: {  	s9 =	sor.u32 $0xD0000000, s2;
	s6 =	simm.s32 $0x108;
	_ =	swait.ge @!p0 [sflag:s8], $0x0  }
0x24: {  	s3 =	sadd.s32 $0x88, s3;
	s6 =	simm.s32 @!p1 $0x1082;
	[sflag:s4] =	ssyncset.s32 $0xFFFFF086  }
0x25: {  	[simem:s6], [sflag:s4] =	dma.local [hbm:s3], $0xF7A  }
0x26: {  	[smem:$0x3F99] =	sst s1;
	(tag) =	ssettag s2;
	_ =	strace s9  }
0x27: {  	s1 =	sld [smem:$0x3FA9]  }
0x28: {  	s2 =	sld [smem:$0x3FAA]  }
0x29: {  	s4 =	sld [smem:$0x3FAC]  }
0x2a: {  	p0 =	seq.s32 s5, $0x0;
	s5 =	sld [smem:$0x3FAD]  }
0x2b: {  	s6 =	sld [smem:$0x3FAE]  }
0x2c: {  	s7 =	sld [smem:$0x3FAF]  }
0x2d: {  	s3 =	simm.s32 $0x108;
	s8 =	sld [smem:$0x3FB0]  }
0x2e: {  	s3 =	simm.s32 @!p0 $0x1082;
	s9 =	sld [smem:$0x3FB1]  }
0x2f: {  	lr =	sadd.s32 s0, s3;
	s0 =	sld [smem:$0x3FA8]  }
0x30: {  	s3 =	sld [smem:$0x3FAB]  }
0x31: {  	[smem:$0x3FB4] =	sst s10  }
0x32: {  	s10 =	sld [smem:$0x3FB2];
	_ =	sdelay $0x3  }
0x33: {  	p0 =	seq.s32 s10, $0x1;
	s10 =	sld [smem:$0x3FB4];
	_ =	sdelay $0x3  }
0x34: {  	[smem:$0x3FB4] =	sst s10  }
0x35: {  	s10 =	sld [smem:$0x3FB3];
	_ =	sdelay $0x3  }
0x36: {  	p1 =	seq.s32 s10, $0x1;
	s10 =	sld [smem:$0x3FB4];
	_ =	sdelay $0x3  }
0x37: {  	[smem:$0x3FB4] =	sst s10  }
0x38: {  	s10 =	sld [smem:$0x3FB5]  }
0x39: {  	_ = 	snop;
	(pc) =	sbr.ind lr, $3  }
0x3a: {  	_ = 	snop  }
0x3b: {  	_ = 	snop  }
0x3c: {  	p2 =	seq.s32 s10, $0x1;
	s10 =	sld [smem:$0x3FB4]  }
0x3d: {  	_ =	shalt  }
0x3e: {  	_ =	shalt  }
0x3f: {  	_ =	shalt  }
0x40: {  	_ =	shalt  }
0x41: {  	_ =	shalt  }
0x42: {  	_ =	shalt  }
0x43: {  	_ =	shalt  }
0x44: {  	_ =	shalt  }
0x45: {  	_ =	shalt  }
0x46: {  	_ =	shalt  }
0x47: {  	_ =	shalt  }
0x48: {  	_ =	shalt  }
0x49: {  	_ =	shalt  }
0x4a: {  	_ =	shalt  }
0x4b: {  	_ =	shalt  }
0x4c: {  	_ =	shalt  }
0x4d: {  	_ =	shalt  }
0x4e: {  	_ =	shalt  }
0x4f: {  	_ =	shalt  }
0x50: {  	_ =	shalt  }
0x51: {  	_ =	shalt  }
0x52: {  	_ =	shalt  }
0x53: {  	_ =	shalt  }
0x54: {  	_ =	shalt  }
0x55: {  	_ =	shalt  }
0x56: {  	_ =	shalt  }
0x57: {  	_ =	shalt  }
0x58: {  	_ =	shalt  }
0x59: {  	_ =	shalt  }
0x5a: {  	_ =	shalt  }
0x5b: {  	_ =	shalt  }
0x5c: {  	_ =	shalt  }
0x5d: {  	_ =	shalt  }
0x5e: {  	_ =	shalt  }
0x5f: {  	_ =	shalt  }
0x60: {  	_ =	shalt  }
0x61: {  	_ =	shalt  }
0x62: {  	_ =	shalt  }
0x63: {  	_ =	shalt  }
0x64: {  	_ =	shalt  }
0x65: {  	_ =	shalt  }
0x66: {  	_ =	shalt  }
0x67: {  	_ =	shalt  }
0x68: {  	_ =	shalt  }
0x69: {  	_ =	shalt  }
0x6a: {  	_ =	shalt  }
0x6b: {  	_ =	shalt  }
0x6c: {  	_ =	shalt  }
0x6d: {  	_ =	shalt  }
0x6e: {  	_ =	shalt  }
0x6f: {  	_ =	shalt  }
0x70: {  	_ =	shalt  }
0x71: {  	_ =	shalt  }
0x72: {  	_ =	shalt  }
0x73: {  	_ =	shalt  }
0x74: {  	_ =	shalt  }
0x75: {  	_ =	shalt  }
0x76: {  	_ =	shalt  }
0x77: {  	_ =	shalt  }
0x78: {  	_ =	shalt  }
0x79: {  	_ =	shalt  }
0x7a: {  	_ =	shalt  }
0x7b: {  	_ =	shalt  }
0x7c: {  	_ =	shalt  }
0x7d: {  	_ =	shalt  }
0x7e: {  	_ =	shalt  }
0x7f: {  	_ =	shalt  }
0x80: {  	_ =	shalt  }
0x81: {  	_ =	shalt  }
0x82: {  	_ =	shalt  }
0x83: {  	_ =	shalt  }
0x84: {  	_ =	shalt  }
0x85: {  	_ =	shalt  }
0x86: {  	_ =	shalt  }
0x87: {  	_ =	shalt  }
.Lfunc_end0:
.L_simem_size_0:
called_computation.1_lowered:
.L_overlay_start_0:
0x88: {  	s2 =	sld [smem:$0x3FD9]  }
0x89: {  	s3 =	sld [smem:$0x3FFE];
	_ =	sdelay $0x1  }
0x8a: {  	s1 =	srdreg.scid  }
0x8b: {  	s0 =	sand.u32 $0x1, s1  }
0x8c: {  	s17 =	sshll.u32 s0, $0xA;
	s2 =	sadd.s32 s3, s2  }
0x8d: {  	s2 =	sadd.s32 s2, s17  }
0x8e: {  	[smem:$0x3FC0] =	sst s2  }
0x8f: {  	_ = 	snop  }
0x90: {  	s2 =	sld [smem:$0x3FD0];
	(tm) =	ssettm $0x1  }
0x91: {  	s18 =	sld [smem:$0x3FFB];
	_ =	sdelay $0x3  }
0x92: {  	_ =	strace s18  }
0x93: {  	s3 =	sld [smem:$0x3FFC];
	_ =	sdelay $0x3  }
0x94: {  	_ =	strace s3  }
0x95: {  	s3 =	sld [smem:$0x3FFD];
	_ =	sdelay $0x3  }
0x96: {  	_ =	strace s3  }
0x97: {  	_ =	strace $0x8FFFFFFF  }
0x98: {  	s19 =	sld [smem:$0x3FDB];
	_ =	sdelay $0x1  }
0x99: {  	s4 =	simm.s32 $_scs_section_size  }
0x9a: {  	s5 =	simm.s32 $_size__tile_overlayer_lowered;
	s6 =	simm.s32 $_tile_overlayer_lowered  }
0x9b: {  	s22 =	simm.s32 $0x1BFF;
	s21 =	sshll.u32 s6, $0x1;
	s3 =	sadd.s32 s4, s19  }
0x9c: {  	s7 =	simm.s32 $0x0;
	s20 =	sshll.u32 s5, $0x1;
	s5 =	sadd.s32 s21, s3  }
0x9d: {  	[timem:s7], [sflag:s22] =	dma.local [hbm:s5], s20  }
0x9e: {  	_ =	swait.ge [sflag:s22], s20  }
0x9f: {  	s4 =	ssub.s32 $0x0, s20;
	[sflag:s22] =	ssyncset.done $0x0  }
0xa0: {  	[sflag:s22] =	ssyncadd.s32 s4;
	_ =	sdelay $0x1  }
0xa1: {  	s23 =	simm.s32 $0x1B8B  }
0xa2: {  	_ =	swait.ge [sflag:s23], $0x1  }
0xa3: {  	[sflag:s23] =	ssyncset.done $0x0  }
0xa4: {  	s25 =	simm.s32 $0x1B8E;
	s24 =	sld [smem:$0x3FFE];
	[sflag:s23] =	ssyncadd.s32 $0xFFFFFFFF  }
0xa5: {  	s26 =	simm.s32 $execute0_lowered;
	[smem:$0x3FD2] =	sst s25  }
0xa6: {  	s5 =	sshll.u32 s26, $0x1;
	_ =	strace $0x80000049;
	[dreg:$0x1] =	wrdreg $0xFFFFFFFF  }
0xa7: {  	s28 =	simm.s32 $_size_execute0_lowered;
	s3 =	sadd.s32 s3, s5;
	[dreg:$0x0] =	wrdreg $0x0  }
0xa8: {  	s5 =	sshll.u32 s28, $0x1;
	[dreg:$0x2] =	wrdreg s3  }
0xa9: {  	[dreg:$0x3] =	wrdreg s5  }
0xaa: {  	[dreg:$0x4] =	wrdreg $0xC0  }
0xab: {  	_ =	task [dreg:s7], $0x5FFFF  }
0xac: {  	[dreg:$0x1] =	wrdreg $0xFFFFFFFF  }
0xad: {  	[dreg:$0x0] =	wrdreg $0x60  }
0xae: {  	[dreg:$0x2] =	wrdreg s24  }
0xaf: {  	[dreg:$0x3] =	wrdreg s2  }
0xb0: {  	[dreg:$0x4] =	wrdreg $0x9  }
0xb1: {  	_ =	task.clear_ibuf [dreg:s7], $0x5FFFF;
	_ =	strace $0x90000049  }
0xb2: {  	s29 =	simm.s32 $0x9;
	_ =	strace $0x8000004B  }
0xb3: {  	_ =	swait.ge [sflag:s29], $0x1  }
0xb4: {  	[sflag:s29] =	ssyncadd.s32 $0xFFFFFFFF  }
0xb5: {  	_ =	strace $0x9000004B  }
0xb6: {  	_ =	sfence  }
0xb7: {  	s30 =	sld [smem:$0x0];
	_ =	sdelay $0x2  }
0xb8: {  	s31 =	sshll.u32 s1, $0xD;
	s1 =	sshrl.u32 s1, $0x2  }
0xb9: {  	s3 =	sand.u32 $0x4000, s31;
	s1 =	sadd.s32 s1, s30  }
0xba: {  	s0 =	sor.u32 s3, s0;
	s1 =	sshll.u32 s1, $0x11  }
0xbb: {  	s0 =	sor.u32 s1, s0  }
0xbc: {  	s0 =	sadd.s32 $0x8F2B, s0  }
0xbd: {  	[sflag:s0] =	ssyncadd.remote.s32 $0x1  }
0xbe: {  	_ =	sfence.sel $0xFFFF  }
0xbf: {  	[dreg:$0x0] =	wrdreg $0xFFFFFFFF;
	(pc) =	sbr.abs _section_cstart, $3  }
0xc0: {  	[dreg:$0x1] =	wrdreg $0xFFFFFFFF  }
0xc1: {  	_ =	task.clear_ibuf [dreg:s7], $0x2FFFF;
	_ =	strace $0x9FFFFFFF  }
0xc2: {  	(tm) =	ssettm $0x7FFFFFFF  }
0xc3: {  	_ =	shalt  }
tec
execute0_lowered:
.L_overlay_start_1:
0x0: {  	(tag) =	ssettag $0x1  }
0x1: {  	s0 =	rddreg [dreg:$0x0]  }
0x2: {  	s5 =	rddreg [dreg:$0x1];
	s3 =	srdreg.scid  }
0x3: {  	s2 =	simm.s32 $0x0;
	s1 =	stileid.u32;
	s26 =	simm.s32 $0x880  }
0x4: {  	s10 =	simm.s32 $0x1880;
	s11 =	simm.s32 $0x2080;
	s12 =	simm.s32 $0x2880  }
0x5: {  	s13 =	simm.s32 $0x3080;
	s14 =	simm.s32 $0x3880;
	s15 =	simm.s32 $0x4080  }
0x6: {  	s16 =	simm.s32 $0x4880;
	s17 =	simm.s32 $0x5080;
	s18 =	simm.s32 $0x5880  }
0x7: {  	s19 =	simm.s32 $0x6080;
	s20 =	simm.s32 $0x6880;
	s21 =	simm.s32 $0x7080  }
0x8: {  	s22 =	simm.s32 $0x7880;
	s28 =	simm.s32 $0xA080;
	s29 =	simm.s32 $0xA880  }
0x9: {  	s30 =	simm.s32 $0xB080;
	s31 =	simm.s32 $0xB880;
	s3 =	sand.u32 $0x1, s3  }
0xa: {  	[smem:$0x7FF] =	sst s2;
	s4 =	sshll.u32 s1, $0x4;
	s6 =	sshll.u32 s3, $0x3  }
0xb: {  	_ =	strace $0x8000004A;
	s23 =	ssub.s32 $0x2, s3;
	s3 =	sadd.s32 $0x2E00, s0  }
0xc: {  	[dreg:$0x5] =	wrdreg s26;
	s26 =	simm.s32 $0x9880;
	s4 =	sor.u32 s6, s4  }
0xd: {  	s8 =	sshrl.u32 s23, $0x1;
	s7 =	sadd.s32 s4, s0;
	s9 =	smul.u32 $0x300, s4  }
0xe: {  	s6 =	ssub.s32 s23, s8;
	s4 =	sadd.s32 $0x2F00, s0;
	s8 =	simm.s32 $0x80  }
0xf: {  	s23 =	simm.s32 $0x8080;
	s24 =	sadd.s32 $0x2C00, s7;
	s6 =	smax.u32 s6, $0x1  }
0x10: {  	v2 =	vlaneseq.u32;
	s7 =	simm.s32 $0x2;
	[dreg:$0x3] =	wrdreg s24;
	s25 =	sadd.s32 s5, s9  }
0x11: {  	vm0 =	vmmov $0xffff;
	v1 =	vshrl.u32 v2, $0x3;
	s5 =	sadd.s32 $0x3000, s0;
	s9 =	simm.s32 $0x1080;
	s24 =	simm.s32 $0x8880  }
0x12: {  	v0 =	vand.u32 $0x7, v2;
	v2 =	vor.u32 $0x8, v2;
	v1 =	vmul.u32 $0x8, v1;
	s0 =	simm.s32 $0x1;
	[dreg:$0x4] =	wrdreg s25;
	s25 =	simm.s32 $0x9080  }
.LBB2_1:
0x13: {  	s1 =	rddreg [dreg:$0x3]  }
0x14: {  	[tilespmem:s2], [sflag:$0x2] =	stream.linear.gather [hbm4b:s1+s2], $0x40, $0x38;
	[tilespmem:$0xC080] =	vst v63  }
0x15: {  	_ =	swait.ge [sflag:s7], $0x40  }
0x16: {  	[sflag:s7] =	ssyncset.done $0x0  }
0x17: {  	[sflag:s7] =	ssyncadd.s32 $0xFFFFFFC0  }
0x18: {  	v3 =	vld [tilespmem:$0x0];
	_ =	sdelay $0x4  }
0x19: {  	v4 =	vshrl.u32 v3, $0x3  }
0x1a: {  	v4 =	vmul.u32 $0x30, v4  }
0x1b: {  	v3 =	vand.u32 $0x7, v3  }
0x1c: {  	v3 =	vor.u32 v3, v4  }
0x1d: {  	v4 =	vperm.xlane v3, v0;
	_ =	sdelay $0x1  }
0x1e: {  	v4 =	vadd.s32 v1, v4;
	_ =	sdelay $0x3  }
0x1f: {  	v3 =	vperm.xlane v3, v2  }
0x20: {  	[tilespmem:s8], [sflag:$0x1] =	stream.indirect_vreg.gather [hbm4b:s3+s2], $0x80, v4, vm0, $0xb8;
	[tilespmem:$0xC080] =	vst v63  }
0x21: {  	s1 =	rddreg [dreg:$0x5];
	v3 =	vadd.s32 v1, v3  }
0x22: {  	[tilespmem:s1], [sflag:$0x1] =	stream.indirect_vreg.gather [hbm4b:s4+s2], $0x80, v4, vm0, $0xb8;
	[tilespmem:$0xC080] =	vst v63  }
0x23: {  	_ = 	snop  }
0x24: {  	[tilespmem:s9], [sflag:$0x1] =	stream.indirect_vreg.gather [hbm4b:s5+s2], $0x80, v4, vm0, $0xb8;
	[tilespmem:$0xC080] =	vst v63  }
0x25: {  	_ = 	snop  }
0x26: {  	[tilespmem:s10], [sflag:$0x1] =	stream.indirect_vreg.gather [hbm4b:s3+s2], $0x80, v3, vm0, $0xb8;
	[tilespmem:$0xC080] =	vst v63  }
0x27: {  	_ = 	snop  }
0x28: {  	[tilespmem:s11], [sflag:$0x1] =	stream.indirect_vreg.gather [hbm4b:s4+s2], $0x80, v3, vm0, $0xb8;
	[tilespmem:$0xC080] =	vst v63  }
0x29: {  	_ = 	snop  }
0x2a: {  	[tilespmem:s12], [sflag:$0x1] =	stream.indirect_vreg.gather [hbm4b:s5+s2], $0x80, v3, vm0, $0xb8;
	[tilespmem:$0xC080] =	vst v63  }
0x2b: {  	v3 =	vld [tilespmem:$0x10];
	_ =	sdelay $0x4  }
0x2c: {  	v61 =	vshrl.u32 v3, $0x3  }
0x2d: {  	v4 =	vmul.u32 $0x30, v61  }
0x2e: {  	v3 =	vand.u32 $0x7, v3  }
0x2f: {  	v3 =	vor.u32 v3, v4  }
0x30: {  	v4 =	vperm.xlane v3, v0;
	_ =	sdelay $0x1  }
0x31: {  	v4 =	vadd.s32 v1, v4;
	_ =	sdelay $0x3  }
0x32: {  	v3 =	vperm.xlane v3, v2  }
0x33: {  	[tilespmem:s13], [sflag:$0x1] =	stream.indirect_vreg.gather [hbm4b:s3+s2], $0x80, v4, vm0, $0xb8;
	[tilespmem:$0xC080] =	vst v63  }
0x34: {  	v3 =	vadd.s32 v1, v3  }
0x35: {  	[tilespmem:s14], [sflag:$0x1] =	stream.indirect_vreg.gather [hbm4b:s4+s2], $0x80, v4, vm0, $0xb8;
	[tilespmem:$0xC080] =	vst v63  }
0x36: {  	_ = 	snop  }
0x37: {  	[tilespmem:s15], [sflag:$0x1] =	stream.indirect_vreg.gather [hbm4b:s5+s2], $0x80, v4, vm0, $0xb8;
	[tilespmem:$0xC080] =	vst v63  }
0x38: {  	_ = 	snop  }
0x39: {  	[tilespmem:s16], [sflag:$0x1] =	stream.indirect_vreg.gather [hbm4b:s3+s2], $0x80, v3, vm0, $0xb8;
	[tilespmem:$0xC080] =	vst v63  }
0x3a: {  	_ = 	snop  }
0x3b: {  	[tilespmem:s17], [sflag:$0x1] =	stream.indirect_vreg.gather [hbm4b:s4+s2], $0x80, v3, vm0, $0xb8;
	[tilespmem:$0xC080] =	vst v63  }
0x3c: {  	_ = 	snop  }
0x3d: {  	[tilespmem:s18], [sflag:$0x1] =	stream.indirect_vreg.gather [hbm4b:s5+s2], $0x80, v3, vm0, $0xb8;
	[tilespmem:$0xC080] =	vst v63  }
0x3e: {  	v3 =	vld [tilespmem:$0x20];
	_ =	sdelay $0x4  }
0x3f: {  	v62 =	vshrl.u32 v3, $0x3  }
0x40: {  	v4 =	vmul.u32 $0x30, v62  }
0x41: {  	v3 =	vand.u32 $0x7, v3  }
0x42: {  	v3 =	vor.u32 v3, v4  }
0x43: {  	v4 =	vperm.xlane v3, v0;
	_ =	sdelay $0x1  }
0x44: {  	v4 =	vadd.s32 v1, v4;
	_ =	sdelay $0x3  }
0x45: {  	v3 =	vperm.xlane v3, v2  }
0x46: {  	[tilespmem:s19], [sflag:$0x1] =	stream.indirect_vreg.gather [hbm4b:s3+s2], $0x80, v4, vm0, $0xb8;
	[tilespmem:$0xC080] =	vst v63  }
0x47: {  	v3 =	vadd.s32 v1, v3  }
0x48: {  	[tilespmem:s20], [sflag:$0x1] =	stream.indirect_vreg.gather [hbm4b:s4+s2], $0x80, v4, vm0, $0xb8;
	[tilespmem:$0xC080] =	vst v63  }
0x49: {  	_ = 	snop  }
0x4a: {  	[tilespmem:s21], [sflag:$0x1] =	stream.indirect_vreg.gather [hbm4b:s5+s2], $0x80, v4, vm0, $0xb8;
	[tilespmem:$0xC080] =	vst v63  }
0x4b: {  	_ = 	snop  }
0x4c: {  	[tilespmem:s22], [sflag:$0x1] =	stream.indirect_vreg.gather [hbm4b:s3+s2], $0x80, v3, vm0, $0xb8;
	[tilespmem:$0xC080] =	vst v63  }
0x4d: {  	_ = 	snop  }
0x4e: {  	[tilespmem:s23], [sflag:$0x1] =	stream.indirect_vreg.gather [hbm4b:s4+s2], $0x80, v3, vm0, $0xb8;
	[tilespmem:$0xC080] =	vst v63  }
0x4f: {  	_ = 	snop  }
0x50: {  	[tilespmem:s24], [sflag:$0x1] =	stream.indirect_vreg.gather [hbm4b:s5+s2], $0x80, v3, vm0, $0xb8;
	[tilespmem:$0xC080] =	vst v63  }
0x51: {  	v3 =	vld [tilespmem:$0x30];
	_ =	sdelay $0x4  }
0x52: {  	v63 =	vshrl.u32 v3, $0x3  }
0x53: {  	v4 =	vmul.u32 $0x30, v63  }
0x54: {  	v3 =	vand.u32 $0x7, v3  }
0x55: {  	v3 =	vor.u32 v3, v4  }
0x56: {  	v4 =	vperm.xlane v3, v0;
	_ =	sdelay $0x1  }
0x57: {  	v4 =	vadd.s32 v1, v4;
	_ =	sdelay $0x3  }
0x58: {  	v3 =	vperm.xlane v3, v2  }
0x59: {  	[tilespmem:s25], [sflag:$0x1] =	stream.indirect_vreg.gather [hbm4b:s3+s2], $0x80, v4, vm0, $0xb8;
	[tilespmem:$0xC080] =	vst v63  }
0x5a: {  	v3 =	vadd.s32 v1, v3  }
0x5b: {  	[tilespmem:s26], [sflag:$0x1] =	stream.indirect_vreg.gather [hbm4b:s4+s2], $0x80, v4, vm0, $0xb8;
	[tilespmem:$0xC080] =	vst v63  }
0x5c: {  	_ = 	snop  }
0x5d: {  	[tilespmem:s28], [sflag:$0x1] =	stream.indirect_vreg.gather [hbm4b:s5+s2], $0x80, v4, vm0, $0xb8;
	[tilespmem:$0xC080] =	vst v63  }
0x5e: {  	_ = 	snop  }
0x5f: {  	[tilespmem:s29], [sflag:$0x1] =	stream.indirect_vreg.gather [hbm4b:s3+s2], $0x80, v3, vm0, $0xb8;
	[tilespmem:$0xC080] =	vst v63  }
0x60: {  	_ = 	snop  }
0x61: {  	[tilespmem:s30], [sflag:$0x1] =	stream.indirect_vreg.gather [hbm4b:s4+s2], $0x80, v3, vm0, $0xb8;
	[tilespmem:$0xC080] =	vst v63  }
0x62: {  	_ = 	snop  }
0x63: {  	[tilespmem:s31], [sflag:$0x1] =	stream.indirect_vreg.gather [hbm4b:s5+s2], $0x80, v3, vm0, $0xb8;
	[tilespmem:$0xC080] =	vst v63  }
0x64: {  	_ =	swait.ge [sflag:s0], $0xC000  }
0x65: {  	p0 =	sne.s32 s6, $0x1;
	[sflag:s0] =	ssyncset.done $0x0  }
.Ltmp0:
0x66: {  	s1 =	rddreg [dreg:$0x4];
	[sflag:s0] =	ssyncadd.s32 $0xFFFF4000;
	(pc) =	sbr.rel @p0 .LBB2_1-.Ltmp0, $4  }
0x67: {  	[hbm4b:s1+s2] =	stream.linear.scatter [tilespmem:s8], [sflag:$0x2], $0xC000, $0x38;
	[tilespmem:$0xC080] =	vst v63  }
0x68: {  	_ =	swait.ge [sflag:s7], $0xC000  }
0x69: {  	[sflag:s7] =	ssyncset.done $0x0  }
0x6a: {  	s6 =	sadd.s32 $0xFFFFFFFF, s6;
	[sflag:s7] =	ssyncadd.s32 $0xFFFF4000  }
0x6b: {  	_ =	sfence.sel $0x180000  }
0x6c: {  	[bflag:$0x0] =	sbarrier.arrive $0xFFFF  }
0x6d: {  	_ =	strace $0x9000004A  }
0x6e: {  	s0 =	stileid.u32;
	[bflag:$0x2] =	sbarrier.arrive $0xFFFF  }
0x6f: {  	p0 =	sne.s32 s0, $0x0;
	s0 =	rddreg [dreg:$0x2]  }
0x70: {  	s0 =	sadd.s32 @!p0 $0x100000, s0  }
0x71: {  	[sflag:s0] =	ssyncadd.tile.s32 @!p0 $0x1;
	_ =	shalt  }
.Lfunc_end2:
_tile_overlayer_lowered:
.L_overlay_start_2:
0x72: {  	(tag) =	ssettag $0x2  }
0x73: {  	s0 =	rddreg [dreg:$0x0];
	s2 =	stileid.u32  }
0x74: {  	s1 =	rddreg [dreg:$0x1];
	p0 =	sne.s32 s2, $0x0  }
0x75: {  	s3 =	rddreg [dreg:$0x2];
	[bflag:$0x3] =	sbarrier.arrive $0xFFFF;
	s2 =	simm.s32 @!p0 $0x1C02  }
0x76: {  	[timem:s3], [sflag:s2] =	dma.local @!p0 [hbm:s0], s1  }
0x77: {  	s0 =	simm.s32 @!p0 $0x2  }
0x78: {  	_ =	swait.ge @!p0 [sflag:s0], s1  }
0x79: {  	s1 =	ssub.s32 @!p0 $0x0, s1;
	[sflag:s0] =	ssyncset.done @!p0 $0x0  }
0x7a: {  	[sflag:s0] =	ssyncadd.s32 @!p0 s1  }
0x7b: {  	[bflag:$0x3] =	sbarrier.arrive $0xFFFF  }
0x7c: {  	_ =	shalt  }

</sc_bundles>
